<compile_context>
chip_gen: v7x
topology: tpu7x:2x2x1
jax: 0.10.2.dev20260603
libtpu: 0.0.44.dev20260713+nightly
codegen_flags: <defaults>
</compile_context>

<pallas_src>
import functools
import jax
import jax.numpy as jnp
from jax import lax
from jax.experimental import pallas as pl
from jax.experimental.pallas import tpu as pltpu, tpu_sc as plsc

_NC, _NS = 2, 16
_NW = _NC * _NS
_L = 16
_CR = 32
_D = 1024
_TS = 512


def _sc_body(x_hbm, pe_hbm, out_hbm, pe_buf, xb0, xb1, l0, l1, s0, s1,
             *, sc_batch, seq):
    wid = lax.axis_index("s") * _NC + lax.axis_index("c")
    per0 = wid * (2 * _CR)
    xb = (xb0, xb1)
    lsem = (l0, l1)
    ssem = (s0, s1)
    pending_store = [None, None]

    def start_load(p, j):
        if pending_store[j] is not None:
            pending_store[j].wait()
            pending_store[j] = None
        return pltpu.async_copy(
            x_hbm.at[pl.ds(sc_batch * seq + per0 + p * _CR, _CR), :],
            xb[j], lsem[j])

    load = start_load(0, 0)
    for p in range(2):
        j = p % 2
        pltpu.sync_copy(pe_hbm.at[pl.ds(per0 + p * _CR, _CR), :], pe_buf)
        load.wait()
        if p + 1 < 2:
            load = start_load(p + 1, (p + 1) % 2)

        @plsc.parallel_loop(0, _CR, step=1, unroll=1)
        def _(r):
            for c in range(0, _D, _L):
                plsc.addupdate(xb[j].at[r, pl.ds(c, _L)],
                               pe_buf[r, pl.ds(c, _L)])

        pending_store[j] = pltpu.async_copy(
            xb[j], out_hbm.at[0, pl.ds(per0 + p * _CR, _CR), :], ssem[j])
    for j in range(2):
        if pending_store[j] is not None:
            pending_store[j].wait()


def _sc_add_last_batch(x2d, pe_table, sc_batch, seq):
    mesh = plsc.VectorSubcoreMesh(core_axis_name="c", subcore_axis_name="s",
                                  num_cores=_NC, num_subcores=_NS)
    return pl.kernel(
        functools.partial(_sc_body, sc_batch=sc_batch, seq=seq),
        out_type=jax.ShapeDtypeStruct((1, seq, _D), jnp.float32),
        mesh=mesh,
        scratch_types=[
            pltpu.VMEM((_CR, _D), jnp.float32),
            pltpu.VMEM((_CR, _D), jnp.float32),
            pltpu.VMEM((_CR, _D), jnp.float32),
            pltpu.SemaphoreType.DMA,
            pltpu.SemaphoreType.DMA,
            pltpu.SemaphoreType.DMA,
            pltpu.SemaphoreType.DMA,
        ],
        compiler_params=pltpu.CompilerParams(use_tc_tiling_on_sc=True),
    )(x2d, pe_table)


def _tc_body(x_ref, pe_ref, o_ref):
    o_ref[0] = x_ref[0] + pe_ref[...]


def _tc_add(x, pe_table):
    B, S, D = x.shape
    return pl.pallas_call(
        _tc_body,
        grid=(S // _TS, B - 1),
        in_specs=[
            pl.BlockSpec((1, _TS, D), lambda i, b: (b, i, 0)),
            pl.BlockSpec((_TS, D), lambda i, b: (i, 0)),
        ],
        out_specs=pl.BlockSpec((1, _TS, D), lambda i, b: (b, i, 0)),
        out_shape=jax.ShapeDtypeStruct((B, S, D), x.dtype),
    )(x, pe_table)


def _patch_body(full_ref, sc_ref, o_ref):
    o_ref[...] = sc_ref[...]


def _patch_last_batch(out_tc, out_sc):
    B, S, D = out_tc.shape
    return pl.pallas_call(
        _patch_body,
        grid=(S // _TS,),
        in_specs=[
            pl.BlockSpec(memory_space=pl.ANY),
            pl.BlockSpec((1, _TS, D), lambda i: (0, i, 0)),
        ],
        out_specs=pl.BlockSpec((1, _TS, D), lambda i: (B - 1, i, 0)),
        out_shape=jax.ShapeDtypeStruct((B, S, D), out_tc.dtype),
        input_output_aliases={0: 0},
    )(out_tc, out_sc)


def kernel(x, pe_table):
    B, S, D = x.shape
    out_sc = _sc_add_last_batch(x.reshape(B * S, D), pe_table, B - 1, S)
    out_tc = _tc_add(x, pe_table)
    return _patch_last_batch(out_tc, out_sc)

# --- scband reference (transcript-rebuilt; emitter-appended) ---
"""Pipeline reference for scband-learnable-positional-encoding-55929064129016 (READ-ONLY COPY).

The authoritative reference and input builder live on the scoring server;
editing this copy changes nothing except your own understanding.
"""

import jax, jax.numpy as jnp
import numpy as np

MAX_LEN = 2048
D_MODEL = 1024
BATCH = 4
SEQ_LEN = 2048

def setup_inputs(seed: int = 0) -> dict:
    key = jax.random.key(seed)
    k_x, k_pe = jax.random.split(key)
    x = jax.random.normal(k_x, (BATCH, SEQ_LEN, D_MODEL), dtype=jnp.float32)
    # learned positional embedding table (nn.Embedding weight), default init ~ N(0,1)
    pe_table = jax.random.normal(k_pe, (MAX_LEN, D_MODEL), dtype=jnp.float32)
    return {"x": x, "pe_table": pe_table}

def reference(x, pe_table):
    # pos_arange buffer: [1, max_len] repeated to [B, max_len]
    pos = jnp.arange(MAX_LEN, dtype=jnp.int64)
    pos = jnp.broadcast_to(pos[None, :], (x.shape[0], MAX_LEN))
    # embedding lookup: gather rows of pe_table
    pe = jnp.take(pe_table, pos, axis=0)  # [B, max_len, d_model]
    out = x + pe[:, : x.shape[1]]
    # dropout is identity in eval mode
    return out

if __name__ == "__main__":
    import jax
    _d = setup_inputs()
    print(jax.jit(kernel)(*tuple(_d.values())))

</pallas_src>

<mosaic_0001>
#map = affine_map<(d0, d1) -> (0, 0)>
#map1 = affine_map<(d0, d1) -> (0, 0, 0)>
module attributes {stable_mosaic.version = 14 : i64} {
  func.func @_sc_body(%arg0: i32, %arg1: i32, %arg2: memref<8192x1024xf32, #tpu.memory_space<hbm>>, %arg3: memref<2048x1024xf32, #tpu.memory_space<hbm>>, %arg4: memref<1x2048x1024xf32, #tpu.memory_space<hbm>>, %arg5: memref<32x1024xf32, #tpu.memory_space<vmem>>, %arg6: memref<32x1024xf32, #tpu.memory_space<vmem>>, %arg7: memref<32x1024xf32, #tpu.memory_space<vmem>>, %arg8: memref<!tpu.dma_semaphore, #tpu.memory_space<semaphore_mem>>, %arg9: memref<!tpu.dma_semaphore, #tpu.memory_space<semaphore_mem>>, %arg10: memref<!tpu.dma_semaphore, #tpu.memory_space<semaphore_mem>>, %arg11: memref<!tpu.dma_semaphore, #tpu.memory_space<semaphore_mem>>) attributes {dimension_semantics = [#tpu.dimension_semantics<core_parallel>, #tpu.dimension_semantics<subcore_parallel>], iteration_bounds = array<i64: 2, 16>, scalar_prefetch = 0 : i64, scratch_operands = 7 : i64, tpu.core_type = #tpu.core_type<sc_vector_subcore>, window_params = [{transform_indices = #map}, {transform_indices = #map}, {transform_indices = #map1}]} {
    %mul3A = arith.constant 2 : i32
    %mul3A_0 = arith.muli %arg1, %mul3A : i32
    %add3A = arith.addi %mul3A_0, %arg0 : i32
    %mul3A_1 = arith.constant 64 : i32
    %mul3A_2 = arith.muli %add3A, %mul3A_1 : i32
    %add3A_3 = arith.constant 6144 : i32
    %add3A_4 = arith.addi %add3A_3, %mul3A_2 : i32
    %add3A_5 = arith.constant 0 : i32
    %add3A_6 = arith.addi %add3A_4, %add3A_5 : i32
    %dma_start3A = arith.constant 0 : i32
    %dma_start3A_7 = tpu.memref_slice %arg2[%add3A_6, %dma_start3A] : memref<8192x1024xf32, #tpu.memory_space<hbm>> -> memref<32x1024xf32, #tpu.memory_space<hbm>>
    %dma_start3A_8 = arith.constant 0 : i32
    %dma_start3A_9 = tpu.memref_slice %arg2[%add3A_6, %dma_start3A_8] : memref<8192x1024xf32, #tpu.memory_space<hbm>> -> memref<32x1024xf32, #tpu.memory_space<hbm>>
    tpu.enqueue_dma source(%dma_start3A_9 : memref<32x1024xf32, #tpu.memory_space<hbm>>) target(%arg6 : memref<32x1024xf32, #tpu.memory_space<vmem>>) target_semaphore(%arg8 : memref<!tpu.dma_semaphore, #tpu.memory_space<semaphore_mem>>)
    %add3A_10 = arith.constant 0 : i32
    %add3A_11 = arith.addi %mul3A_2, %add3A_10 : i32
    "tpu.region"() ({
      %run_scoped3A = tpu.sem_alloc : memref<!tpu.dma_semaphore, #tpu.memory_space<semaphore_mem>>
      %dma_start3A_66 = arith.constant 0 : i32
      %dma_start3A_67 = tpu.memref_slice %arg3[%add3A_11, %dma_start3A_66] : memref<2048x1024xf32, #tpu.memory_space<hbm>> -> memref<32x1024xf32, #tpu.memory_space<hbm>>
      %dma_start3A_68 = arith.constant 0 : i32
      %dma_start3A_69 = tpu.memref_slice %arg3[%add3A_11, %dma_start3A_68] : memref<2048x1024xf32, #tpu.memory_space<hbm>> -> memref<32x1024xf32, #tpu.memory_space<hbm>>
      tpu.enqueue_dma source(%dma_start3A_69 : memref<32x1024xf32, #tpu.memory_space<hbm>>) target(%arg5 : memref<32x1024xf32, #tpu.memory_space<vmem>>) target_semaphore(%run_scoped3A : memref<!tpu.dma_semaphore, #tpu.memory_space<semaphore_mem>>)
      %dma_wait3A_70 = arith.constant 0 : i32
      %dma_wait3A_71 = tpu.memref_slice %arg3[%add3A_11, %dma_wait3A_70] : memref<2048x1024xf32, #tpu.memory_space<hbm>> -> memref<32x1024xf32, #tpu.memory_space<hbm>>
      %dma_wait3A_72 = arith.constant 0 : i32
      %dma_wait3A_73 = tpu.memref_slice %arg3[%add3A_11, %dma_wait3A_72] : memref<2048x1024xf32, #tpu.memory_space<hbm>> -> memref<32x1024xf32, #tpu.memory_space<hbm>>
      tpu.wait_dma2 semaphore(%run_scoped3A : memref<!tpu.dma_semaphore, #tpu.memory_space<semaphore_mem>>) src(%dma_wait3A_73 : memref<32x1024xf32, #tpu.memory_space<hbm>>) dst(%arg5 : memref<32x1024xf32, #tpu.memory_space<vmem>>)
      tpu.yield
    }) : () -> ()
    %dma_wait3A = arith.constant 0 : i32
    %dma_wait3A_12 = tpu.memref_slice %arg2[%add3A_6, %dma_wait3A] : memref<8192x1024xf32, #tpu.memory_space<hbm>> -> memref<32x1024xf32, #tpu.memory_space<hbm>>
    %dma_wait3A_13 = arith.constant 0 : i32
    %dma_wait3A_14 = tpu.memref_slice %arg2[%add3A_6, %dma_wait3A_13] : memref<8192x1024xf32, #tpu.memory_space<hbm>> -> memref<32x1024xf32, #tpu.memory_space<hbm>>
    tpu.wait_dma2 semaphore(%arg8 : memref<!tpu.dma_semaphore, #tpu.memory_space<semaphore_mem>>) src(%dma_wait3A_14 : memref<32x1024xf32, #tpu.memory_space<hbm>>) dst(%arg6 : memref<32x1024xf32, #tpu.memory_space<vmem>>)
    %add3A_15 = arith.constant 6144 : i32
    %add3A_16 = arith.addi %add3A_15, %mul3A_2 : i32
    %add3A_17 = arith.constant 32 : i32
    %add3A_18 = arith.addi %add3A_16, %add3A_17 : i32
    %dma_start3A_19 = arith.constant 0 : i32
    %dma_start3A_20 = tpu.memref_slice %arg2[%add3A_18, %dma_start3A_19] : memref<8192x1024xf32, #tpu.memory_space<hbm>> -> memref<32x1024xf32, #tpu.memory_space<hbm>>
    %dma_start3A_21 = arith.constant 0 : i32
    %dma_start3A_22 = tpu.memref_slice %arg2[%add3A_18, %dma_start3A_21] : memref<8192x1024xf32, #tpu.memory_space<hbm>> -> memref<32x1024xf32, #tpu.memory_space<hbm>>
    tpu.enqueue_dma source(%dma_start3A_22 : memref<32x1024xf32, #tpu.memory_space<hbm>>) target(%arg7 : memref<32x1024xf32, #tpu.memory_space<vmem>>) target_semaphore(%arg9 : memref<!tpu.dma_semaphore, #tpu.memory_space<semaphore_mem>>)
    %parallel_loop3A = arith.constant 0 : i32
    %parallel_loop3A_23 = arith.constant 32 : i32
    %parallel_loop3A_24 = arith.constant 1 : i32
    scf.for %parallel_loop3A_66 = %parallel_loop3A to %parallel_loop3A_23 step %parallel_loop3A_24  : i32 {
      %parallel_loop3A_67 = arith.index_cast %parallel_loop3A_66 : i32 to index
      %parallel_loop3A_68 = arith.constant 0 : index
      %parallel_loop3A_69 = tpu.vector_load %arg5[%parallel_loop3A_67, %parallel_loop3A_68] {strides = array<i32>} : memref<32x1024xf32, #tpu.memory_space<vmem>>, vector<1x16xf32>,
      %parallel_loop3A_70 = vector.shape_cast %parallel_loop3A_69 : vector<1x16xf32> to vector<16xf32>
      %parallel_loop3A_71 = arith.index_cast %parallel_loop3A_66 : i32 to index
      %parallel_loop3A_72 = arith.constant 0 : index
      %parallel_loop3A_73 = tpu.vector_load %arg6[%parallel_loop3A_71, %parallel_loop3A_72] {strides = array<i32>} : memref<32x1024xf32, #tpu.memory_space<vmem>>, vector<1x16xf32>,
      %parallel_loop3A_74 = vector.shape_cast %parallel_loop3A_73 : vector<1x16xf32> to vector<16xf32>
      %parallel_loop3A_75 = vector.shape_cast %parallel_loop3A_70 : vector<16xf32> to vector<1x16xf32>
      tpu.vector_store %arg6[%parallel_loop3A_71, %parallel_loop3A_72], %parallel_loop3A_75 {add = true, strides = array<i32>} : memref<32x1024xf32, #tpu.memory_space<vmem>>, vector<1x16xf32>,
      %parallel_loop3A_76 = arith.index_cast %parallel_loop3A_66 : i32 to index
      %parallel_loop3A_77 = arith.constant 16 : index
      %parallel_loop3A_78 = tpu.vector_load %arg5[%parallel_loop3A_76, %parallel_loop3A_77] {strides = array<i32>} : memref<32x1024xf32, #tpu.memory_space<vmem>>, vector<1x16xf32>,
      %parallel_loop3A_79 = vector.shape_cast %parallel_loop3A_78 : vector<1x16xf32> to vector<16xf32>
      %parallel_loop3A_80 = arith.index_cast %parallel_loop3A_66 : i32 to index
      %parallel_loop3A_81 = arith.constant 16 : index
      %parallel_loop3A_82 = tpu.vector_load %arg6[%parallel_loop3A_80, %parallel_loop3A_81] {strides = array<i32>} : memref<32x1024xf32, #tpu.memory_space<vmem>>, vector<1x16xf32>,
      %parallel_loop3A_83 = vector.shape_cast %parallel_loop3A_82 : vector<1x16xf32> to vector<16xf32>
      %parallel_loop3A_84 = vector.shape_cast %parallel_loop3A_79 : vector<16xf32> to vector<1x16xf32>
      tpu.vector_store %arg6[%parallel_loop3A_80, %parallel_loop3A_81], %parallel_loop3A_84 {add = true, strides = array<i32>} : memref<32x1024xf32, #tpu.memory_space<vmem>>, vector<1x16xf32>,
      %parallel_loop3A_85 = arith.index_cast %parallel_loop3A_66 : i32 to index
      %parallel_loop3A_86 = arith.constant 32 : index
      %parallel_loop3A_87 = tpu.vector_load %arg5[%parallel_loop3A_85, %parallel_loop3A_86] {strides = array<i32>} : memref<32x1024xf32, #tpu.memory_space<vmem>>, vector<1x16xf32>,
      %parallel_loop3A_88 = vector.shape_cast %parallel_loop3A_87 : vector<1x16xf32> to vector<16xf32>
      %parallel_loop3A_89 = arith.index_cast %parallel_loop3A_66 : i32 to index
      %parallel_loop3A_90 = arith.constant 32 : index
      %parallel_loop3A_91 = tpu.vector_load %arg6[%parallel_loop3A_89, %parallel_loop3A_90] {strides = array<i32>} : memref<32x1024xf32, #tpu.memory_space<vmem>>, vector<1x16xf32>,
      %parallel_loop3A_92 = vector.shape_cast %parallel_loop3A_91 : vector<1x16xf32> to vector<16xf32>
      %parallel_loop3A_93 = vector.shape_cast %parallel_loop3A_88 : vector<16xf32> to vector<1x16xf32>
      tpu.vector_store %arg6[%parallel_loop3A_89, %parallel_loop3A_90], %parallel_loop3A_93 {add = true, strides = array<i32>} : memref<32x1024xf32, #tpu.memory_space<vmem>>, vector<1x16xf32>,
      %parallel_loop3A_94 = arith.index_cast %parallel_loop3A_66 : i32 to index
      %parallel_loop3A_95 = arith.constant 48 : index
      %parallel_loop3A_96 = tpu.vector_load %arg5[%parallel_loop3A_94, %parallel_loop3A_95] {strides = array<i32>} : memref<32x1024xf32, #tpu.memory_space<vmem>>, vector<1x16xf32>,
      %parallel_loop3A_97 = vector.shape_cast %parallel_loop3A_96 : vector<1x16xf32> to vector<16xf32>
      %parallel_loop3A_98 = arith.index_cast %parallel_loop3A_66 : i32 to index
      %parallel_loop3A_99 = arith.constant 48 : index
      %parallel_loop3A_100 = tpu.vector_load %arg6[%parallel_loop3A_98, %parallel_loop3A_99] {strides = array<i32>} : memref<32x1024xf32, #tpu.memory_space<vmem>>, vector<1x16xf32>,
      %parallel_loop3A_101 = vector.shape_cast %parallel_loop3A_100 : vector<1x16xf32> to vector<16xf32>
      %parallel_loop3A_102 = vector.shape_cast %parallel_loop3A_97 : vector<16xf32> to vector<1x16xf32>
      tpu.vector_store %arg6[%parallel_loop3A_98, %parallel_loop3A_99], %parallel_loop3A_102 {add = true, strides = array<i32>} : memref<32x1024xf32, #tpu.memory_space<vmem>>, vector<1x16xf32>,
      %parallel_loop3A_103 = arith.index_cast %parallel_loop3A_66 : i32 to index
      %parallel_loop3A_104 = arith.constant 64 : index
      %parallel_loop3A_105 = tpu.vector_load %arg5[%parallel_loop3A_103, %parallel_loop3A_104] {strides = array<i32>} : memref<32x1024xf32, #tpu.memory_space<vmem>>, vector<1x16xf32>,
      %parallel_loop3A_106 = vector.shape_cast %parallel_loop3A_105 : vector<1x16xf32> to vector<16xf32>
      %parallel_loop3A_107 = arith.index_cast %parallel_loop3A_66 : i32 to index
      %parallel_loop3A_108 = arith.constant 64 : index
      %parallel_loop3A_109 = tpu.vector_load %arg6[%parallel_loop3A_107, %parallel_loop3A_108] {strides = array<i32>} : memref<32x1024xf32, #tpu.memory_space<vmem>>, vector<1x16xf32>,
      %parallel_loop3A_110 = vector.shape_cast %parallel_loop3A_109 : vector<1x16xf32> to vector<16xf32>
      %parallel_loop3A_111 = vector.shape_cast %parallel_loop3A_106 : vector<16xf32> to vector<1x16xf32>
      tpu.vector_store %arg6[%parallel_loop3A_107, %parallel_loop3A_108], %parallel_loop3A_111 {add = true, strides = array<i32>} : memref<32x1024xf32, #tpu.memory_space<vmem>>, vector<1x16xf32>,
      %parallel_loop3A_112 = arith.index_cast %parallel_loop3A_66 : i32 to index
      %parallel_loop3A_113 = arith.constant 80 : index
      %parallel_loop3A_114 = tpu.vector_load %arg5[%parallel_loop3A_112, %parallel_loop3A_113] {strides = array<i32>} : memref<32x1024xf32, #tpu.memory_space<vmem>>, vector<1x16xf32>,
      %parallel_loop3A_115 = vector.shape_cast %parallel_loop3A_114 : vector<1x16xf32> to vector<16xf32>
      %parallel_loop3A_116 = arith.index_cast %parallel_loop3A_66 : i32 to index
      %parallel_loop3A_117 = arith.constant 80 : index
      %parallel_loop3A_118 = tpu.vector_load %arg6[%parallel_loop3A_116, %parallel_loop3A_117] {strides = array<i32>} : memref<32x1024xf32, #tpu.memory_space<vmem>>, vector<1x16xf32>,
      %parallel_loop3A_119 = vector.shape_cast %parallel_loop3A_118 : vector<1x16xf32> to vector<16xf32>
      %parallel_loop3A_120 = vector.shape_cast %parallel_loop3A_115 : vector<16xf32> to vector<1x16xf32>
      tpu.vector_store %arg6[%parallel_loop3A_116, %parallel_loop3A_117], %parallel_loop3A_120 {add = true, strides = array<i32>} : memref<32x1024xf32, #tpu.memory_space<vmem>>, vector<1x16xf32>,
      %parallel_loop3A_121 = arith.index_cast %parallel_loop3A_66 : i32 to index
      %parallel_loop3A_122 = arith.constant 96 : index
      %parallel_loop3A_123 = tpu.vector_load %arg5[%parallel_loop3A_121, %parallel_loop3A_122] {strides = array<i32>} : memref<32x1024xf32, #tpu.memory_space<vmem>>, vector<1x16xf32>,
      %parallel_loop3A_124 = vector.shape_cast %parallel_loop3A_123 : vector<1x16xf32> to vector<16xf32>
      %parallel_loop3A_125 = arith.index_cast %parallel_loop3A_66 : i32 to index
      %parallel_loop3A_126 = arith.constant 96 : index
      %parallel_loop3A_127 = tpu.vector_load %arg6[%parallel_loop3A_125, %parallel_loop3A_126] {strides = array<i32>} : memref<32x1024xf32, #tpu.memory_space<vmem>>, vector<1x16xf32>,
      %parallel_loop3A_128 = vector.shape_cast %parallel_loop3A_127 : vector<1x16xf32> to vector<16xf32>
      %parallel_loop3A_129 = vector.shape_cast %parallel_loop3A_124 : vector<16xf32> to vector<1x16xf32>
      tpu.vector_store %arg6[%parallel_loop3A_125, %parallel_loop3A_126], %parallel_loop3A_129 {add = true, strides = array<i32>} : memref<32x1024xf32, #tpu.memory_space<vmem>>, vector<1x16xf32>,
      %parallel_loop3A_130 = arith.index_cast %parallel_loop3A_66 : i32 to index
      %parallel_loop3A_131 = arith.constant 112 : index
      %parallel_loop3A_132 = tpu.vector_load %arg5[%parallel_loop3A_130, %parallel_loop3A_131] {strides = array<i32>} : memref<32x1024xf32, #tpu.memory_space<vmem>>, vector<1x16xf32>,
      %parallel_loop3A_133 = vector.shape_cast %parallel_loop3A_132 : vector<1x16xf32> to vector<16xf32>
      %parallel_loop3A_134 = arith.index_cast %parallel_loop3A_66 : i32 to index
      %parallel_loop3A_135 = arith.constant 112 : index
      %parallel_loop3A_136 = tpu.vector_load %arg6[%parallel_loop3A_134, %parallel_loop3A_135] {strides = array<i32>} : memref<32x1024xf32, #tpu.memory_space<vmem>>, vector<1x16xf32>,
      %parallel_loop3A_137 = vector.shape_cast %parallel_loop3A_136 : vector<1x16xf32> to vector<16xf32>
      %parallel_loop3A_138 = vector.shape_cast %parallel_loop3A_133 : vector<16xf32> to vector<1x16xf32>
      tpu.vector_store %arg6[%parallel_loop3A_134, %parallel_loop3A_135], %parallel_loop3A_138 {add = true, strides = array<i32>} : memref<32x1024xf32, #tpu.memory_space<vmem>>, vector<1x16xf32>,
      %parallel_loop3A_139 = arith.index_cast %parallel_loop3A_66 : i32 to index
      %parallel_loop3A_140 = arith.constant 128 : index
      %parallel_loop3A_141 = tpu.vector_load %arg5[%parallel_loop3A_139, %parallel_loop3A_140] {strides = array<i32>} : memref<32x1024xf32, #tpu.memory_space<vmem>>, vector<1x16xf32>,
      %parallel_loop3A_142 = vector.shape_cast %parallel_loop3A_141 : vector<1x16xf32> to vector<16xf32>
      %parallel_loop3A_143 = arith.index_cast %parallel_loop3A_66 : i32 to index
      %parallel_loop3A_144 = arith.constant 128 : index
      %parallel_loop3A_145 = tpu.vector_load %arg6[%parallel_loop3A_143, %parallel_loop3A_144] {strides = array<i32>} : memref<32x1024xf32, #tpu.memory_space<vmem>>, vector<1x16xf32>,
      %parallel_loop3A_146 = vector.shape_cast %parallel_loop3A_145 : vector<1x16xf32> to vector<16xf32>
      %parallel_loop3A_147 = vector.shape_cast %parallel_loop3A_142 : vector<16xf32> to vector<1x16xf32>
      tpu.vector_store %arg6[%parallel_loop3A_143, %parallel_loop3A_144], %parallel_loop3A_147 {add = true, strides = array<i32>} : memref<32x1024xf32, #tpu.memory_space<vmem>>, vector<1x16xf32>,
      %parallel_loop3A_148 = arith.index_cast %parallel_loop3A_66 : i32 to index
      %parallel_loop3A_149 = arith.constant 144 : index
      %parallel_loop3A_150 = tpu.vector_load %arg5[%parallel_loop3A_148, %parallel_loop3A_149] {strides = array<i32>} : memref<32x1024xf32, #tpu.memory_space<vmem>>, vector<1x16xf32>,
      %parallel_loop3A_151 = vector.shape_cast %parallel_loop3A_150 : vector<1x16xf32> to vector<16xf32>
      %parallel_loop3A_152 = arith.index_cast %parallel_loop3A_66 : i32 to index
      %parallel_loop3A_153 = arith.constant 144 : index
      %parallel_loop3A_154 = tpu.vector_load %arg6[%parallel_loop3A_152, %parallel_loop3A_153] {strides = array<i32>} : memref<32x1024xf32, #tpu.memory_space<vmem>>, vector<1x16xf32>,
      %parallel_loop3A_155 = vector.shape_cast %parallel_loop3A_154 : vector<1x16xf32> to vector<16xf32>
      %parallel_loop3A_156 = vector.shape_cast %parallel_loop3A_151 : vector<16xf32> to vector<1x16xf32>
      tpu.vector_store %arg6[%parallel_loop3A_152, %parallel_loop3A_153], %parallel_loop3A_156 {add = true, strides = array<i32>} : memref<32x1024xf32, #tpu.memory_space<vmem>>, vector<1x16xf32>,
      %parallel_loop3A_157 = arith.index_cast %parallel_loop3A_66 : i32 to index
      %parallel_loop3A_158 = arith.constant 160 : index
      %parallel_loop3A_159 = tpu.vector_load %arg5[%parallel_loop3A_157, %parallel_loop3A_158] {strides = array<i32>} : memref<32x1024xf32, #tpu.memory_space<vmem>>, vector<1x16xf32>,
      %parallel_loop3A_160 = vector.shape_cast %parallel_loop3A_159 : vector<1x16xf32> to vector<16xf32>
      %parallel_loop3A_161 = arith.index_cast %parallel_loop3A_66 : i32 to index
      %parallel_loop3A_162 = arith.constant 160 : index
      %parallel_loop3A_163 = tpu.vector_load %arg6[%parallel_loop3A_161, %parallel_loop3A_162] {strides = array<i32>} : memref<32x1024xf32, #tpu.memory_space<vmem>>, vector<1x16xf32>,
      %parallel_loop3A_164 = vector.shape_cast %parallel_loop3A_163 : vector<1x16xf32> to vector<16xf32>
      %parallel_loop3A_165 = vector.shape_cast %parallel_loop3A_160 : vector<16xf32> to vector<1x16xf32>
      tpu.vector_store %arg6[%parallel_loop3A_161, %parallel_loop3A_162], %parallel_loop3A_165 {add = true, strides = array<i32>} : memref<32x1024xf32, #tpu.memory_space<vmem>>, vector<1x16xf32>,
      %parallel_loop3A_166 = arith.index_cast %parallel_loop3A_66 : i32 to index
      %parallel_loop3A_167 = arith.constant 176 : index
      %parallel_loop3A_168 = tpu.vector_load %arg5[%parallel_loop3A_166, %parallel_loop3A_167] {strides = array<i32>} : memref<32x1024xf32, #tpu.memory_space<vmem>>, vector<1x16xf32>,
      %parallel_loop3A_169 = vector.shape_cast %parallel_loop3A_168 : vector<1x16xf32> to vector<16xf32>
      %parallel_loop3A_170 = arith.index_cast %parallel_loop3A_66 : i32 to index
      %parallel_loop3A_171 = arith.constant 176 : index
      %parallel_loop3A_172 = tpu.vector_load %arg6[%parallel_loop3A_170, %parallel_loop3A_171] {strides = array<i32>} : memref<32x1024xf32, #tpu.memory_space<vmem>>, vector<1x16xf32>,
      %parallel_loop3A_173 = vector.shape_cast %parallel_loop3A_172 : vector<1x16xf32> to vector<16xf32>
      %parallel_loop3A_174 = vector.shape_cast %parallel_loop3A_169 : vector<16xf32> to vector<1x16xf32>
      tpu.vector_store %arg6[%parallel_loop3A_170, %parallel_loop3A_171], %parallel_loop3A_174 {add = true, strides = array<i32>} : memref<32x1024xf32, #tpu.memory_space<vmem>>, vector<1x16xf32>,
      %parallel_loop3A_175 = arith.index_cast %parallel_loop3A_66 : i32 to index
      %parallel_loop3A_176 = arith.constant 192 : index
      %parallel_loop3A_177 = tpu.vector_load %arg5[%parallel_loop3A_175, %parallel_loop3A_176] {strides = array<i32>} : memref<32x1024xf32, #tpu.memory_space<vmem>>, vector<1x16xf32>,
      %parallel_loop3A_178 = vector.shape_cast %parallel_loop3A_177 : vector<1x16xf32> to vector<16xf32>
      %parallel_loop3A_179 = arith.index_cast %parallel_loop3A_66 : i32 to index
      %parallel_loop3A_180 = arith.constant 192 : index
      %parallel_loop3A_181 = tpu.vector_load %arg6[%parallel_loop3A_179, %parallel_loop3A_180] {strides = array<i32>} : memref<32x1024xf32, #tpu.memory_space<vmem>>, vector<1x16xf32>,
      %parallel_loop3A_182 = vector.shape_cast %parallel_loop3A_181 : vector<1x16xf32> to vector<16xf32>
      %parallel_loop3A_183 = vector.shape_cast %parallel_loop3A_178 : vector<16xf32> to vector<1x16xf32>
      tpu.vector_store %arg6[%parallel_loop3A_179, %parallel_loop3A_180], %parallel_loop3A_183 {add = true, strides = array<i32>} : memref<32x1024xf32, #tpu.memory_space<vmem>>, vector<1x16xf32>,
      %parallel_loop3A_184 = arith.index_cast %parallel_loop3A_66 : i32 to index
      %parallel_loop3A_185 = arith.constant 208 : index
      %parallel_loop3A_186 = tpu.vector_load %arg5[%parallel_loop3A_184, %parallel_loop3A_185] {strides = array<i32>} : memref<32x1024xf32, #tpu.memory_space<vmem>>, vector<1x16xf32>,
      %parallel_loop3A_187 = vector.shape_cast %parallel_loop3A_186 : vector<1x16xf32> to vector<16xf32>
      %parallel_loop3A_188 = arith.index_cast %parallel_loop3A_66 : i32 to index
      %parallel_loop3A_189 = arith.constant 208 : index
      %parallel_loop3A_190 = tpu.vector_load %arg6[%parallel_loop3A_188, %parallel_loop3A_189] {strides = array<i32>} : memref<32x1024xf32, #tpu.memory_space<vmem>>, vector<1x16xf32>,
      %parallel_loop3A_191 = vector.shape_cast %parallel_loop3A_190 : vector<1x16xf32> to vector<16xf32>
      %parallel_loop3A_192 = vector.shape_cast %parallel_loop3A_187 : vector<16xf32> to vector<1x16xf32>
      tpu.vector_store %arg6[%parallel_loop3A_188, %parallel_loop3A_189], %parallel_loop3A_192 {add = true, strides = array<i32>} : memref<32x1024xf32, #tpu.memory_space<vmem>>, vector<1x16xf32>,
      %parallel_loop3A_193 = arith.index_cast %parallel_loop3A_66 : i32 to index
      %parallel_loop3A_194 = arith.constant 224 : index
      %parallel_loop3A_195 = tpu.vector_load %arg5[%parallel_loop3A_193, %parallel_loop3A_194] {strides = array<i32>} : memref<32x1024xf32, #tpu.memory_space<vmem>>, vector<1x16xf32>,
      %parallel_loop3A_196 = vector.shape_cast %parallel_loop3A_195 : vector<1x16xf32> to vector<16xf32>
      %parallel_loop3A_197 = arith.index_cast %parallel_loop3A_66 : i32 to index
      %parallel_loop3A_198 = arith.constant 224 : index
      %parallel_loop3A_199 = tpu.vector_load %arg6[%parallel_loop3A_197, %parallel_loop3A_198] {strides = array<i32>} : memref<32x1024xf32, #tpu.memory_space<vmem>>, vector<1x16xf32>,
      %parallel_loop3A_200 = vector.shape_cast %parallel_loop3A_199 : vector<1x16xf32> to vector<16xf32>
      %parallel_loop3A_201 = vector.shape_cast %parallel_loop3A_196 : vector<16xf32> to vector<1x16xf32>
      tpu.vector_store %arg6[%parallel_loop3A_197, %parallel_loop3A_198], %parallel_loop3A_201 {add = true, strides = array<i32>} : memref<32x1024xf32, #tpu.memory_space<vmem>>, vector<1x16xf32>,
      %parallel_loop3A_202 = arith.index_cast %parallel_loop3A_66 : i32 to index
      %parallel_loop3A_203 = arith.constant 240 : index
      %parallel_loop3A_204 = tpu.vector_load %arg5[%parallel_loop3A_202, %parallel_loop3A_203] {strides = array<i32>} : memref<32x1024xf32, #tpu.memory_space<vmem>>, vector<1x16xf32>,
      %parallel_loop3A_205 = vector.shape_cast %parallel_loop3A_204 : vector<1x16xf32> to vector<16xf32>
      %parallel_loop3A_206 = arith.index_cast %parallel_loop3A_66 : i32 to index
      %parallel_loop3A_207 = arith.constant 240 : index
      %parallel_loop3A_208 = tpu.vector_load %arg6[%parallel_loop3A_206, %parallel_loop3A_207] {strides = array<i32>} : memref<32x1024xf32, #tpu.memory_space<vmem>>, vector<1x16xf32>,
      %parallel_loop3A_209 = vector.shape_cast %parallel_loop3A_208 : vector<1x16xf32> to vector<16xf32>
      %parallel_loop3A_210 = vector.shape_cast %parallel_loop3A_205 : vector<16xf32> to vector<1x16xf32>
      tpu.vector_store %arg6[%parallel_loop3A_206, %parallel_loop3A_207], %parallel_loop3A_210 {add = true, strides = array<i32>} : memref<32x1024xf32, #tpu.memory_space<vmem>>, vector<1x16xf32>,
      %parallel_loop3A_211 = arith.index_cast %parallel_loop3A_66 : i32 to index
      %parallel_loop3A_212 = arith.constant 256 : index
      %parallel_loop3A_213 = tpu.vector_load %arg5[%parallel_loop3A_211, %parallel_loop3A_212] {strides = array<i32>} : memref<32x1024xf32, #tpu.memory_space<vmem>>, vector<1x16xf32>,
      %parallel_loop3A_214 = vector.shape_cast %parallel_loop3A_213 : vector<1x16xf32> to vector<16xf32>
      %parallel_loop3A_215 = arith.index_cast %parallel_loop3A_66 : i32 to index
      %parallel_loop3A_216 = arith.constant 256 : index
      %parallel_loop3A_217 = tpu.vector_load %arg6[%parallel_loop3A_215, %parallel_loop3A_216] {strides = array<i32>} : memref<32x1024xf32, #tpu.memory_space<vmem>>, vector<1x16xf32>,
      %parallel_loop3A_218 = vector.shape_cast %parallel_loop3A_217 : vector<1x16xf32> to vector<16xf32>
      %parallel_loop3A_219 = vector.shape_cast %parallel_loop3A_214 : vector<16xf32> to vector<1x16xf32>
      tpu.vector_store %arg6[%parallel_loop3A_215, %parallel_loop3A_216], %parallel_loop3A_219 {add = true, strides = array<i32>} : memref<32x1024xf32, #tpu.memory_space<vmem>>, vector<1x16xf32>,
      %parallel_loop3A_220 = arith.index_cast %parallel_loop3A_66 : i32 to index
      %parallel_loop3A_221 = arith.constant 272 : index
      %parallel_loop3A_222 = tpu.vector_load %arg5[%parallel_loop3A_220, %parallel_loop3A_221] {strides = array<i32>} : memref<32x1024xf32, #tpu.memory_space<vmem>>, vector<1x16xf32>,
      %parallel_loop3A_223 = vector.shape_cast %parallel_loop3A_222 : vector<1x16xf32> to vector<16xf32>
      %parallel_loop3A_224 = arith.index_cast %parallel_loop3A_66 : i32 to index
      %parallel_loop3A_225 = arith.constant 272 : index
      %parallel_loop3A_226 = tpu.vector_load %arg6[%parallel_loop3A_224, %parallel_loop3A_225] {strides = array<i32>} : memref<32x1024xf32, #tpu.memory_space<vmem>>, vector<1x16xf32>,
      %parallel_loop3A_227 = vector.shape_cast %parallel_loop3A_226 : vector<1x16xf32> to vector<16xf32>
      %parallel_loop3A_228 = vector.shape_cast %parallel_loop3A_223 : vector<16xf32> to vector<1x16xf32>
      tpu.vector_store %arg6[%parallel_loop3A_224, %parallel_loop3A_225], %parallel_loop3A_228 {add = true, strides = array<i32>} : memref<32x1024xf32, #tpu.memory_space<vmem>>, vector<1x16xf32>,
      %parallel_loop3A_229 = arith.index_cast %parallel_loop3A_66 : i32 to index
      %parallel_loop3A_230 = arith.constant 288 : index
      %parallel_loop3A_231 = tpu.vector_load %arg5[%parallel_loop3A_229, %parallel_loop3A_230] {strides = array<i32>} : memref<32x1024xf32, #tpu.memory_space<vmem>>, vector<1x16xf32>,
      %parallel_loop3A_232 = vector.shape_cast %parallel_loop3A_231 : vector<1x16xf32> to vector<16xf32>
      %parallel_loop3A_233 = arith.index_cast %parallel_loop3A_66 : i32 to index
      %parallel_loop3A_234 = arith.constant 288 : index
      %parallel_loop3A_235 = tpu.vector_load %arg6[%parallel_loop3A_233, %parallel_loop3A_234] {strides = array<i32>} : memref<32x1024xf32, #tpu.memory_space<vmem>>, vector<1x16xf32>,
      %parallel_loop3A_236 = vector.shape_cast %parallel_loop3A_235 : vector<1x16xf32> to vector<16xf32>
      %parallel_loop3A_237 = vector.shape_cast %parallel_loop3A_232 : vector<16xf32> to vector<1x16xf32>
      tpu.vector_store %arg6[%parallel_loop3A_233, %parallel_loop3A_234], %parallel_loop3A_237 {add = true, strides = array<i32>} : memref<32x1024xf32, #tpu.memory_space<vmem>>, vector<1x16xf32>,
      %parallel_loop3A_238 = arith.index_cast %parallel_loop3A_66 : i32 to index
      %parallel_loop3A_239 = arith.constant 304 : index
      %parallel_loop3A_240 = tpu.vector_load %arg5[%parallel_loop3A_238, %parallel_loop3A_239] {strides = array<i32>} : memref<32x1024xf32, #tpu.memory_space<vmem>>, vector<1x16xf32>,
      %parallel_loop3A_241 = vector.shape_cast %parallel_loop3A_240 : vector<1x16xf32> to vector<16xf32>
      %parallel_loop3A_242 = arith.index_cast %parallel_loop3A_66 : i32 to index
      %parallel_loop3A_243 = arith.constant 304 : index
      %parallel_loop3A_244 = tpu.vector_load %arg6[%parallel_loop3A_242, %parallel_loop3A_243] {strides = array<i32>} : memref<32x1024xf32, #tpu.memory_space<vmem>>, vector<1x16xf32>,
      %parallel_loop3A_245 = vector.shape_cast %parallel_loop3A_244 : vector<1x16xf32> to vector<16xf32>
      %parallel_loop3A_246 = vector.shape_cast %parallel_loop3A_241 : vector<16xf32> to vector<1x16xf32>
      tpu.vector_store %arg6[%parallel_loop3A_242, %parallel_loop3A_243], %parallel_loop3A_246 {add = true, strides = array<i32>} : memref<32x1024xf32, #tpu.memory_space<vmem>>, vector<1x16xf32>,
      %parallel_loop3A_247 = arith.index_cast %parallel_loop3A_66 : i32 to index
      %parallel_loop3A_248 = arith.constant 320 : index
      %parallel_loop3A_249 = tpu.vector_load %arg5[%parallel_loop3A_247, %parallel_loop3A_248] {strides = array<i32>} : memref<32x1024xf32, #tpu.memory_space<vmem>>, vector<1x16xf32>,
      %parallel_loop3A_250 = vector.shape_cast %parallel_loop3A_249 : vector<1x16xf32> to vector<16xf32>
      %parallel_loop3A_251 = arith.index_cast %parallel_loop3A_66 : i32 to index
      %parallel_loop3A_252 = arith.constant 320 : index
      %parallel_loop3A_253 = tpu.vector_load %arg6[%parallel_loop3A_251, %parallel_loop3A_252] {strides = array<i32>} : memref<32x1024xf32, #tpu.memory_space<vmem>>, vector<1x16xf32>,
      %parallel_loop3A_254 = vector.shape_cast %parallel_loop3A_253 : vector<1x16xf32> to vector<16xf32>
      %parallel_loop3A_255 = vector.shape_cast %parallel_loop3A_250 : vector<16xf32> to vector<1x16xf32>
      tpu.vector_store %arg6[%parallel_loop3A_251, %parallel_loop3A_252], %parallel_loop3A_255 {add = true, strides = array<i32>} : memref<32x1024xf32, #tpu.memory_space<vmem>>, vector<1x16xf32>,
      %parallel_loop3A_256 = arith.index_cast %parallel_loop3A_66 : i32 to index
      %parallel_loop3A_257 = arith.constant 336 : index
      %parallel_loop3A_258 = tpu.vector_load %arg5[%parallel_loop3A_256, %parallel_loop3A_257] {strides = array<i32>} : memref<32x1024xf32, #tpu.memory_space<vmem>>, vector<1x16xf32>,
      %parallel_loop3A_259 = vector.shape_cast %parallel_loop3A_258 : vector<1x16xf32> to vector<16xf32>
      %parallel_loop3A_260 = arith.index_cast %parallel_loop3A_66 : i32 to index
      %parallel_loop3A_261 = arith.constant 336 : index
      %parallel_loop3A_262 = tpu.vector_load %arg6[%parallel_loop3A_260, %parallel_loop3A_261] {strides = array<i32>} : memref<32x1024xf32, #tpu.memory_space<vmem>>, vector<1x16xf32>,
      %parallel_loop3A_263 = vector.shape_cast %parallel_loop3A_262 : vector<1x16xf32> to vector<16xf32>
      %parallel_loop3A_264 = vector.shape_cast %parallel_loop3A_259 : vector<16xf32> to vector<1x16xf32>
      tpu.vector_store %arg6[%parallel_loop3A_260, %parallel_loop3A_261], %parallel_loop3A_264 {add = true, strides = array<i32>} : memref<32x1024xf32, #tpu.memory_space<vmem>>, vector<1x16xf32>,
      %parallel_loop3A_265 = arith.index_cast %parallel_loop3A_66 : i32 to index
      %parallel_loop3A_266 = arith.constant 352 : index
      %parallel_loop3A_267 = tpu.vector_load %arg5[%parallel_loop3A_265, %parallel_loop3A_266] {strides = array<i32>} : memref<32x1024xf32, #tpu.memory_space<vmem>>, vector<1x16xf32>,
      %parallel_loop3A_268 = vector.shape_cast %parallel_loop3A_267 : vector<1x16xf32> to vector<16xf32>
      %parallel_loop3A_269 = arith.index_cast %parallel_loop3A_66 : i32 to index
      %parallel_loop3A_270 = arith.constant 352 : index
      %parallel_loop3A_271 = tpu.vector_load %arg6[%parallel_loop3A_269, %parallel_loop3A_270] {strides = array<i32>} : memref<32x1024xf32, #tpu.memory_space<vmem>>, vector<1x16xf32>,
      %parallel_loop3A_272 = vector.shape_cast %parallel_loop3A_271 : vector<1x16xf32> to vector<16xf32>
      %parallel_loop3A_273 = vector.shape_cast %parallel_loop3A_268 : vector<16xf32> to vector<1x16xf32>
      tpu.vector_store %arg6[%parallel_loop3A_269, %parallel_loop3A_270], %parallel_loop3A_273 {add = true, strides = array<i32>} : memref<32x1024xf32, #tpu.memory_space<vmem>>, vector<1x16xf32>,
      %parallel_loop3A_274 = arith.index_cast %parallel_loop3A_66 : i32 to index
      %parallel_loop3A_275 = arith.constant 368 : index
      %parallel_loop3A_276 = tpu.vector_load %arg5[%parallel_loop3A_274, %parallel_loop3A_275] {strides = array<i32>} : memref<32x1024xf32, #tpu.memory_space<vmem>>, vector<1x16xf32>,
      %parallel_loop3A_277 = vector.shape_cast %parallel_loop3A_276 : vector<1x16xf32> to vector<16xf32>
      %parallel_loop3A_278 = arith.index_cast %parallel_loop3A_66 : i32 to index
      %parallel_loop3A_279 = arith.constant 368 : index
      %parallel_loop3A_280 = tpu.vector_load %arg6[%parallel_loop3A_278, %parallel_loop3A_279] {strides = array<i32>} : memref<32x1024xf32, #tpu.memory_space<vmem>>, vector<1x16xf32>,
      %parallel_loop3A_281 = vector.shape_cast %parallel_loop3A_280 : vector<1x16xf32> to vector<16xf32>
      %parallel_loop3A_282 = vector.shape_cast %parallel_loop3A_277 : vector<16xf32> to vector<1x16xf32>
      tpu.vector_store %arg6[%parallel_loop3A_278, %parallel_loop3A_279], %parallel_loop3A_282 {add = true, strides = array<i32>} : memref<32x1024xf32, #tpu.memory_space<vmem>>, vector<1x16xf32>,
      %parallel_loop3A_283 = arith.index_cast %parallel_loop3A_66 : i32 to index
      %parallel_loop3A_284 = arith.constant 384 : index
      %parallel_loop3A_285 = tpu.vector_load %arg5[%parallel_loop3A_283, %parallel_loop3A_284] {strides = array<i32>} : memref<32x1024xf32, #tpu.memory_space<vmem>>, vector<1x16xf32>,
      %parallel_loop3A_286 = vector.shape_cast %parallel_loop3A_285 : vector<1x16xf32> to vector<16xf32>
      %parallel_loop3A_287 = arith.index_cast %parallel_loop3A_66 : i32 to index
      %parallel_loop3A_288 = arith.constant 384 : index
      %parallel_loop3A_289 = tpu.vector_load %arg6[%parallel_loop3A_287, %parallel_loop3A_288] {strides = array<i32>} : memref<32x1024xf32, #tpu.memory_space<vmem>>, vector<1x16xf32>,
      %parallel_loop3A_290 = vector.shape_cast %parallel_loop3A_289 : vector<1x16xf32> to vector<16xf32>
      %parallel_loop3A_291 = vector.shape_cast %parallel_loop3A_286 : vector<16xf32> to vector<1x16xf32>
      tpu.vector_store %arg6[%parallel_loop3A_287, %parallel_loop3A_288], %parallel_loop3A_291 {add = true, strides = array<i32>} : memref<32x1024xf32, #tpu.memory_space<vmem>>, vector<1x16xf32>,
      %parallel_loop3A_292 = arith.index_cast %parallel_loop3A_66 : i32 to index
      %parallel_loop3A_293 = arith.constant 400 : index
      %parallel_loop3A_294 = tpu.vector_load %arg5[%parallel_loop3A_292, %parallel_loop3A_293] {strides = array<i32>} : memref<32x1024xf32, #tpu.memory_space<vmem>>, vector<1x16xf32>,
      %parallel_loop3A_295 = vector.shape_cast %parallel_loop3A_294 : vector<1x16xf32> to vector<16xf32>
      %parallel_loop3A_296 = arith.index_cast %parallel_loop3A_66 : i32 to index
      %parallel_loop3A_297 = arith.constant 400 : index
      %parallel_loop3A_298 = tpu.vector_load %arg6[%parallel_loop3A_296, %parallel_loop3A_297] {strides = array<i32>} : memref<32x1024xf32, #tpu.memory_space<vmem>>, vector<1x16xf32>,
      %parallel_loop3A_299 = vector.shape_cast %parallel_loop3A_298 : vector<1x16xf32> to vector<16xf32>
      %parallel_loop3A_300 = vector.shape_cast %parallel_loop3A_295 : vector<16xf32> to vector<1x16xf32>
      tpu.vector_store %arg6[%parallel_loop3A_296, %parallel_loop3A_297], %parallel_loop3A_300 {add = true, strides = array<i32>} : memref<32x1024xf32, #tpu.memory_space<vmem>>, vector<1x16xf32>,
      %parallel_loop3A_301 = arith.index_cast %parallel_loop3A_66 : i32 to index
      %parallel_loop3A_302 = arith.constant 416 : index
      %parallel_loop3A_303 = tpu.vector_load %arg5[%parallel_loop3A_301, %parallel_loop3A_302] {strides = array<i32>} : memref<32x1024xf32, #tpu.memory_space<vmem>>, vector<1x16xf32>,
      %parallel_loop3A_304 = vector.shape_cast %parallel_loop3A_303 : vector<1x16xf32> to vector<16xf32>
      %parallel_loop3A_305 = arith.index_cast %parallel_loop3A_66 : i32 to index
      %parallel_loop3A_306 = arith.constant 416 : index
      %parallel_loop3A_307 = tpu.vector_load %arg6[%parallel_loop3A_305, %parallel_loop3A_306] {strides = array<i32>} : memref<32x1024xf32, #tpu.memory_space<vmem>>, vector<1x16xf32>,
      %parallel_loop3A_308 = vector.shape_cast %parallel_loop3A_307 : vector<1x16xf32> to vector<16xf32>
      %parallel_loop3A_309 = vector.shape_cast %parallel_loop3A_304 : vector<16xf32> to vector<1x16xf32>
      tpu.vector_store %arg6[%parallel_loop3A_305, %parallel_loop3A_306], %parallel_loop3A_309 {add = true, strides = array<i32>} : memref<32x1024xf32, #tpu.memory_space<vmem>>, vector<1x16xf32>,
      %parallel_loop3A_310 = arith.index_cast %parallel_loop3A_66 : i32 to index
      %parallel_loop3A_311 = arith.constant 432 : index
      %parallel_loop3A_312 = tpu.vector_load %arg5[%parallel_loop3A_310, %parallel_loop3A_311] {strides = array<i32>} : memref<32x1024xf32, #tpu.memory_space<vmem>>, vector<1x16xf32>,
      %parallel_loop3A_313 = vector.shape_cast %parallel_loop3A_312 : vector<1x16xf32> to vector<16xf32>
      %parallel_loop3A_314 = arith.index_cast %parallel_loop3A_66 : i32 to index
      %parallel_loop3A_315 = arith.constant 432 : index
      %parallel_loop3A_316 = tpu.vector_load %arg6[%parallel_loop3A_314, %parallel_loop3A_315] {strides = array<i32>} : memref<32x1024xf32, #tpu.memory_space<vmem>>, vector<1x16xf32>,
      %parallel_loop3A_317 = vector.shape_cast %parallel_loop3A_316 : vector<1x16xf32> to vector<16xf32>
      %parallel_loop3A_318 = vector.shape_cast %parallel_loop3A_313 : vector<16xf32> to vector<1x16xf32>
      tpu.vector_store %arg6[%parallel_loop3A_314, %parallel_loop3A_315], %parallel_loop3A_318 {add = true, strides = array<i32>} : memref<32x1024xf32, #tpu.memory_space<vmem>>, vector<1x16xf32>,
      %parallel_loop3A_319 = arith.index_cast %parallel_loop3A_66 : i32 to index
      %parallel_loop3A_320 = arith.constant 448 : index
      %parallel_loop3A_321 = tpu.vector_load %arg5[%parallel_loop3A_319, %parallel_loop3A_320] {strides = array<i32>} : memref<32x1024xf32, #tpu.memory_space<vmem>>, vector<1x16xf32>,
      %parallel_loop3A_322 = vector.shape_cast %parallel_loop3A_321 : vector<1x16xf32> to vector<16xf32>
      %parallel_loop3A_323 = arith.index_cast %parallel_loop3A_66 : i32 to index
      %parallel_loop3A_324 = arith.constant 448 : index
      %parallel_loop3A_325 = tpu.vector_load %arg6[%parallel_loop3A_323, %parallel_loop3A_324] {strides = array<i32>} : memref<32x1024xf32, #tpu.memory_space<vmem>>, vector<1x16xf32>,
      %parallel_loop3A_326 = vector.shape_cast %parallel_loop3A_325 : vector<1x16xf32> to vector<16xf32>
      %parallel_loop3A_327 = vector.shape_cast %parallel_loop3A_322 : vector<16xf32> to vector<1x16xf32>
      tpu.vector_store %arg6[%parallel_loop3A_323, %parallel_loop3A_324], %parallel_loop3A_327 {add = true, strides = array<i32>} : memref<32x1024xf32, #tpu.memory_space<vmem>>, vector<1x16xf32>,
      %parallel_loop3A_328 = arith.index_cast %parallel_loop3A_66 : i32 to index
      %parallel_loop3A_329 = arith.constant 464 : index
      %parallel_loop3A_330 = tpu.vector_load %arg5[%parallel_loop3A_328, %parallel_loop3A_329] {strides = array<i32>} : memref<32x1024xf32, #tpu.memory_space<vmem>>, vector<1x16xf32>,
      %parallel_loop3A_331 = vector.shape_cast %parallel_loop3A_330 : vector<1x16xf32> to vector<16xf32>
      %parallel_loop3A_332 = arith.index_cast %parallel_loop3A_66 : i32 to index
      %parallel_loop3A_333 = arith.constant 464 : index
      %parallel_loop3A_334 = tpu.vector_load %arg6[%parallel_loop3A_332, %parallel_loop3A_333] {strides = array<i32>} : memref<32x1024xf32, #tpu.memory_space<vmem>>, vector<1x16xf32>,
      %parallel_loop3A_335 = vector.shape_cast %parallel_loop3A_334 : vector<1x16xf32> to vector<16xf32>
      %parallel_loop3A_336 = vector.shape_cast %parallel_loop3A_331 : vector<16xf32> to vector<1x16xf32>
      tpu.vector_store %arg6[%parallel_loop3A_332, %parallel_loop3A_333], %parallel_loop3A_336 {add = true, strides = array<i32>} : memref<32x1024xf32, #tpu.memory_space<vmem>>, vector<1x16xf32>,
      %parallel_loop3A_337 = arith.index_cast %parallel_loop3A_66 : i32 to index
      %parallel_loop3A_338 = arith.constant 480 : index
      %parallel_loop3A_339 = tpu.vector_load %arg5[%parallel_loop3A_337, %parallel_loop3A_338] {strides = array<i32>} : memref<32x1024xf32, #tpu.memory_space<vmem>>, vector<1x16xf32>,
      %parallel_loop3A_340 = vector.shape_cast %parallel_loop3A_339 : vector<1x16xf32> to vector<16xf32>
      %parallel_loop3A_341 = arith.index_cast %parallel_loop3A_66 : i32 to index
      %parallel_loop3A_342 = arith.constant 480 : index
      %parallel_loop3A_343 = tpu.vector_load %arg6[%parallel_loop3A_341, %parallel_loop3A_342] {strides = array<i32>} : memref<32x1024xf32, #tpu.memory_space<vmem>>, vector<1x16xf32>,
      %parallel_loop3A_344 = vector.shape_cast %parallel_loop3A_343 : vector<1x16xf32> to vector<16xf32>
      %parallel_loop3A_345 = vector.shape_cast %parallel_loop3A_340 : vector<16xf32> to vector<1x16xf32>
      tpu.vector_store %arg6[%parallel_loop3A_341, %parallel_loop3A_342], %parallel_loop3A_345 {add = true, strides = array<i32>} : memref<32x1024xf32, #tpu.memory_space<vmem>>, vector<1x16xf32>,
      %parallel_loop3A_346 = arith.index_cast %parallel_loop3A_66 : i32 to index
      %parallel_loop3A_347 = arith.constant 496 : index
      %parallel_loop3A_348 = tpu.vector_load %arg5[%parallel_loop3A_346, %parallel_loop3A_347] {strides = array<i32>} : memref<32x1024xf32, #tpu.memory_space<vmem>>, vector<1x16xf32>,
      %parallel_loop3A_349 = vector.shape_cast %parallel_loop3A_348 : vector<1x16xf32> to vector<16xf32>
      %parallel_loop3A_350 = arith.index_cast %parallel_loop3A_66 : i32 to index
      %parallel_loop3A_351 = arith.constant 496 : index
      %parallel_loop3A_352 = tpu.vector_load %arg6[%parallel_loop3A_350, %parallel_loop3A_351] {strides = array<i32>} : memref<32x1024xf32, #tpu.memory_space<vmem>>, vector<1x16xf32>,
      %parallel_loop3A_353 = vector.shape_cast %parallel_loop3A_352 : vector<1x16xf32> to vector<16xf32>
      %parallel_loop3A_354 = vector.shape_cast %parallel_loop3A_349 : vector<16xf32> to vector<1x16xf32>
      tpu.vector_store %arg6[%parallel_loop3A_350, %parallel_loop3A_351], %parallel_loop3A_354 {add = true, strides = array<i32>} : memref<32x1024xf32, #tpu.memory_space<vmem>>, vector<1x16xf32>,
      %parallel_loop3A_355 = arith.index_cast %parallel_loop3A_66 : i32 to index
      %parallel_loop3A_356 = arith.constant 512 : index
      %parallel_loop3A_357 = tpu.vector_load %arg5[%parallel_loop3A_355, %parallel_loop3A_356] {strides = array<i32>} : memref<32x1024xf32, #tpu.memory_space<vmem>>, vector<1x16xf32>,
      %parallel_loop3A_358 = vector.shape_cast %parallel_loop3A_357 : vector<1x16xf32> to vector<16xf32>
      %parallel_loop3A_359 = arith.index_cast %parallel_loop3A_66 : i32 to index
      %parallel_loop3A_360 = arith.constant 512 : index
      %parallel_loop3A_361 = tpu.vector_load %arg6[%parallel_loop3A_359, %parallel_loop3A_360] {strides = array<i32>} : memref<32x1024xf32, #tpu.memory_space<vmem>>, vector<1x16xf32>,
      %parallel_loop3A_362 = vector.shape_cast %parallel_loop3A_361 : vector<1x16xf32> to vector<16xf32>
      %parallel_loop3A_363 = vector.shape_cast %parallel_loop3A_358 : vector<16xf32> to vector<1x16xf32>
      tpu.vector_store %arg6[%parallel_loop3A_359, %parallel_loop3A_360], %parallel_loop3A_363 {add = true, strides = array<i32>} : memref<32x1024xf32, #tpu.memory_space<vmem>>, vector<1x16xf32>,
      %parallel_loop3A_364 = arith.index_cast %parallel_loop3A_66 : i32 to index
      %parallel_loop3A_365 = arith.constant 528 : index
      %parallel_loop3A_366 = tpu.vector_load %arg5[%parallel_loop3A_364, %parallel_loop3A_365] {strides = array<i32>} : memref<32x1024xf32, #tpu.memory_space<vmem>>, vector<1x16xf32>,
      %parallel_loop3A_367 = vector.shape_cast %parallel_loop3A_366 : vector<1x16xf32> to vector<16xf32>
      %parallel_loop3A_368 = arith.index_cast %parallel_loop3A_66 : i32 to index
      %parallel_loop3A_369 = arith.constant 528 : index
      %parallel_loop3A_370 = tpu.vector_load %arg6[%parallel_loop3A_368, %parallel_loop3A_369] {strides = array<i32>} : memref<32x1024xf32, #tpu.memory_space<vmem>>, vector<1x16xf32>,
      %parallel_loop3A_371 = vector.shape_cast %parallel_loop3A_370 : vector<1x16xf32> to vector<16xf32>
      %parallel_loop3A_372 = vector.shape_cast %parallel_loop3A_367 : vector<16xf32> to vector<1x16xf32>
      tpu.vector_store %arg6[%parallel_loop3A_368, %parallel_loop3A_369], %parallel_loop3A_372 {add = true, strides = array<i32>} : memref<32x1024xf32, #tpu.memory_space<vmem>>, vector<1x16xf32>,
      %parallel_loop3A_373 = arith.index_cast %parallel_loop3A_66 : i32 to index
      %parallel_loop3A_374 = arith.constant 544 : index
      %parallel_loop3A_375 = tpu.vector_load %arg5[%parallel_loop3A_373, %parallel_loop3A_374] {strides = array<i32>} : memref<32x1024xf32, #tpu.memory_space<vmem>>, vector<1x16xf32>,
      %parallel_loop3A_376 = vector.shape_cast %parallel_loop3A_375 : vector<1x16xf32> to vector<16xf32>
      %parallel_loop3A_377 = arith.index_cast %parallel_loop3A_66 : i32 to index
      %parallel_loop3A_378 = arith.constant 544 : index
      %parallel_loop3A_379 = tpu.vector_load %arg6[%parallel_loop3A_377, %parallel_loop3A_378] {strides = array<i32>} : memref<32x1024xf32, #tpu.memory_space<vmem>>, vector<1x16xf32>,
      %parallel_loop3A_380 = vector.shape_cast %parallel_loop3A_379 : vector<1x16xf32> to vector<16xf32>
      %parallel_loop3A_381 = vector.shape_cast %parallel_loop3A_376 : vector<16xf32> to vector<1x16xf32>
      tpu.vector_store %arg6[%parallel_loop3A_377, %parallel_loop3A_378], %parallel_loop3A_381 {add = true, strides = array<i32>} : memref<32x1024xf32, #tpu.memory_space<vmem>>, vector<1x16xf32>,
      %parallel_loop3A_382 = arith.index_cast %parallel_loop3A_66 : i32 to index
      %parallel_loop3A_383 = arith.constant 560 : index
      %parallel_loop3A_384 = tpu.vector_load %arg5[%parallel_loop3A_382, %parallel_loop3A_383] {strides = array<i32>} : memref<32x1024xf32, #tpu.memory_space<vmem>>, vector<1x16xf32>,
      %parallel_loop3A_385 = vector.shape_cast %parallel_loop3A_384 : vector<1x16xf32> to vector<16xf32>
      %parallel_loop3A_386 = arith.index_cast %parallel_loop3A_66 : i32 to index
      %parallel_loop3A_387 = arith.constant 560 : index
      %parallel_loop3A_388 = tpu.vector_load %arg6[%parallel_loop3A_386, %parallel_loop3A_387] {strides = array<i32>} : memref<32x1024xf32, #tpu.memory_space<vmem>>, vector<1x16xf32>,
      %parallel_loop3A_389 = vector.shape_cast %parallel_loop3A_388 : vector<1x16xf32> to vector<16xf32>
      %parallel_loop3A_390 = vector.shape_cast %parallel_loop3A_385 : vector<16xf32> to vector<1x16xf32>
      tpu.vector_store %arg6[%parallel_loop3A_386, %parallel_loop3A_387], %parallel_loop3A_390 {add = true, strides = array<i32>} : memref<32x1024xf32, #tpu.memory_space<vmem>>, vector<1x16xf32>,
      %parallel_loop3A_391 = arith.index_cast %parallel_loop3A_66 : i32 to index
      %parallel_loop3A_392 = arith.constant 576 : index
      %parallel_loop3A_393 = tpu.vector_load %arg5[%parallel_loop3A_391, %parallel_loop3A_392] {strides = array<i32>} : memref<32x1024xf32, #tpu.memory_space<vmem>>, vector<1x16xf32>,
      %parallel_loop3A_394 = vector.shape_cast %parallel_loop3A_393 : vector<1x16xf32> to vector<16xf32>
      %parallel_loop3A_395 = arith.index_cast %parallel_loop3A_66 : i32 to index
      %parallel_loop3A_396 = arith.constant 576 : index
      %parallel_loop3A_397 = tpu.vector_load %arg6[%parallel_loop3A_395, %parallel_loop3A_396] {strides = array<i32>} : memref<32x1024xf32, #tpu.memory_space<vmem>>, vector<1x16xf32>,
      %parallel_loop3A_398 = vector.shape_cast %parallel_loop3A_397 : vector<1x16xf32> to vector<16xf32>
      %parallel_loop3A_399 = vector.shape_cast %parallel_loop3A_394 : vector<16xf32> to vector<1x16xf32>
      tpu.vector_store %arg6[%parallel_loop3A_395, %parallel_loop3A_396], %parallel_loop3A_399 {add = true, strides = array<i32>} : memref<32x1024xf32, #tpu.memory_space<vmem>>, vector<1x16xf32>,
      %parallel_loop3A_400 = arith.index_cast %parallel_loop3A_66 : i32 to index
      %parallel_loop3A_401 = arith.constant 592 : index
      %parallel_loop3A_402 = tpu.vector_load %arg5[%parallel_loop3A_400, %parallel_loop3A_401] {strides = array<i32>} : memref<32x1024xf32, #tpu.memory_space<vmem>>, vector<1x16xf32>,
      %parallel_loop3A_403 = vector.shape_cast %parallel_loop3A_402 : vector<1x16xf32> to vector<16xf32>
      %parallel_loop3A_404 = arith.index_cast %parallel_loop3A_66 : i32 to index
      %parallel_loop3A_405 = arith.constant 592 : index
      %parallel_loop3A_406 = tpu.vector_load %arg6[%parallel_loop3A_404, %parallel_loop3A_405] {strides = array<i32>} : memref<32x1024xf32, #tpu.memory_space<vmem>>, vector<1x16xf32>,
      %parallel_loop3A_407 = vector.shape_cast %parallel_loop3A_406 : vector<1x16xf32> to vector<16xf32>
      %parallel_loop3A_408 = vector.shape_cast %parallel_loop3A_403 : vector<16xf32> to vector<1x16xf32>
      tpu.vector_store %arg6[%parallel_loop3A_404, %parallel_loop3A_405], %parallel_loop3A_408 {add = true, strides = array<i32>} : memref<32x1024xf32, #tpu.memory_space<vmem>>, vector<1x16xf32>,
      %parallel_loop3A_409 = arith.index_cast %parallel_loop3A_66 : i32 to index
      %parallel_loop3A_410 = arith.constant 608 : index
      %parallel_loop3A_411 = tpu.vector_load %arg5[%parallel_loop3A_409, %parallel_loop3A_410] {strides = array<i32>} : memref<32x1024xf32, #tpu.memory_space<vmem>>, vector<1x16xf32>,
      %parallel_loop3A_412 = vector.shape_cast %parallel_loop3A_411 : vector<1x16xf32> to vector<16xf32>
      %parallel_loop3A_413 = arith.index_cast %parallel_loop3A_66 : i32 to index
      %parallel_loop3A_414 = arith.constant 608 : index
      %parallel_loop3A_415 = tpu.vector_load %arg6[%parallel_loop3A_413, %parallel_loop3A_414] {strides = array<i32>} : memref<32x1024xf32, #tpu.memory_space<vmem>>, vector<1x16xf32>,
      %parallel_loop3A_416 = vector.shape_cast %parallel_loop3A_415 : vector<1x16xf32> to vector<16xf32>
      %parallel_loop3A_417 = vector.shape_cast %parallel_loop3A_412 : vector<16xf32> to vector<1x16xf32>
      tpu.vector_store %arg6[%parallel_loop3A_413, %parallel_loop3A_414], %parallel_loop3A_417 {add = true, strides = array<i32>} : memref<32x1024xf32, #tpu.memory_space<vmem>>, vector<1x16xf32>,
      %parallel_loop3A_418 = arith.index_cast %parallel_loop3A_66 : i32 to index
      %parallel_loop3A_419 = arith.constant 624 : index
      %parallel_loop3A_420 = tpu.vector_load %arg5[%parallel_loop3A_418, %parallel_loop3A_419] {strides = array<i32>} : memref<32x1024xf32, #tpu.memory_space<vmem>>, vector<1x16xf32>,
      %parallel_loop3A_421 = vector.shape_cast %parallel_loop3A_420 : vector<1x16xf32> to vector<16xf32>
      %parallel_loop3A_422 = arith.index_cast %parallel_loop3A_66 : i32 to index
      %parallel_loop3A_423 = arith.constant 624 : index
      %parallel_loop3A_424 = tpu.vector_load %arg6[%parallel_loop3A_422, %parallel_loop3A_423] {strides = array<i32>} : memref<32x1024xf32, #tpu.memory_space<vmem>>, vector<1x16xf32>,
      %parallel_loop3A_425 = vector.shape_cast %parallel_loop3A_424 : vector<1x16xf32> to vector<16xf32>
      %parallel_loop3A_426 = vector.shape_cast %parallel_loop3A_421 : vector<16xf32> to vector<1x16xf32>
      tpu.vector_store %arg6[%parallel_loop3A_422, %parallel_loop3A_423], %parallel_loop3A_426 {add = true, strides = array<i32>} : memref<32x1024xf32, #tpu.memory_space<vmem>>, vector<1x16xf32>,
      %parallel_loop3A_427 = arith.index_cast %parallel_loop3A_66 : i32 to index
      %parallel_loop3A_428 = arith.constant 640 : index
      %parallel_loop3A_429 = tpu.vector_load %arg5[%parallel_loop3A_427, %parallel_loop3A_428] {strides = array<i32>} : memref<32x1024xf32, #tpu.memory_space<vmem>>, vector<1x16xf32>,
      %parallel_loop3A_430 = vector.shape_cast %parallel_loop3A_429 : vector<1x16xf32> to vector<16xf32>
      %parallel_loop3A_431 = arith.index_cast %parallel_loop3A_66 : i32 to index
      %parallel_loop3A_432 = arith.constant 640 : index
      %parallel_loop3A_433 = tpu.vector_load %arg6[%parallel_loop3A_431, %parallel_loop3A_432] {strides = array<i32>} : memref<32x1024xf32, #tpu.memory_space<vmem>>, vector<1x16xf32>,
      %parallel_loop3A_434 = vector.shape_cast %parallel_loop3A_433 : vector<1x16xf32> to vector<16xf32>
      %parallel_loop3A_435 = vector.shape_cast %parallel_loop3A_430 : vector<16xf32> to vector<1x16xf32>
      tpu.vector_store %arg6[%parallel_loop3A_431, %parallel_loop3A_432], %parallel_loop3A_435 {add = true, strides = array<i32>} : memref<32x1024xf32, #tpu.memory_space<vmem>>, vector<1x16xf32>,
      %parallel_loop3A_436 = arith.index_cast %parallel_loop3A_66 : i32 to index
      %parallel_loop3A_437 = arith.constant 656 : index
      %parallel_loop3A_438 = tpu.vector_load %arg5[%parallel_loop3A_436, %parallel_loop3A_437] {strides = array<i32>} : memref<32x1024xf32, #tpu.memory_space<vmem>>, vector<1x16xf32>,
      %parallel_loop3A_439 = vector.shape_cast %parallel_loop3A_438 : vector<1x16xf32> to vector<16xf32>
      %parallel_loop3A_440 = arith.index_cast %parallel_loop3A_66 : i32 to index
      %parallel_loop3A_441 = arith.constant 656 : index
      %parallel_loop3A_442 = tpu.vector_load %arg6[%parallel_loop3A_440, %parallel_loop3A_441] {strides = array<i32>} : memref<32x1024xf32, #tpu.memory_space<vmem>>, vector<1x16xf32>,
      %parallel_loop3A_443 = vector.shape_cast %parallel_loop3A_442 : vector<1x16xf32> to vector<16xf32>
      %parallel_loop3A_444 = vector.shape_cast %parallel_loop3A_439 : vector<16xf32> to vector<1x16xf32>
      tpu.vector_store %arg6[%parallel_loop3A_440, %parallel_loop3A_441], %parallel_loop3A_444 {add = true, strides = array<i32>} : memref<32x1024xf32, #tpu.memory_space<vmem>>, vector<1x16xf32>,
      %parallel_loop3A_445 = arith.index_cast %parallel_loop3A_66 : i32 to index
      %parallel_loop3A_446 = arith.constant 672 : index
      %parallel_loop3A_447 = tpu.vector_load %arg5[%parallel_loop3A_445, %parallel_loop3A_446] {strides = array<i32>} : memref<32x1024xf32, #tpu.memory_space<vmem>>, vector<1x16xf32>,
      %parallel_loop3A_448 = vector.shape_cast %parallel_loop3A_447 : vector<1x16xf32> to vector<16xf32>
      %parallel_loop3A_449 = arith.index_cast %parallel_loop3A_66 : i32 to index
      %parallel_loop3A_450 = arith.constant 672 : index
      %parallel_loop3A_451 = tpu.vector_load %arg6[%parallel_loop3A_449, %parallel_loop3A_450] {strides = array<i32>} : memref<32x1024xf32, #tpu.memory_space<vmem>>, vector<1x16xf32>,
      %parallel_loop3A_452 = vector.shape_cast %parallel_loop3A_451 : vector<1x16xf32> to vector<16xf32>
      %parallel_loop3A_453 = vector.shape_cast %parallel_loop3A_448 : vector<16xf32> to vector<1x16xf32>
      tpu.vector_store %arg6[%parallel_loop3A_449, %parallel_loop3A_450], %parallel_loop3A_453 {add = true, strides = array<i32>} : memref<32x1024xf32, #tpu.memory_space<vmem>>, vector<1x16xf32>,
      %parallel_loop3A_454 = arith.index_cast %parallel_loop3A_66 : i32 to index
      %parallel_loop3A_455 = arith.constant 688 : index
      %parallel_loop3A_456 = tpu.vector_load %arg5[%parallel_loop3A_454, %parallel_loop3A_455] {strides = array<i32>} : memref<32x1024xf32, #tpu.memory_space<vmem>>, vector<1x16xf32>,
      %parallel_loop3A_457 = vector.shape_cast %parallel_loop3A_456 : vector<1x16xf32> to vector<16xf32>
      %parallel_loop3A_458 = arith.index_cast %parallel_loop3A_66 : i32 to index
      %parallel_loop3A_459 = arith.constant 688 : index
      %parallel_loop3A_460 = tpu.vector_load %arg6[%parallel_loop3A_458, %parallel_loop3A_459] {strides = array<i32>} : memref<32x1024xf32, #tpu.memory_space<vmem>>, vector<1x16xf32>,
      %parallel_loop3A_461 = vector.shape_cast %parallel_loop3A_460 : vector<1x16xf32> to vector<16xf32>
      %parallel_loop3A_462 = vector.shape_cast %parallel_loop3A_457 : vector<16xf32> to vector<1x16xf32>
      tpu.vector_store %arg6[%parallel_loop3A_458, %parallel_loop3A_459], %parallel_loop3A_462 {add = true, strides = array<i32>} : memref<32x1024xf32, #tpu.memory_space<vmem>>, vector<1x16xf32>,
      %parallel_loop3A_463 = arith.index_cast %parallel_loop3A_66 : i32 to index
      %parallel_loop3A_464 = arith.constant 704 : index
      %parallel_loop3A_465 = tpu.vector_load %arg5[%parallel_loop3A_463, %parallel_loop3A_464] {strides = array<i32>} : memref<32x1024xf32, #tpu.memory_space<vmem>>, vector<1x16xf32>,
      %parallel_loop3A_466 = vector.shape_cast %parallel_loop3A_465 : vector<1x16xf32> to vector<16xf32>
      %parallel_loop3A_467 = arith.index_cast %parallel_loop3A_66 : i32 to index
      %parallel_loop3A_468 = arith.constant 704 : index
      %parallel_loop3A_469 = tpu.vector_load %arg6[%parallel_loop3A_467, %parallel_loop3A_468] {strides = array<i32>} : memref<32x1024xf32, #tpu.memory_space<vmem>>, vector<1x16xf32>,
      %parallel_loop3A_470 = vector.shape_cast %parallel_loop3A_469 : vector<1x16xf32> to vector<16xf32>
      %parallel_loop3A_471 = vector.shape_cast %parallel_loop3A_466 : vector<16xf32> to vector<1x16xf32>
      tpu.vector_store %arg6[%parallel_loop3A_467, %parallel_loop3A_468], %parallel_loop3A_471 {add = true, strides = array<i32>} : memref<32x1024xf32, #tpu.memory_space<vmem>>, vector<1x16xf32>,
      %parallel_loop3A_472 = arith.index_cast %parallel_loop3A_66 : i32 to index
      %parallel_loop3A_473 = arith.constant 720 : index
      %parallel_loop3A_474 = tpu.vector_load %arg5[%parallel_loop3A_472, %parallel_loop3A_473] {strides = array<i32>} : memref<32x1024xf32, #tpu.memory_space<vmem>>, vector<1x16xf32>,
      %parallel_loop3A_475 = vector.shape_cast %parallel_loop3A_474 : vector<1x16xf32> to vector<16xf32>
      %parallel_loop3A_476 = arith.index_cast %parallel_loop3A_66 : i32 to index
      %parallel_loop3A_477 = arith.constant 720 : index
      %parallel_loop3A_478 = tpu.vector_load %arg6[%parallel_loop3A_476, %parallel_loop3A_477] {strides = array<i32>} : memref<32x1024xf32, #tpu.memory_space<vmem>>, vector<1x16xf32>,
      %parallel_loop3A_479 = vector.shape_cast %parallel_loop3A_478 : vector<1x16xf32> to vector<16xf32>
      %parallel_loop3A_480 = vector.shape_cast %parallel_loop3A_475 : vector<16xf32> to vector<1x16xf32>
      tpu.vector_store %arg6[%parallel_loop3A_476, %parallel_loop3A_477], %parallel_loop3A_480 {add = true, strides = array<i32>} : memref<32x1024xf32, #tpu.memory_space<vmem>>, vector<1x16xf32>,
      %parallel_loop3A_481 = arith.index_cast %parallel_loop3A_66 : i32 to index
      %parallel_loop3A_482 = arith.constant 736 : index
      %parallel_loop3A_483 = tpu.vector_load %arg5[%parallel_loop3A_481, %parallel_loop3A_482] {strides = array<i32>} : memref<32x1024xf32, #tpu.memory_space<vmem>>, vector<1x16xf32>,
      %parallel_loop3A_484 = vector.shape_cast %parallel_loop3A_483 : vector<1x16xf32> to vector<16xf32>
      %parallel_loop3A_485 = arith.index_cast %parallel_loop3A_66 : i32 to index
      %parallel_loop3A_486 = arith.constant 736 : index
      %parallel_loop3A_487 = tpu.vector_load %arg6[%parallel_loop3A_485, %parallel_loop3A_486] {strides = array<i32>} : memref<32x1024xf32, #tpu.memory_space<vmem>>, vector<1x16xf32>,
      %parallel_loop3A_488 = vector.shape_cast %parallel_loop3A_487 : vector<1x16xf32> to vector<16xf32>
      %parallel_loop3A_489 = vector.shape_cast %parallel_loop3A_484 : vector<16xf32> to vector<1x16xf32>
      tpu.vector_store %arg6[%parallel_loop3A_485, %parallel_loop3A_486], %parallel_loop3A_489 {add = true, strides = array<i32>} : memref<32x1024xf32, #tpu.memory_space<vmem>>, vector<1x16xf32>,
      %parallel_loop3A_490 = arith.index_cast %parallel_loop3A_66 : i32 to index
      %parallel_loop3A_491 = arith.constant 752 : index
      %parallel_loop3A_492 = tpu.vector_load %arg5[%parallel_loop3A_490, %parallel_loop3A_491] {strides = array<i32>} : memref<32x1024xf32, #tpu.memory_space<vmem>>, vector<1x16xf32>,
      %parallel_loop3A_493 = vector.shape_cast %parallel_loop3A_492 : vector<1x16xf32> to vector<16xf32>
      %parallel_loop3A_494 = arith.index_cast %parallel_loop3A_66 : i32 to index
      %parallel_loop3A_495 = arith.constant 752 : index
      %parallel_loop3A_496 = tpu.vector_load %arg6[%parallel_loop3A_494, %parallel_loop3A_495] {strides = array<i32>} : memref<32x1024xf32, #tpu.memory_space<vmem>>, vector<1x16xf32>,
      %parallel_loop3A_497 = vector.shape_cast %parallel_loop3A_496 : vector<1x16xf32> to vector<16xf32>
      %parallel_loop3A_498 = vector.shape_cast %parallel_loop3A_493 : vector<16xf32> to vector<1x16xf32>
      tpu.vector_store %arg6[%parallel_loop3A_494, %parallel_loop3A_495], %parallel_loop3A_498 {add = true, strides = array<i32>} : memref<32x1024xf32, #tpu.memory_space<vmem>>, vector<1x16xf32>,
      %parallel_loop3A_499 = arith.index_cast %parallel_loop3A_66 : i32 to index
      %parallel_loop3A_500 = arith.constant 768 : index
      %parallel_loop3A_501 = tpu.vector_load %arg5[%parallel_loop3A_499, %parallel_loop3A_500] {strides = array<i32>} : memref<32x1024xf32, #tpu.memory_space<vmem>>, vector<1x16xf32>,
      %parallel_loop3A_502 = vector.shape_cast %parallel_loop3A_501 : vector<1x16xf32> to vector<16xf32>
      %parallel_loop3A_503 = arith.index_cast %parallel_loop3A_66 : i32 to index
      %parallel_loop3A_504 = arith.constant 768 : index
      %parallel_loop3A_505 = tpu.vector_load %arg6[%parallel_loop3A_503, %parallel_loop3A_504] {strides = array<i32>} : memref<32x1024xf32, #tpu.memory_space<vmem>>, vector<1x16xf32>,
      %parallel_loop3A_506 = vector.shape_cast %parallel_loop3A_505 : vector<1x16xf32> to vector<16xf32>
      %parallel_loop3A_507 = vector.shape_cast %parallel_loop3A_502 : vector<16xf32> to vector<1x16xf32>
      tpu.vector_store %arg6[%parallel_loop3A_503, %parallel_loop3A_504], %parallel_loop3A_507 {add = true, strides = array<i32>} : memref<32x1024xf32, #tpu.memory_space<vmem>>, vector<1x16xf32>,
      %parallel_loop3A_508 = arith.index_cast %parallel_loop3A_66 : i32 to index
      %parallel_loop3A_509 = arith.constant 784 : index
      %parallel_loop3A_510 = tpu.vector_load %arg5[%parallel_loop3A_508, %parallel_loop3A_509] {strides = array<i32>} : memref<32x1024xf32, #tpu.memory_space<vmem>>, vector<1x16xf32>,
      %parallel_loop3A_511 = vector.shape_cast %parallel_loop3A_510 : vector<1x16xf32> to vector<16xf32>
      %parallel_loop3A_512 = arith.index_cast %parallel_loop3A_66 : i32 to index
      %parallel_loop3A_513 = arith.constant 784 : index
      %parallel_loop3A_514 = tpu.vector_load %arg6[%parallel_loop3A_512, %parallel_loop3A_513] {strides = array<i32>} : memref<32x1024xf32, #tpu.memory_space<vmem>>, vector<1x16xf32>,
      %parallel_loop3A_515 = vector.shape_cast %parallel_loop3A_514 : vector<1x16xf32> to vector<16xf32>
      %parallel_loop3A_516 = vector.shape_cast %parallel_loop3A_511 : vector<16xf32> to vector<1x16xf32>
      tpu.vector_store %arg6[%parallel_loop3A_512, %parallel_loop3A_513], %parallel_loop3A_516 {add = true, strides = array<i32>} : memref<32x1024xf32, #tpu.memory_space<vmem>>, vector<1x16xf32>,
      %parallel_loop3A_517 = arith.index_cast %parallel_loop3A_66 : i32 to index
      %parallel_loop3A_518 = arith.constant 800 : index
      %parallel_loop3A_519 = tpu.vector_load %arg5[%parallel_loop3A_517, %parallel_loop3A_518] {strides = array<i32>} : memref<32x1024xf32, #tpu.memory_space<vmem>>, vector<1x16xf32>,
      %parallel_loop3A_520 = vector.shape_cast %parallel_loop3A_519 : vector<1x16xf32> to vector<16xf32>
      %parallel_loop3A_521 = arith.index_cast %parallel_loop3A_66 : i32 to index
      %parallel_loop3A_522 = arith.constant 800 : index
      %parallel_loop3A_523 = tpu.vector_load %arg6[%parallel_loop3A_521, %parallel_loop3A_522] {strides = array<i32>} : memref<32x1024xf32, #tpu.memory_space<vmem>>, vector<1x16xf32>,
      %parallel_loop3A_524 = vector.shape_cast %parallel_loop3A_523 : vector<1x16xf32> to vector<16xf32>
      %parallel_loop3A_525 = vector.shape_cast %parallel_loop3A_520 : vector<16xf32> to vector<1x16xf32>
      tpu.vector_store %arg6[%parallel_loop3A_521, %parallel_loop3A_522], %parallel_loop3A_525 {add = true, strides = array<i32>} : memref<32x1024xf32, #tpu.memory_space<vmem>>, vector<1x16xf32>,
      %parallel_loop3A_526 = arith.index_cast %parallel_loop3A_66 : i32 to index
      %parallel_loop3A_527 = arith.constant 816 : index
      %parallel_loop3A_528 = tpu.vector_load %arg5[%parallel_loop3A_526, %parallel_loop3A_527] {strides = array<i32>} : memref<32x1024xf32, #tpu.memory_space<vmem>>, vector<1x16xf32>,
      %parallel_loop3A_529 = vector.shape_cast %parallel_loop3A_528 : vector<1x16xf32> to vector<16xf32>
      %parallel_loop3A_530 = arith.index_cast %parallel_loop3A_66 : i32 to index
      %parallel_loop3A_531 = arith.constant 816 : index
      %parallel_loop3A_532 = tpu.vector_load %arg6[%parallel_loop3A_530, %parallel_loop3A_531] {strides = array<i32>} : memref<32x1024xf32, #tpu.memory_space<vmem>>, vector<1x16xf32>,
      %parallel_loop3A_533 = vector.shape_cast %parallel_loop3A_532 : vector<1x16xf32> to vector<16xf32>
      %parallel_loop3A_534 = vector.shape_cast %parallel_loop3A_529 : vector<16xf32> to vector<1x16xf32>
      tpu.vector_store %arg6[%parallel_loop3A_530, %parallel_loop3A_531], %parallel_loop3A_534 {add = true, strides = array<i32>} : memref<32x1024xf32, #tpu.memory_space<vmem>>, vector<1x16xf32>,
      %parallel_loop3A_535 = arith.index_cast %parallel_loop3A_66 : i32 to index
      %parallel_loop3A_536 = arith.constant 832 : index
      %parallel_loop3A_537 = tpu.vector_load %arg5[%parallel_loop3A_535, %parallel_loop3A_536] {strides = array<i32>} : memref<32x1024xf32, #tpu.memory_space<vmem>>, vector<1x16xf32>,
      %parallel_loop3A_538 = vector.shape_cast %parallel_loop3A_537 : vector<1x16xf32> to vector<16xf32>
      %parallel_loop3A_539 = arith.index_cast %parallel_loop3A_66 : i32 to index
      %parallel_loop3A_540 = arith.constant 832 : index
      %parallel_loop3A_541 = tpu.vector_load %arg6[%parallel_loop3A_539, %parallel_loop3A_540] {strides = array<i32>} : memref<32x1024xf32, #tpu.memory_space<vmem>>, vector<1x16xf32>,
      %parallel_loop3A_542 = vector.shape_cast %parallel_loop3A_541 : vector<1x16xf32> to vector<16xf32>
      %parallel_loop3A_543 = vector.shape_cast %parallel_loop3A_538 : vector<16xf32> to vector<1x16xf32>
      tpu.vector_store %arg6[%parallel_loop3A_539, %parallel_loop3A_540], %parallel_loop3A_543 {add = true, strides = array<i32>} : memref<32x1024xf32, #tpu.memory_space<vmem>>, vector<1x16xf32>,
      %parallel_loop3A_544 = arith.index_cast %parallel_loop3A_66 : i32 to index
      %parallel_loop3A_545 = arith.constant 848 : index
      %parallel_loop3A_546 = tpu.vector_load %arg5[%parallel_loop3A_544, %parallel_loop3A_545] {strides = array<i32>} : memref<32x1024xf32, #tpu.memory_space<vmem>>, vector<1x16xf32>,
      %parallel_loop3A_547 = vector.shape_cast %parallel_loop3A_546 : vector<1x16xf32> to vector<16xf32>
      %parallel_loop3A_548 = arith.index_cast %parallel_loop3A_66 : i32 to index
      %parallel_loop3A_549 = arith.constant 848 : index
      %parallel_loop3A_550 = tpu.vector_load %arg6[%parallel_loop3A_548, %parallel_loop3A_549] {strides = array<i32>} : memref<32x1024xf32, #tpu.memory_space<vmem>>, vector<1x16xf32>,
      %parallel_loop3A_551 = vector.shape_cast %parallel_loop3A_550 : vector<1x16xf32> to vector<16xf32>
      %parallel_loop3A_552 = vector.shape_cast %parallel_loop3A_547 : vector<16xf32> to vector<1x16xf32>
      tpu.vector_store %arg6[%parallel_loop3A_548, %parallel_loop3A_549], %parallel_loop3A_552 {add = true, strides = array<i32>} : memref<32x1024xf32, #tpu.memory_space<vmem>>, vector<1x16xf32>,
      %parallel_loop3A_553 = arith.index_cast %parallel_loop3A_66 : i32 to index
      %parallel_loop3A_554 = arith.constant 864 : index
      %parallel_loop3A_555 = tpu.vector_load %arg5[%parallel_loop3A_553, %parallel_loop3A_554] {strides = array<i32>} : memref<32x1024xf32, #tpu.memory_space<vmem>>, vector<1x16xf32>,
      %parallel_loop3A_556 = vector.shape_cast %parallel_loop3A_555 : vector<1x16xf32> to vector<16xf32>
      %parallel_loop3A_557 = arith.index_cast %parallel_loop3A_66 : i32 to index
      %parallel_loop3A_558 = arith.constant 864 : index
      %parallel_loop3A_559 = tpu.vector_load %arg6[%parallel_loop3A_557, %parallel_loop3A_558] {strides = array<i32>} : memref<32x1024xf32, #tpu.memory_space<vmem>>, vector<1x16xf32>,
      %parallel_loop3A_560 = vector.shape_cast %parallel_loop3A_559 : vector<1x16xf32> to vector<16xf32>
      %parallel_loop3A_561 = vector.shape_cast %parallel_loop3A_556 : vector<16xf32> to vector<1x16xf32>
      tpu.vector_store %arg6[%parallel_loop3A_557, %parallel_loop3A_558], %parallel_loop3A_561 {add = true, strides = array<i32>} : memref<32x1024xf32, #tpu.memory_space<vmem>>, vector<1x16xf32>,
      %parallel_loop3A_562 = arith.index_cast %parallel_loop3A_66 : i32 to index
      %parallel_loop3A_563 = arith.constant 880 : index
      %parallel_loop3A_564 = tpu.vector_load %arg5[%parallel_loop3A_562, %parallel_loop3A_563] {strides = array<i32>} : memref<32x1024xf32, #tpu.memory_space<vmem>>, vector<1x16xf32>,
      %parallel_loop3A_565 = vector.shape_cast %parallel_loop3A_564 : vector<1x16xf32> to vector<16xf32>
      %parallel_loop3A_566 = arith.index_cast %parallel_loop3A_66 : i32 to index
      %parallel_loop3A_567 = arith.constant 880 : index
      %parallel_loop3A_568 = tpu.vector_load %arg6[%parallel_loop3A_566, %parallel_loop3A_567] {strides = array<i32>} : memref<32x1024xf32, #tpu.memory_space<vmem>>, vector<1x16xf32>,
      %parallel_loop3A_569 = vector.shape_cast %parallel_loop3A_568 : vector<1x16xf32> to vector<16xf32>
      %parallel_loop3A_570 = vector.shape_cast %parallel_loop3A_565 : vector<16xf32> to vector<1x16xf32>
      tpu.vector_store %arg6[%parallel_loop3A_566, %parallel_loop3A_567], %parallel_loop3A_570 {add = true, strides = array<i32>} : memref<32x1024xf32, #tpu.memory_space<vmem>>, vector<1x16xf32>,
      %parallel_loop3A_571 = arith.index_cast %parallel_loop3A_66 : i32 to index
      %parallel_loop3A_572 = arith.constant 896 : index
      %parallel_loop3A_573 = tpu.vector_load %arg5[%parallel_loop3A_571, %parallel_loop3A_572] {strides = array<i32>} : memref<32x1024xf32, #tpu.memory_space<vmem>>, vector<1x16xf32>,
      %parallel_loop3A_574 = vector.shape_cast %parallel_loop3A_573 : vector<1x16xf32> to vector<16xf32>
      %parallel_loop3A_575 = arith.index_cast %parallel_loop3A_66 : i32 to index
      %parallel_loop3A_576 = arith.constant 896 : index
      %parallel_loop3A_577 = tpu.vector_load %arg6[%parallel_loop3A_575, %parallel_loop3A_576] {strides = array<i32>} : memref<32x1024xf32, #tpu.memory_space<vmem>>, vector<1x16xf32>,
      %parallel_loop3A_578 = vector.shape_cast %parallel_loop3A_577 : vector<1x16xf32> to vector<16xf32>
      %parallel_loop3A_579 = vector.shape_cast %parallel_loop3A_574 : vector<16xf32> to vector<1x16xf32>
      tpu.vector_store %arg6[%parallel_loop3A_575, %parallel_loop3A_576], %parallel_loop3A_579 {add = true, strides = array<i32>} : memref<32x1024xf32, #tpu.memory_space<vmem>>, vector<1x16xf32>,
      %parallel_loop3A_580 = arith.index_cast %parallel_loop3A_66 : i32 to index
      %parallel_loop3A_581 = arith.constant 912 : index
      %parallel_loop3A_582 = tpu.vector_load %arg5[%parallel_loop3A_580, %parallel_loop3A_581] {strides = array<i32>} : memref<32x1024xf32, #tpu.memory_space<vmem>>, vector<1x16xf32>,
      %parallel_loop3A_583 = vector.shape_cast %parallel_loop3A_582 : vector<1x16xf32> to vector<16xf32>
      %parallel_loop3A_584 = arith.index_cast %parallel_loop3A_66 : i32 to index
      %parallel_loop3A_585 = arith.constant 912 : index
      %parallel_loop3A_586 = tpu.vector_load %arg6[%parallel_loop3A_584, %parallel_loop3A_585] {strides = array<i32>} : memref<32x1024xf32, #tpu.memory_space<vmem>>, vector<1x16xf32>,
      %parallel_loop3A_587 = vector.shape_cast %parallel_loop3A_586 : vector<1x16xf32> to vector<16xf32>
      %parallel_loop3A_588 = vector.shape_cast %parallel_loop3A_583 : vector<16xf32> to vector<1x16xf32>
      tpu.vector_store %arg6[%parallel_loop3A_584, %parallel_loop3A_585], %parallel_loop3A_588 {add = true, strides = array<i32>} : memref<32x1024xf32, #tpu.memory_space<vmem>>, vector<1x16xf32>,
      %parallel_loop3A_589 = arith.index_cast %parallel_loop3A_66 : i32 to index
      %parallel_loop3A_590 = arith.constant 928 : index
      %parallel_loop3A_591 = tpu.vector_load %arg5[%parallel_loop3A_589, %parallel_loop3A_590] {strides = array<i32>} : memref<32x1024xf32, #tpu.memory_space<vmem>>, vector<1x16xf32>,
      %parallel_loop3A_592 = vector.shape_cast %parallel_loop3A_591 : vector<1x16xf32> to vector<16xf32>
      %parallel_loop3A_593 = arith.index_cast %parallel_loop3A_66 : i32 to index
      %parallel_loop3A_594 = arith.constant 928 : index
      %parallel_loop3A_595 = tpu.vector_load %arg6[%parallel_loop3A_593, %parallel_loop3A_594] {strides = array<i32>} : memref<32x1024xf32, #tpu.memory_space<vmem>>, vector<1x16xf32>,
      %parallel_loop3A_596 = vector.shape_cast %parallel_loop3A_595 : vector<1x16xf32> to vector<16xf32>
      %parallel_loop3A_597 = vector.shape_cast %parallel_loop3A_592 : vector<16xf32> to vector<1x16xf32>
      tpu.vector_store %arg6[%parallel_loop3A_593, %parallel_loop3A_594], %parallel_loop3A_597 {add = true, strides = array<i32>} : memref<32x1024xf32, #tpu.memory_space<vmem>>, vector<1x16xf32>,
      %parallel_loop3A_598 = arith.index_cast %parallel_loop3A_66 : i32 to index
      %parallel_loop3A_599 = arith.constant 944 : index
      %parallel_loop3A_600 = tpu.vector_load %arg5[%parallel_loop3A_598, %parallel_loop3A_599] {strides = array<i32>} : memref<32x1024xf32, #tpu.memory_space<vmem>>, vector<1x16xf32>,
      %parallel_loop3A_601 = vector.shape_cast %parallel_loop3A_600 : vector<1x16xf32> to vector<16xf32>
      %parallel_loop3A_602 = arith.index_cast %parallel_loop3A_66 : i32 to index
      %parallel_loop3A_603 = arith.constant 944 : index
      %parallel_loop3A_604 = tpu.vector_load %arg6[%parallel_loop3A_602, %parallel_loop3A_603] {strides = array<i32>} : memref<32x1024xf32, #tpu.memory_space<vmem>>, vector<1x16xf32>,
      %parallel_loop3A_605 = vector.shape_cast %parallel_loop3A_604 : vector<1x16xf32> to vector<16xf32>
      %parallel_loop3A_606 = vector.shape_cast %parallel_loop3A_601 : vector<16xf32> to vector<1x16xf32>
      tpu.vector_store %arg6[%parallel_loop3A_602, %parallel_loop3A_603], %parallel_loop3A_606 {add = true, strides = array<i32>} : memref<32x1024xf32, #tpu.memory_space<vmem>>, vector<1x16xf32>,
      %parallel_loop3A_607 = arith.index_cast %parallel_loop3A_66 : i32 to index
      %parallel_loop3A_608 = arith.constant 960 : index
      %parallel_loop3A_609 = tpu.vector_load %arg5[%parallel_loop3A_607, %parallel_loop3A_608] {strides = array<i32>} : memref<32x1024xf32, #tpu.memory_space<vmem>>, vector<1x16xf32>,
      %parallel_loop3A_610 = vector.shape_cast %parallel_loop3A_609 : vector<1x16xf32> to vector<16xf32>
      %parallel_loop3A_611 = arith.index_cast %parallel_loop3A_66 : i32 to index
      %parallel_loop3A_612 = arith.constant 960 : index
      %parallel_loop3A_613 = tpu.vector_load %arg6[%parallel_loop3A_611, %parallel_loop3A_612] {strides = array<i32>} : memref<32x1024xf32, #tpu.memory_space<vmem>>, vector<1x16xf32>,
      %parallel_loop3A_614 = vector.shape_cast %parallel_loop3A_613 : vector<1x16xf32> to vector<16xf32>
      %parallel_loop3A_615 = vector.shape_cast %parallel_loop3A_610 : vector<16xf32> to vector<1x16xf32>
      tpu.vector_store %arg6[%parallel_loop3A_611, %parallel_loop3A_612], %parallel_loop3A_615 {add = true, strides = array<i32>} : memref<32x1024xf32, #tpu.memory_space<vmem>>, vector<1x16xf32>,
      %parallel_loop3A_616 = arith.index_cast %parallel_loop3A_66 : i32 to index
      %parallel_loop3A_617 = arith.constant 976 : index
      %parallel_loop3A_618 = tpu.vector_load %arg5[%parallel_loop3A_616, %parallel_loop3A_617] {strides = array<i32>} : memref<32x1024xf32, #tpu.memory_space<vmem>>, vector<1x16xf32>,
      %parallel_loop3A_619 = vector.shape_cast %parallel_loop3A_618 : vector<1x16xf32> to vector<16xf32>
      %parallel_loop3A_620 = arith.index_cast %parallel_loop3A_66 : i32 to index
      %parallel_loop3A_621 = arith.constant 976 : index
      %parallel_loop3A_622 = tpu.vector_load %arg6[%parallel_loop3A_620, %parallel_loop3A_621] {strides = array<i32>} : memref<32x1024xf32, #tpu.memory_space<vmem>>, vector<1x16xf32>,
      %parallel_loop3A_623 = vector.shape_cast %parallel_loop3A_622 : vector<1x16xf32> to vector<16xf32>
      %parallel_loop3A_624 = vector.shape_cast %parallel_loop3A_619 : vector<16xf32> to vector<1x16xf32>
      tpu.vector_store %arg6[%parallel_loop3A_620, %parallel_loop3A_621], %parallel_loop3A_624 {add = true, strides = array<i32>} : memref<32x1024xf32, #tpu.memory_space<vmem>>, vector<1x16xf32>,
      %parallel_loop3A_625 = arith.index_cast %parallel_loop3A_66 : i32 to index
      %parallel_loop3A_626 = arith.constant 992 : index
      %parallel_loop3A_627 = tpu.vector_load %arg5[%parallel_loop3A_625, %parallel_loop3A_626] {strides = array<i32>} : memref<32x1024xf32, #tpu.memory_space<vmem>>, vector<1x16xf32>,
      %parallel_loop3A_628 = vector.shape_cast %parallel_loop3A_627 : vector<1x16xf32> to vector<16xf32>
      %parallel_loop3A_629 = arith.index_cast %parallel_loop3A_66 : i32 to index
      %parallel_loop3A_630 = arith.constant 992 : index
      %parallel_loop3A_631 = tpu.vector_load %arg6[%parallel_loop3A_629, %parallel_loop3A_630] {strides = array<i32>} : memref<32x1024xf32, #tpu.memory_space<vmem>>, vector<1x16xf32>,
      %parallel_loop3A_632 = vector.shape_cast %parallel_loop3A_631 : vector<1x16xf32> to vector<16xf32>
      %parallel_loop3A_633 = vector.shape_cast %parallel_loop3A_628 : vector<16xf32> to vector<1x16xf32>
      tpu.vector_store %arg6[%parallel_loop3A_629, %parallel_loop3A_630], %parallel_loop3A_633 {add = true, strides = array<i32>} : memref<32x1024xf32, #tpu.memory_space<vmem>>, vector<1x16xf32>,
      %parallel_loop3A_634 = arith.index_cast %parallel_loop3A_66 : i32 to index
      %parallel_loop3A_635 = arith.constant 1008 : index
      %parallel_loop3A_636 = tpu.vector_load %arg5[%parallel_loop3A_634, %parallel_loop3A_635] {strides = array<i32>} : memref<32x1024xf32, #tpu.memory_space<vmem>>, vector<1x16xf32>,
      %parallel_loop3A_637 = vector.shape_cast %parallel_loop3A_636 : vector<1x16xf32> to vector<16xf32>
      %parallel_loop3A_638 = arith.index_cast %parallel_loop3A_66 : i32 to index
      %parallel_loop3A_639 = arith.constant 1008 : index
      %parallel_loop3A_640 = tpu.vector_load %arg6[%parallel_loop3A_638, %parallel_loop3A_639] {strides = array<i32>} : memref<32x1024xf32, #tpu.memory_space<vmem>>, vector<1x16xf32>,
      %parallel_loop3A_641 = vector.shape_cast %parallel_loop3A_640 : vector<1x16xf32> to vector<16xf32>
      %parallel_loop3A_642 = vector.shape_cast %parallel_loop3A_637 : vector<16xf32> to vector<1x16xf32>
      tpu.vector_store %arg6[%parallel_loop3A_638, %parallel_loop3A_639], %parallel_loop3A_642 {add = true, strides = array<i32>} : memref<32x1024xf32, #tpu.memory_space<vmem>>, vector<1x16xf32>,
    } {sc.loop_unroll_factor = 1 : i64, sc.parallel_access}
    %add3A_25 = arith.constant 0 : i32
    %add3A_26 = arith.addi %mul3A_2, %add3A_25 : i32
    %dma_start3A_27 = arith.constant 0 : i32
    %dma_start3A_28 = arith.constant 0 : i32
    %dma_start3A_29 = tpu.memref_slice %arg4[%dma_start3A_27, %add3A_26, %dma_start3A_28] : memref<1x2048x1024xf32, #tpu.memory_space<hbm>> -> memref<1x32x1024xf32, #tpu.memory_space<hbm>>
    %dma_start3A_30 = tpu.memref_squeeze %dma_start3A_29 : memref<1x32x1024xf32, #tpu.memory_space<hbm>> -> memref<32x1024xf32, #tpu.memory_space<hbm>>
    %dma_start3A_31 = arith.constant 0 : i32
    %dma_start3A_32 = tpu.memref_slice %arg4[%dma_start3A_27, %add3A_26, %dma_start3A_31] : memref<1x2048x1024xf32, #tpu.memory_space<hbm>> -> memref<1x32x1024xf32, #tpu.memory_space<hbm>>
    %dma_start3A_33 = tpu.memref_squeeze %dma_start3A_32 : memref<1x32x1024xf32, #tpu.memory_space<hbm>> -> memref<32x1024xf32, #tpu.memory_space<hbm>>
    tpu.enqueue_dma source(%arg6 : memref<32x1024xf32, #tpu.memory_space<vmem>>) target(%dma_start3A_33 : memref<32x1024xf32, #tpu.memory_space<hbm>>) target_semaphore(%arg10 : memref<!tpu.dma_semaphore, #tpu.memory_space<semaphore_mem>>)
    %add3A_34 = arith.constant 32 : i32
    %add3A_35 = arith.addi %mul3A_2, %add3A_34 : i32
    "tpu.region"() ({
      %run_scoped3A = tpu.sem_alloc : memref<!tpu.dma_semaphore, #tpu.memory_space<semaphore_mem>>
      %dma_start3A_66 = arith.constant 0 : i32
      %dma_start3A_67 = tpu.memref_slice %arg3[%add3A_35, %dma_start3A_66] : memref<2048x1024xf32, #tpu.memory_space<hbm>> -> memref<32x1024xf32, #tpu.memory_space<hbm>>
      %dma_start3A_68 = arith.constant 0 : i32
      %dma_start3A_69 = tpu.memref_slice %arg3[%add3A_35, %dma_start3A_68] : memref<2048x1024xf32, #tpu.memory_space<hbm>> -> memref<32x1024xf32, #tpu.memory_space<hbm>>
      tpu.enqueue_dma source(%dma_start3A_69 : memref<32x1024xf32, #tpu.memory_space<hbm>>) target(%arg5 : memref<32x1024xf32, #tpu.memory_space<vmem>>) target_semaphore(%run_scoped3A : memref<!tpu.dma_semaphore, #tpu.memory_space<semaphore_mem>>)
      %dma_wait3A_70 = arith.constant 0 : i32
      %dma_wait3A_71 = tpu.memref_slice %arg3[%add3A_35, %dma_wait3A_70] : memref<2048x1024xf32, #tpu.memory_space<hbm>> -> memref<32x1024xf32, #tpu.memory_space<hbm>>
      %dma_wait3A_72 = arith.constant 0 : i32
      %dma_wait3A_73 = tpu.memref_slice %arg3[%add3A_35, %dma_wait3A_72] : memref<2048x1024xf32, #tpu.memory_space<hbm>> -> memref<32x1024xf32, #tpu.memory_space<hbm>>
      tpu.wait_dma2 semaphore(%run_scoped3A : memref<!tpu.dma_semaphore, #tpu.memory_space<semaphore_mem>>) src(%dma_wait3A_73 : memref<32x1024xf32, #tpu.memory_space<hbm>>) dst(%arg5 : memref<32x1024xf32, #tpu.memory_space<vmem>>)
      tpu.yield
    }) : () -> ()
    %dma_wait3A_36 = arith.constant 0 : i32
    %dma_wait3A_37 = tpu.memref_slice %arg2[%add3A_18, %dma_wait3A_36] : memref<8192x1024xf32, #tpu.memory_space<hbm>> -> memref<32x1024xf32, #tpu.memory_space<hbm>>
    %dma_wait3A_38 = arith.constant 0 : i32
    %dma_wait3A_39 = tpu.memref_slice %arg2[%add3A_18, %dma_wait3A_38] : memref<8192x1024xf32, #tpu.memory_space<hbm>> -> memref<32x1024xf32, #tpu.memory_space<hbm>>
    tpu.wait_dma2 semaphore(%arg9 : memref<!tpu.dma_semaphore, #tpu.memory_space<semaphore_mem>>) src(%dma_wait3A_39 : memref<32x1024xf32, #tpu.memory_space<hbm>>) dst(%arg7 : memref<32x1024xf32, #tpu.memory_space<vmem>>)
    %parallel_loop3A_40 = arith.constant 0 : i32
    %parallel_loop3A_41 = arith.constant 32 : i32
    %parallel_loop3A_42 = arith.constant 1 : i32
    scf.for %parallel_loop3A_66 = %parallel_loop3A_40 to %parallel_loop3A_41 step %parallel_loop3A_42  : i32 {
      %parallel_loop3A_67 = arith.index_cast %parallel_loop3A_66 : i32 to index
      %parallel_loop3A_68 = arith.constant 0 : index
      %parallel_loop3A_69 = tpu.vector_load %arg5[%parallel_loop3A_67, %parallel_loop3A_68] {strides = array<i32>} : memref<32x1024xf32, #tpu.memory_space<vmem>>, vector<1x16xf32>,
      %parallel_loop3A_70 = vector.shape_cast %parallel_loop3A_69 : vector<1x16xf32> to vector<16xf32>
      %parallel_loop3A_71 = arith.index_cast %parallel_loop3A_66 : i32 to index
      %parallel_loop3A_72 = arith.constant 0 : index
      %parallel_loop3A_73 = tpu.vector_load %arg7[%parallel_loop3A_71, %parallel_loop3A_72] {strides = array<i32>} : memref<32x1024xf32, #tpu.memory_space<vmem>>, vector<1x16xf32>,
      %parallel_loop3A_74 = vector.shape_cast %parallel_loop3A_73 : vector<1x16xf32> to vector<16xf32>
      %parallel_loop3A_75 = vector.shape_cast %parallel_loop3A_70 : vector<16xf32> to vector<1x16xf32>
      tpu.vector_store %arg7[%parallel_loop3A_71, %parallel_loop3A_72], %parallel_loop3A_75 {add = true, strides = array<i32>} : memref<32x1024xf32, #tpu.memory_space<vmem>>, vector<1x16xf32>,
      %parallel_loop3A_76 = arith.index_cast %parallel_loop3A_66 : i32 to index
      %parallel_loop3A_77 = arith.constant 16 : index
      %parallel_loop3A_78 = tpu.vector_load %arg5[%parallel_loop3A_76, %parallel_loop3A_77] {strides = array<i32>} : memref<32x1024xf32, #tpu.memory_space<vmem>>, vector<1x16xf32>,
      %parallel_loop3A_79 = vector.shape_cast %parallel_loop3A_78 : vector<1x16xf32> to vector<16xf32>
      %parallel_loop3A_80 = arith.index_cast %parallel_loop3A_66 : i32 to index
      %parallel_loop3A_81 = arith.constant 16 : index
      %parallel_loop3A_82 = tpu.vector_load %arg7[%parallel_loop3A_80, %parallel_loop3A_81] {strides = array<i32>} : memref<32x1024xf32, #tpu.memory_space<vmem>>, vector<1x16xf32>,
      %parallel_loop3A_83 = vector.shape_cast %parallel_loop3A_82 : vector<1x16xf32> to vector<16xf32>
      %parallel_loop3A_84 = vector.shape_cast %parallel_loop3A_79 : vector<16xf32> to vector<1x16xf32>
      tpu.vector_store %arg7[%parallel_loop3A_80, %parallel_loop3A_81], %parallel_loop3A_84 {add = true, strides = array<i32>} : memref<32x1024xf32, #tpu.memory_space<vmem>>, vector<1x16xf32>,
      %parallel_loop3A_85 = arith.index_cast %parallel_loop3A_66 : i32 to index
      %parallel_loop3A_86 = arith.constant 32 : index
      %parallel_loop3A_87 = tpu.vector_load %arg5[%parallel_loop3A_85, %parallel_loop3A_86] {strides = array<i32>} : memref<32x1024xf32, #tpu.memory_space<vmem>>, vector<1x16xf32>,
      %parallel_loop3A_88 = vector.shape_cast %parallel_loop3A_87 : vector<1x16xf32> to vector<16xf32>
      %parallel_loop3A_89 = arith.index_cast %parallel_loop3A_66 : i32 to index
      %parallel_loop3A_90 = arith.constant 32 : index
      %parallel_loop3A_91 = tpu.vector_load %arg7[%parallel_loop3A_89, %parallel_loop3A_90] {strides = array<i32>} : memref<32x1024xf32, #tpu.memory_space<vmem>>, vector<1x16xf32>,
      %parallel_loop3A_92 = vector.shape_cast %parallel_loop3A_91 : vector<1x16xf32> to vector<16xf32>
      %parallel_loop3A_93 = vector.shape_cast %parallel_loop3A_88 : vector<16xf32> to vector<1x16xf32>
      tpu.vector_store %arg7[%parallel_loop3A_89, %parallel_loop3A_90], %parallel_loop3A_93 {add = true, strides = array<i32>} : memref<32x1024xf32, #tpu.memory_space<vmem>>, vector<1x16xf32>,
      %parallel_loop3A_94 = arith.index_cast %parallel_loop3A_66 : i32 to index
      %parallel_loop3A_95 = arith.constant 48 : index
      %parallel_loop3A_96 = tpu.vector_load %arg5[%parallel_loop3A_94, %parallel_loop3A_95] {strides = array<i32>} : memref<32x1024xf32, #tpu.memory_space<vmem>>, vector<1x16xf32>,
      %parallel_loop3A_97 = vector.shape_cast %parallel_loop3A_96 : vector<1x16xf32> to vector<16xf32>
      %parallel_loop3A_98 = arith.index_cast %parallel_loop3A_66 : i32 to index
      %parallel_loop3A_99 = arith.constant 48 : index
      %parallel_loop3A_100 = tpu.vector_load %arg7[%parallel_loop3A_98, %parallel_loop3A_99] {strides = array<i32>} : memref<32x1024xf32, #tpu.memory_space<vmem>>, vector<1x16xf32>,
      %parallel_loop3A_101 = vector.shape_cast %parallel_loop3A_100 : vector<1x16xf32> to vector<16xf32>
      %parallel_loop3A_102 = vector.shape_cast %parallel_loop3A_97 : vector<16xf32> to vector<1x16xf32>
      tpu.vector_store %arg7[%parallel_loop3A_98, %parallel_loop3A_99], %parallel_loop3A_102 {add = true, strides = array<i32>} : memref<32x1024xf32, #tpu.memory_space<vmem>>, vector<1x16xf32>,
      %parallel_loop3A_103 = arith.index_cast %parallel_loop3A_66 : i32 to index
      %parallel_loop3A_104 = arith.constant 64 : index
      %parallel_loop3A_105 = tpu.vector_load %arg5[%parallel_loop3A_103, %parallel_loop3A_104] {strides = array<i32>} : memref<32x1024xf32, #tpu.memory_space<vmem>>, vector<1x16xf32>,
      %parallel_loop3A_106 = vector.shape_cast %parallel_loop3A_105 : vector<1x16xf32> to vector<16xf32>
      %parallel_loop3A_107 = arith.index_cast %parallel_loop3A_66 : i32 to index
      %parallel_loop3A_108 = arith.constant 64 : index
      %parallel_loop3A_109 = tpu.vector_load %arg7[%parallel_loop3A_107, %parallel_loop3A_108] {strides = array<i32>} : memref<32x1024xf32, #tpu.memory_space<vmem>>, vector<1x16xf32>,
      %parallel_loop3A_110 = vector.shape_cast %parallel_loop3A_109 : vector<1x16xf32> to vector<16xf32>
      %parallel_loop3A_111 = vector.shape_cast %parallel_loop3A_106 : vector<16xf32> to vector<1x16xf32>
      tpu.vector_store %arg7[%parallel_loop3A_107, %parallel_loop3A_108], %parallel_loop3A_111 {add = true, strides = array<i32>} : memref<32x1024xf32, #tpu.memory_space<vmem>>, vector<1x16xf32>,
      %parallel_loop3A_112 = arith.index_cast %parallel_loop3A_66 : i32 to index
      %parallel_loop3A_113 = arith.constant 80 : index
      %parallel_loop3A_114 = tpu.vector_load %arg5[%parallel_loop3A_112, %parallel_loop3A_113] {strides = array<i32>} : memref<32x1024xf32, #tpu.memory_space<vmem>>, vector<1x16xf32>,
      %parallel_loop3A_115 = vector.shape_cast %parallel_loop3A_114 : vector<1x16xf32> to vector<16xf32>
      %parallel_loop3A_116 = arith.index_cast %parallel_loop3A_66 : i32 to index
      %parallel_loop3A_117 = arith.constant 80 : index
      %parallel_loop3A_118 = tpu.vector_load %arg7[%parallel_loop3A_116, %parallel_loop3A_117] {strides = array<i32>} : memref<32x1024xf32, #tpu.memory_space<vmem>>, vector<1x16xf32>,
      %parallel_loop3A_119 = vector.shape_cast %parallel_loop3A_118 : vector<1x16xf32> to vector<16xf32>
      %parallel_loop3A_120 = vector.shape_cast %parallel_loop3A_115 : vector<16xf32> to vector<1x16xf32>
      tpu.vector_store %arg7[%parallel_loop3A_116, %parallel_loop3A_117], %parallel_loop3A_120 {add = true, strides = array<i32>} : memref<32x1024xf32, #tpu.memory_space<vmem>>, vector<1x16xf32>,
      %parallel_loop3A_121 = arith.index_cast %parallel_loop3A_66 : i32 to index
      %parallel_loop3A_122 = arith.constant 96 : index
      %parallel_loop3A_123 = tpu.vector_load %arg5[%parallel_loop3A_121, %parallel_loop3A_122] {strides = array<i32>} : memref<32x1024xf32, #tpu.memory_space<vmem>>, vector<1x16xf32>,
      %parallel_loop3A_124 = vector.shape_cast %parallel_loop3A_123 : vector<1x16xf32> to vector<16xf32>
      %parallel_loop3A_125 = arith.index_cast %parallel_loop3A_66 : i32 to index
      %parallel_loop3A_126 = arith.constant 96 : index
      %parallel_loop3A_127 = tpu.vector_load %arg7[%parallel_loop3A_125, %parallel_loop3A_126] {strides = array<i32>} : memref<32x1024xf32, #tpu.memory_space<vmem>>, vector<1x16xf32>,
      %parallel_loop3A_128 = vector.shape_cast %parallel_loop3A_127 : vector<1x16xf32> to vector<16xf32>
      %parallel_loop3A_129 = vector.shape_cast %parallel_loop3A_124 : vector<16xf32> to vector<1x16xf32>
      tpu.vector_store %arg7[%parallel_loop3A_125, %parallel_loop3A_126], %parallel_loop3A_129 {add = true, strides = array<i32>} : memref<32x1024xf32, #tpu.memory_space<vmem>>, vector<1x16xf32>,
      %parallel_loop3A_130 = arith.index_cast %parallel_loop3A_66 : i32 to index
      %parallel_loop3A_131 = arith.constant 112 : index
      %parallel_loop3A_132 = tpu.vector_load %arg5[%parallel_loop3A_130, %parallel_loop3A_131] {strides = array<i32>} : memref<32x1024xf32, #tpu.memory_space<vmem>>, vector<1x16xf32>,
      %parallel_loop3A_133 = vector.shape_cast %parallel_loop3A_132 : vector<1x16xf32> to vector<16xf32>
      %parallel_loop3A_134 = arith.index_cast %parallel_loop3A_66 : i32 to index
      %parallel_loop3A_135 = arith.constant 112 : index
      %parallel_loop3A_136 = tpu.vector_load %arg7[%parallel_loop3A_134, %parallel_loop3A_135] {strides = array<i32>} : memref<32x1024xf32, #tpu.memory_space<vmem>>, vector<1x16xf32>,
      %parallel_loop3A_137 = vector.shape_cast %parallel_loop3A_136 : vector<1x16xf32> to vector<16xf32>
      %parallel_loop3A_138 = vector.shape_cast %parallel_loop3A_133 : vector<16xf32> to vector<1x16xf32>
      tpu.vector_store %arg7[%parallel_loop3A_134, %parallel_loop3A_135], %parallel_loop3A_138 {add = true, strides = array<i32>} : memref<32x1024xf32, #tpu.memory_space<vmem>>, vector<1x16xf32>,
      %parallel_loop3A_139 = arith.index_cast %parallel_loop3A_66 : i32 to index
      %parallel_loop3A_140 = arith.constant 128 : index
      %parallel_loop3A_141 = tpu.vector_load %arg5[%parallel_loop3A_139, %parallel_loop3A_140] {strides = array<i32>} : memref<32x1024xf32, #tpu.memory_space<vmem>>, vector<1x16xf32>,
      %parallel_loop3A_142 = vector.shape_cast %parallel_loop3A_141 : vector<1x16xf32> to vector<16xf32>
      %parallel_loop3A_143 = arith.index_cast %parallel_loop3A_66 : i32 to index
      %parallel_loop3A_144 = arith.constant 128 : index
      %parallel_loop3A_145 = tpu.vector_load %arg7[%parallel_loop3A_143, %parallel_loop3A_144] {strides = array<i32>} : memref<32x1024xf32, #tpu.memory_space<vmem>>, vector<1x16xf32>,
      %parallel_loop3A_146 = vector.shape_cast %parallel_loop3A_145 : vector<1x16xf32> to vector<16xf32>
      %parallel_loop3A_147 = vector.shape_cast %parallel_loop3A_142 : vector<16xf32> to vector<1x16xf32>
      tpu.vector_store %arg7[%parallel_loop3A_143, %parallel_loop3A_144], %parallel_loop3A_147 {add = true, strides = array<i32>} : memref<32x1024xf32, #tpu.memory_space<vmem>>, vector<1x16xf32>,
      %parallel_loop3A_148 = arith.index_cast %parallel_loop3A_66 : i32 to index
      %parallel_loop3A_149 = arith.constant 144 : index
      %parallel_loop3A_150 = tpu.vector_load %arg5[%parallel_loop3A_148, %parallel_loop3A_149] {strides = array<i32>} : memref<32x1024xf32, #tpu.memory_space<vmem>>, vector<1x16xf32>,
      %parallel_loop3A_151 = vector.shape_cast %parallel_loop3A_150 : vector<1x16xf32> to vector<16xf32>
      %parallel_loop3A_152 = arith.index_cast %parallel_loop3A_66 : i32 to index
      %parallel_loop3A_153 = arith.constant 144 : index
      %parallel_loop3A_154 = tpu.vector_load %arg7[%parallel_loop3A_152, %parallel_loop3A_153] {strides = array<i32>} : memref<32x1024xf32, #tpu.memory_space<vmem>>, vector<1x16xf32>,
      %parallel_loop3A_155 = vector.shape_cast %parallel_loop3A_154 : vector<1x16xf32> to vector<16xf32>
      %parallel_loop3A_156 = vector.shape_cast %parallel_loop3A_151 : vector<16xf32> to vector<1x16xf32>
      tpu.vector_store %arg7[%parallel_loop3A_152, %parallel_loop3A_153], %parallel_loop3A_156 {add = true, strides = array<i32>} : memref<32x1024xf32, #tpu.memory_space<vmem>>, vector<1x16xf32>,
      %parallel_loop3A_157 = arith.index_cast %parallel_loop3A_66 : i32 to index
      %parallel_loop3A_158 = arith.constant 160 : index
      %parallel_loop3A_159 = tpu.vector_load %arg5[%parallel_loop3A_157, %parallel_loop3A_158] {strides = array<i32>} : memref<32x1024xf32, #tpu.memory_space<vmem>>, vector<1x16xf32>,
      %parallel_loop3A_160 = vector.shape_cast %parallel_loop3A_159 : vector<1x16xf32> to vector<16xf32>
      %parallel_loop3A_161 = arith.index_cast %parallel_loop3A_66 : i32 to index
      %parallel_loop3A_162 = arith.constant 160 : index
      %parallel_loop3A_163 = tpu.vector_load %arg7[%parallel_loop3A_161, %parallel_loop3A_162] {strides = array<i32>} : memref<32x1024xf32, #tpu.memory_space<vmem>>, vector<1x16xf32>,
      %parallel_loop3A_164 = vector.shape_cast %parallel_loop3A_163 : vector<1x16xf32> to vector<16xf32>
      %parallel_loop3A_165 = vector.shape_cast %parallel_loop3A_160 : vector<16xf32> to vector<1x16xf32>
      tpu.vector_store %arg7[%parallel_loop3A_161, %parallel_loop3A_162], %parallel_loop3A_165 {add = true, strides = array<i32>} : memref<32x1024xf32, #tpu.memory_space<vmem>>, vector<1x16xf32>,
      %parallel_loop3A_166 = arith.index_cast %parallel_loop3A_66 : i32 to index
      %parallel_loop3A_167 = arith.constant 176 : index
      %parallel_loop3A_168 = tpu.vector_load %arg5[%parallel_loop3A_166, %parallel_loop3A_167] {strides = array<i32>} : memref<32x1024xf32, #tpu.memory_space<vmem>>, vector<1x16xf32>,
      %parallel_loop3A_169 = vector.shape_cast %parallel_loop3A_168 : vector<1x16xf32> to vector<16xf32>
      %parallel_loop3A_170 = arith.index_cast %parallel_loop3A_66 : i32 to index
      %parallel_loop3A_171 = arith.constant 176 : index
      %parallel_loop3A_172 = tpu.vector_load %arg7[%parallel_loop3A_170, %parallel_loop3A_171] {strides = array<i32>} : memref<32x1024xf32, #tpu.memory_space<vmem>>, vector<1x16xf32>,
      %parallel_loop3A_173 = vector.shape_cast %parallel_loop3A_172 : vector<1x16xf32> to vector<16xf32>
      %parallel_loop3A_174 = vector.shape_cast %parallel_loop3A_169 : vector<16xf32> to vector<1x16xf32>
      tpu.vector_store %arg7[%parallel_loop3A_170, %parallel_loop3A_171], %parallel_loop3A_174 {add = true, strides = array<i32>} : memref<32x1024xf32, #tpu.memory_space<vmem>>, vector<1x16xf32>,
      %parallel_loop3A_175 = arith.index_cast %parallel_loop3A_66 : i32 to index
      %parallel_loop3A_176 = arith.constant 192 : index
      %parallel_loop3A_177 = tpu.vector_load %arg5[%parallel_loop3A_175, %parallel_loop3A_176] {strides = array<i32>} : memref<32x1024xf32, #tpu.memory_space<vmem>>, vector<1x16xf32>,
      %parallel_loop3A_178 = vector.shape_cast %parallel_loop3A_177 : vector<1x16xf32> to vector<16xf32>
      %parallel_loop3A_179 = arith.index_cast %parallel_loop3A_66 : i32 to index
      %parallel_loop3A_180 = arith.constant 192 : index
      %parallel_loop3A_181 = tpu.vector_load %arg7[%parallel_loop3A_179, %parallel_loop3A_180] {strides = array<i32>} : memref<32x1024xf32, #tpu.memory_space<vmem>>, vector<1x16xf32>,
      %parallel_loop3A_182 = vector.shape_cast %parallel_loop3A_181 : vector<1x16xf32> to vector<16xf32>
      %parallel_loop3A_183 = vector.shape_cast %parallel_loop3A_178 : vector<16xf32> to vector<1x16xf32>
      tpu.vector_store %arg7[%parallel_loop3A_179, %parallel_loop3A_180], %parallel_loop3A_183 {add = true, strides = array<i32>} : memref<32x1024xf32, #tpu.memory_space<vmem>>, vector<1x16xf32>,
      %parallel_loop3A_184 = arith.index_cast %parallel_loop3A_66 : i32 to index
      %parallel_loop3A_185 = arith.constant 208 : index
      %parallel_loop3A_186 = tpu.vector_load %arg5[%parallel_loop3A_184, %parallel_loop3A_185] {strides = array<i32>} : memref<32x1024xf32, #tpu.memory_space<vmem>>, vector<1x16xf32>,
      %parallel_loop3A_187 = vector.shape_cast %parallel_loop3A_186 : vector<1x16xf32> to vector<16xf32>
      %parallel_loop3A_188 = arith.index_cast %parallel_loop3A_66 : i32 to index
      %parallel_loop3A_189 = arith.constant 208 : index
      %parallel_loop3A_190 = tpu.vector_load %arg7[%parallel_loop3A_188, %parallel_loop3A_189] {strides = array<i32>} : memref<32x1024xf32, #tpu.memory_space<vmem>>, vector<1x16xf32>,
      %parallel_loop3A_191 = vector.shape_cast %parallel_loop3A_190 : vector<1x16xf32> to vector<16xf32>
      %parallel_loop3A_192 = vector.shape_cast %parallel_loop3A_187 : vector<16xf32> to vector<1x16xf32>
      tpu.vector_store %arg7[%parallel_loop3A_188, %parallel_loop3A_189], %parallel_loop3A_192 {add = true, strides = array<i32>} : memref<32x1024xf32, #tpu.memory_space<vmem>>, vector<1x16xf32>,
      %parallel_loop3A_193 = arith.index_cast %parallel_loop3A_66 : i32 to index
      %parallel_loop3A_194 = arith.constant 224 : index
      %parallel_loop3A_195 = tpu.vector_load %arg5[%parallel_loop3A_193, %parallel_loop3A_194] {strides = array<i32>} : memref<32x1024xf32, #tpu.memory_space<vmem>>, vector<1x16xf32>,
      %parallel_loop3A_196 = vector.shape_cast %parallel_loop3A_195 : vector<1x16xf32> to vector<16xf32>
      %parallel_loop3A_197 = arith.index_cast %parallel_loop3A_66 : i32 to index
      %parallel_loop3A_198 = arith.constant 224 : index
      %parallel_loop3A_199 = tpu.vector_load %arg7[%parallel_loop3A_197, %parallel_loop3A_198] {strides = array<i32>} : memref<32x1024xf32, #tpu.memory_space<vmem>>, vector<1x16xf32>,
      %parallel_loop3A_200 = vector.shape_cast %parallel_loop3A_199 : vector<1x16xf32> to vector<16xf32>
      %parallel_loop3A_201 = vector.shape_cast %parallel_loop3A_196 : vector<16xf32> to vector<1x16xf32>
      tpu.vector_store %arg7[%parallel_loop3A_197, %parallel_loop3A_198], %parallel_loop3A_201 {add = true, strides = array<i32>} : memref<32x1024xf32, #tpu.memory_space<vmem>>, vector<1x16xf32>,
      %parallel_loop3A_202 = arith.index_cast %parallel_loop3A_66 : i32 to index
      %parallel_loop3A_203 = arith.constant 240 : index
      %parallel_loop3A_204 = tpu.vector_load %arg5[%parallel_loop3A_202, %parallel_loop3A_203] {strides = array<i32>} : memref<32x1024xf32, #tpu.memory_space<vmem>>, vector<1x16xf32>,
      %parallel_loop3A_205 = vector.shape_cast %parallel_loop3A_204 : vector<1x16xf32> to vector<16xf32>
      %parallel_loop3A_206 = arith.index_cast %parallel_loop3A_66 : i32 to index
      %parallel_loop3A_207 = arith.constant 240 : index
      %parallel_loop3A_208 = tpu.vector_load %arg7[%parallel_loop3A_206, %parallel_loop3A_207] {strides = array<i32>} : memref<32x1024xf32, #tpu.memory_space<vmem>>, vector<1x16xf32>,
      %parallel_loop3A_209 = vector.shape_cast %parallel_loop3A_208 : vector<1x16xf32> to vector<16xf32>
      %parallel_loop3A_210 = vector.shape_cast %parallel_loop3A_205 : vector<16xf32> to vector<1x16xf32>
      tpu.vector_store %arg7[%parallel_loop3A_206, %parallel_loop3A_207], %parallel_loop3A_210 {add = true, strides = array<i32>} : memref<32x1024xf32, #tpu.memory_space<vmem>>, vector<1x16xf32>,
      %parallel_loop3A_211 = arith.index_cast %parallel_loop3A_66 : i32 to index
      %parallel_loop3A_212 = arith.constant 256 : index
      %parallel_loop3A_213 = tpu.vector_load %arg5[%parallel_loop3A_211, %parallel_loop3A_212] {strides = array<i32>} : memref<32x1024xf32, #tpu.memory_space<vmem>>, vector<1x16xf32>,
      %parallel_loop3A_214 = vector.shape_cast %parallel_loop3A_213 : vector<1x16xf32> to vector<16xf32>
      %parallel_loop3A_215 = arith.index_cast %parallel_loop3A_66 : i32 to index
      %parallel_loop3A_216 = arith.constant 256 : index
      %parallel_loop3A_217 = tpu.vector_load %arg7[%parallel_loop3A_215, %parallel_loop3A_216] {strides = array<i32>} : memref<32x1024xf32, #tpu.memory_space<vmem>>, vector<1x16xf32>,
      %parallel_loop3A_218 = vector.shape_cast %parallel_loop3A_217 : vector<1x16xf32> to vector<16xf32>
      %parallel_loop3A_219 = vector.shape_cast %parallel_loop3A_214 : vector<16xf32> to vector<1x16xf32>
      tpu.vector_store %arg7[%parallel_loop3A_215, %parallel_loop3A_216], %parallel_loop3A_219 {add = true, strides = array<i32>} : memref<32x1024xf32, #tpu.memory_space<vmem>>, vector<1x16xf32>,
      %parallel_loop3A_220 = arith.index_cast %parallel_loop3A_66 : i32 to index
      %parallel_loop3A_221 = arith.constant 272 : index
      %parallel_loop3A_222 = tpu.vector_load %arg5[%parallel_loop3A_220, %parallel_loop3A_221] {strides = array<i32>} : memref<32x1024xf32, #tpu.memory_space<vmem>>, vector<1x16xf32>,
      %parallel_loop3A_223 = vector.shape_cast %parallel_loop3A_222 : vector<1x16xf32> to vector<16xf32>
      %parallel_loop3A_224 = arith.index_cast %parallel_loop3A_66 : i32 to index
      %parallel_loop3A_225 = arith.constant 272 : index
      %parallel_loop3A_226 = tpu.vector_load %arg7[%parallel_loop3A_224, %parallel_loop3A_225] {strides = array<i32>} : memref<32x1024xf32, #tpu.memory_space<vmem>>, vector<1x16xf32>,
      %parallel_loop3A_227 = vector.shape_cast %parallel_loop3A_226 : vector<1x16xf32> to vector<16xf32>
      %parallel_loop3A_228 = vector.shape_cast %parallel_loop3A_223 : vector<16xf32> to vector<1x16xf32>
      tpu.vector_store %arg7[%parallel_loop3A_224, %parallel_loop3A_225], %parallel_loop3A_228 {add = true, strides = array<i32>} : memref<32x1024xf32, #tpu.memory_space<vmem>>, vector<1x16xf32>,
      %parallel_loop3A_229 = arith.index_cast %parallel_loop3A_66 : i32 to index
      %parallel_loop3A_230 = arith.constant 288 : index
      %parallel_loop3A_231 = tpu.vector_load %arg5[%parallel_loop3A_229, %parallel_loop3A_230] {strides = array<i32>} : memref<32x1024xf32, #tpu.memory_space<vmem>>, vector<1x16xf32>,
      %parallel_loop3A_232 = vector.shape_cast %parallel_loop3A_231 : vector<1x16xf32> to vector<16xf32>
      %parallel_loop3A_233 = arith.index_cast %parallel_loop3A_66 : i32 to index
      %parallel_loop3A_234 = arith.constant 288 : index
      %parallel_loop3A_235 = tpu.vector_load %arg7[%parallel_loop3A_233, %parallel_loop3A_234] {strides = array<i32>} : memref<32x1024xf32, #tpu.memory_space<vmem>>, vector<1x16xf32>,
      %parallel_loop3A_236 = vector.shape_cast %parallel_loop3A_235 : vector<1x16xf32> to vector<16xf32>
      %parallel_loop3A_237 = vector.shape_cast %parallel_loop3A_232 : vector<16xf32> to vector<1x16xf32>
      tpu.vector_store %arg7[%parallel_loop3A_233, %parallel_loop3A_234], %parallel_loop3A_237 {add = true, strides = array<i32>} : memref<32x1024xf32, #tpu.memory_space<vmem>>, vector<1x16xf32>,
      %parallel_loop3A_238 = arith.index_cast %parallel_loop3A_66 : i32 to index
      %parallel_loop3A_239 = arith.constant 304 : index
      %parallel_loop3A_240 = tpu.vector_load %arg5[%parallel_loop3A_238, %parallel_loop3A_239] {strides = array<i32>} : memref<32x1024xf32, #tpu.memory_space<vmem>>, vector<1x16xf32>,
      %parallel_loop3A_241 = vector.shape_cast %parallel_loop3A_240 : vector<1x16xf32> to vector<16xf32>
      %parallel_loop3A_242 = arith.index_cast %parallel_loop3A_66 : i32 to index
      %parallel_loop3A_243 = arith.constant 304 : index
      %parallel_loop3A_244 = tpu.vector_load %arg7[%parallel_loop3A_242, %parallel_loop3A_243] {strides = array<i32>} : memref<32x1024xf32, #tpu.memory_space<vmem>>, vector<1x16xf32>,
      %parallel_loop3A_245 = vector.shape_cast %parallel_loop3A_244 : vector<1x16xf32> to vector<16xf32>
      %parallel_loop3A_246 = vector.shape_cast %parallel_loop3A_241 : vector<16xf32> to vector<1x16xf32>
      tpu.vector_store %arg7[%parallel_loop3A_242, %parallel_loop3A_243], %parallel_loop3A_246 {add = true, strides = array<i32>} : memref<32x1024xf32, #tpu.memory_space<vmem>>, vector<1x16xf32>,
      %parallel_loop3A_247 = arith.index_cast %parallel_loop3A_66 : i32 to index
      %parallel_loop3A_248 = arith.constant 320 : index
      %parallel_loop3A_249 = tpu.vector_load %arg5[%parallel_loop3A_247, %parallel_loop3A_248] {strides = array<i32>} : memref<32x1024xf32, #tpu.memory_space<vmem>>, vector<1x16xf32>,
      %parallel_loop3A_250 = vector.shape_cast %parallel_loop3A_249 : vector<1x16xf32> to vector<16xf32>
      %parallel_loop3A_251 = arith.index_cast %parallel_loop3A_66 : i32 to index
      %parallel_loop3A_252 = arith.constant 320 : index
      %parallel_loop3A_253 = tpu.vector_load %arg7[%parallel_loop3A_251, %parallel_loop3A_252] {strides = array<i32>} : memref<32x1024xf32, #tpu.memory_space<vmem>>, vector<1x16xf32>,
      %parallel_loop3A_254 = vector.shape_cast %parallel_loop3A_253 : vector<1x16xf32> to vector<16xf32>
      %parallel_loop3A_255 = vector.shape_cast %parallel_loop3A_250 : vector<16xf32> to vector<1x16xf32>
      tpu.vector_store %arg7[%parallel_loop3A_251, %parallel_loop3A_252], %parallel_loop3A_255 {add = true, strides = array<i32>} : memref<32x1024xf32, #tpu.memory_space<vmem>>, vector<1x16xf32>,
      %parallel_loop3A_256 = arith.index_cast %parallel_loop3A_66 : i32 to index
      %parallel_loop3A_257 = arith.constant 336 : index
      %parallel_loop3A_258 = tpu.vector_load %arg5[%parallel_loop3A_256, %parallel_loop3A_257] {strides = array<i32>} : memref<32x1024xf32, #tpu.memory_space<vmem>>, vector<1x16xf32>,
      %parallel_loop3A_259 = vector.shape_cast %parallel_loop3A_258 : vector<1x16xf32> to vector<16xf32>
      %parallel_loop3A_260 = arith.index_cast %parallel_loop3A_66 : i32 to index
      %parallel_loop3A_261 = arith.constant 336 : index
      %parallel_loop3A_262 = tpu.vector_load %arg7[%parallel_loop3A_260, %parallel_loop3A_261] {strides = array<i32>} : memref<32x1024xf32, #tpu.memory_space<vmem>>, vector<1x16xf32>,
      %parallel_loop3A_263 = vector.shape_cast %parallel_loop3A_262 : vector<1x16xf32> to vector<16xf32>
      %parallel_loop3A_264 = vector.shape_cast %parallel_loop3A_259 : vector<16xf32> to vector<1x16xf32>
      tpu.vector_store %arg7[%parallel_loop3A_260, %parallel_loop3A_261], %parallel_loop3A_264 {add = true, strides = array<i32>} : memref<32x1024xf32, #tpu.memory_space<vmem>>, vector<1x16xf32>,
      %parallel_loop3A_265 = arith.index_cast %parallel_loop3A_66 : i32 to index
      %parallel_loop3A_266 = arith.constant 352 : index
      %parallel_loop3A_267 = tpu.vector_load %arg5[%parallel_loop3A_265, %parallel_loop3A_266] {strides = array<i32>} : memref<32x1024xf32, #tpu.memory_space<vmem>>, vector<1x16xf32>,
      %parallel_loop3A_268 = vector.shape_cast %parallel_loop3A_267 : vector<1x16xf32> to vector<16xf32>
      %parallel_loop3A_269 = arith.index_cast %parallel_loop3A_66 : i32 to index
      %parallel_loop3A_270 = arith.constant 352 : index
      %parallel_loop3A_271 = tpu.vector_load %arg7[%parallel_loop3A_269, %parallel_loop3A_270] {strides = array<i32>} : memref<32x1024xf32, #tpu.memory_space<vmem>>, vector<1x16xf32>,
      %parallel_loop3A_272 = vector.shape_cast %parallel_loop3A_271 : vector<1x16xf32> to vector<16xf32>
      %parallel_loop3A_273 = vector.shape_cast %parallel_loop3A_268 : vector<16xf32> to vector<1x16xf32>
      tpu.vector_store %arg7[%parallel_loop3A_269, %parallel_loop3A_270], %parallel_loop3A_273 {add = true, strides = array<i32>} : memref<32x1024xf32, #tpu.memory_space<vmem>>, vector<1x16xf32>,
      %parallel_loop3A_274 = arith.index_cast %parallel_loop3A_66 : i32 to index
      %parallel_loop3A_275 = arith.constant 368 : index
      %parallel_loop3A_276 = tpu.vector_load %arg5[%parallel_loop3A_274, %parallel_loop3A_275] {strides = array<i32>} : memref<32x1024xf32, #tpu.memory_space<vmem>>, vector<1x16xf32>,
      %parallel_loop3A_277 = vector.shape_cast %parallel_loop3A_276 : vector<1x16xf32> to vector<16xf32>
      %parallel_loop3A_278 = arith.index_cast %parallel_loop3A_66 : i32 to index
      %parallel_loop3A_279 = arith.constant 368 : index
      %parallel_loop3A_280 = tpu.vector_load %arg7[%parallel_loop3A_278, %parallel_loop3A_279] {strides = array<i32>} : memref<32x1024xf32, #tpu.memory_space<vmem>>, vector<1x16xf32>,
      %parallel_loop3A_281 = vector.shape_cast %parallel_loop3A_280 : vector<1x16xf32> to vector<16xf32>
      %parallel_loop3A_282 = vector.shape_cast %parallel_loop3A_277 : vector<16xf32> to vector<1x16xf32>
      tpu.vector_store %arg7[%parallel_loop3A_278, %parallel_loop3A_279], %parallel_loop3A_282 {add = true, strides = array<i32>} : memref<32x1024xf32, #tpu.memory_space<vmem>>, vector<1x16xf32>,
      %parallel_loop3A_283 = arith.index_cast %parallel_loop3A_66 : i32 to index
      %parallel_loop3A_284 = arith.constant 384 : index
      %parallel_loop3A_285 = tpu.vector_load %arg5[%parallel_loop3A_283, %parallel_loop3A_284] {strides = array<i32>} : memref<32x1024xf32, #tpu.memory_space<vmem>>, vector<1x16xf32>,
      %parallel_loop3A_286 = vector.shape_cast %parallel_loop3A_285 : vector<1x16xf32> to vector<16xf32>
      %parallel_loop3A_287 = arith.index_cast %parallel_loop3A_66 : i32 to index
      %parallel_loop3A_288 = arith.constant 384 : index
      %parallel_loop3A_289 = tpu.vector_load %arg7[%parallel_loop3A_287, %parallel_loop3A_288] {strides = array<i32>} : memref<32x1024xf32, #tpu.memory_space<vmem>>, vector<1x16xf32>,
      %parallel_loop3A_290 = vector.shape_cast %parallel_loop3A_289 : vector<1x16xf32> to vector<16xf32>
      %parallel_loop3A_291 = vector.shape_cast %parallel_loop3A_286 : vector<16xf32> to vector<1x16xf32>
      tpu.vector_store %arg7[%parallel_loop3A_287, %parallel_loop3A_288], %parallel_loop3A_291 {add = true, strides = array<i32>} : memref<32x1024xf32, #tpu.memory_space<vmem>>, vector<1x16xf32>,
      %parallel_loop3A_292 = arith.index_cast %parallel_loop3A_66 : i32 to index
      %parallel_loop3A_293 = arith.constant 400 : index
      %parallel_loop3A_294 = tpu.vector_load %arg5[%parallel_loop3A_292, %parallel_loop3A_293] {strides = array<i32>} : memref<32x1024xf32, #tpu.memory_space<vmem>>, vector<1x16xf32>,
      %parallel_loop3A_295 = vector.shape_cast %parallel_loop3A_294 : vector<1x16xf32> to vector<16xf32>
      %parallel_loop3A_296 = arith.index_cast %parallel_loop3A_66 : i32 to index
      %parallel_loop3A_297 = arith.constant 400 : index
      %parallel_loop3A_298 = tpu.vector_load %arg7[%parallel_loop3A_296, %parallel_loop3A_297] {strides = array<i32>} : memref<32x1024xf32, #tpu.memory_space<vmem>>, vector<1x16xf32>,
      %parallel_loop3A_299 = vector.shape_cast %parallel_loop3A_298 : vector<1x16xf32> to vector<16xf32>
      %parallel_loop3A_300 = vector.shape_cast %parallel_loop3A_295 : vector<16xf32> to vector<1x16xf32>
      tpu.vector_store %arg7[%parallel_loop3A_296, %parallel_loop3A_297], %parallel_loop3A_300 {add = true, strides = array<i32>} : memref<32x1024xf32, #tpu.memory_space<vmem>>, vector<1x16xf32>,
      %parallel_loop3A_301 = arith.index_cast %parallel_loop3A_66 : i32 to index
      %parallel_loop3A_302 = arith.constant 416 : index
      %parallel_loop3A_303 = tpu.vector_load %arg5[%parallel_loop3A_301, %parallel_loop3A_302] {strides = array<i32>} : memref<32x1024xf32, #tpu.memory_space<vmem>>, vector<1x16xf32>,
      %parallel_loop3A_304 = vector.shape_cast %parallel_loop3A_303 : vector<1x16xf32> to vector<16xf32>
      %parallel_loop3A_305 = arith.index_cast %parallel_loop3A_66 : i32 to index
      %parallel_loop3A_306 = arith.constant 416 : index
      %parallel_loop3A_307 = tpu.vector_load %arg7[%parallel_loop3A_305, %parallel_loop3A_306] {strides = array<i32>} : memref<32x1024xf32, #tpu.memory_space<vmem>>, vector<1x16xf32>,
      %parallel_loop3A_308 = vector.shape_cast %parallel_loop3A_307 : vector<1x16xf32> to vector<16xf32>
      %parallel_loop3A_309 = vector.shape_cast %parallel_loop3A_304 : vector<16xf32> to vector<1x16xf32>
      tpu.vector_store %arg7[%parallel_loop3A_305, %parallel_loop3A_306], %parallel_loop3A_309 {add = true, strides = array<i32>} : memref<32x1024xf32, #tpu.memory_space<vmem>>, vector<1x16xf32>,
      %parallel_loop3A_310 = arith.index_cast %parallel_loop3A_66 : i32 to index
      %parallel_loop3A_311 = arith.constant 432 : index
      %parallel_loop3A_312 = tpu.vector_load %arg5[%parallel_loop3A_310, %parallel_loop3A_311] {strides = array<i32>} : memref<32x1024xf32, #tpu.memory_space<vmem>>, vector<1x16xf32>,
      %parallel_loop3A_313 = vector.shape_cast %parallel_loop3A_312 : vector<1x16xf32> to vector<16xf32>
      %parallel_loop3A_314 = arith.index_cast %parallel_loop3A_66 : i32 to index
      %parallel_loop3A_315 = arith.constant 432 : index
      %parallel_loop3A_316 = tpu.vector_load %arg7[%parallel_loop3A_314, %parallel_loop3A_315] {strides = array<i32>} : memref<32x1024xf32, #tpu.memory_space<vmem>>, vector<1x16xf32>,
      %parallel_loop3A_317 = vector.shape_cast %parallel_loop3A_316 : vector<1x16xf32> to vector<16xf32>
      %parallel_loop3A_318 = vector.shape_cast %parallel_loop3A_313 : vector<16xf32> to vector<1x16xf32>
      tpu.vector_store %arg7[%parallel_loop3A_314, %parallel_loop3A_315], %parallel_loop3A_318 {add = true, strides = array<i32>} : memref<32x1024xf32, #tpu.memory_space<vmem>>, vector<1x16xf32>,
      %parallel_loop3A_319 = arith.index_cast %parallel_loop3A_66 : i32 to index
      %parallel_loop3A_320 = arith.constant 448 : index
      %parallel_loop3A_321 = tpu.vector_load %arg5[%parallel_loop3A_319, %parallel_loop3A_320] {strides = array<i32>} : memref<32x1024xf32, #tpu.memory_space<vmem>>, vector<1x16xf32>,
      %parallel_loop3A_322 = vector.shape_cast %parallel_loop3A_321 : vector<1x16xf32> to vector<16xf32>
      %parallel_loop3A_323 = arith.index_cast %parallel_loop3A_66 : i32 to index
      %parallel_loop3A_324 = arith.constant 448 : index
      %parallel_loop3A_325 = tpu.vector_load %arg7[%parallel_loop3A_323, %parallel_loop3A_324] {strides = array<i32>} : memref<32x1024xf32, #tpu.memory_space<vmem>>, vector<1x16xf32>,
      %parallel_loop3A_326 = vector.shape_cast %parallel_loop3A_325 : vector<1x16xf32> to vector<16xf32>
      %parallel_loop3A_327 = vector.shape_cast %parallel_loop3A_322 : vector<16xf32> to vector<1x16xf32>
      tpu.vector_store %arg7[%parallel_loop3A_323, %parallel_loop3A_324], %parallel_loop3A_327 {add = true, strides = array<i32>} : memref<32x1024xf32, #tpu.memory_space<vmem>>, vector<1x16xf32>,
      %parallel_loop3A_328 = arith.index_cast %parallel_loop3A_66 : i32 to index
      %parallel_loop3A_329 = arith.constant 464 : index
      %parallel_loop3A_330 = tpu.vector_load %arg5[%parallel_loop3A_328, %parallel_loop3A_329] {strides = array<i32>} : memref<32x1024xf32, #tpu.memory_space<vmem>>, vector<1x16xf32>,
      %parallel_loop3A_331 = vector.shape_cast %parallel_loop3A_330 : vector<1x16xf32> to vector<16xf32>
      %parallel_loop3A_332 = arith.index_cast %parallel_loop3A_66 : i32 to index
      %parallel_loop3A_333 = arith.constant 464 : index
      %parallel_loop3A_334 = tpu.vector_load %arg7[%parallel_loop3A_332, %parallel_loop3A_333] {strides = array<i32>} : memref<32x1024xf32, #tpu.memory_space<vmem>>, vector<1x16xf32>,
      %parallel_loop3A_335 = vector.shape_cast %parallel_loop3A_334 : vector<1x16xf32> to vector<16xf32>
      %parallel_loop3A_336 = vector.shape_cast %parallel_loop3A_331 : vector<16xf32> to vector<1x16xf32>
      tpu.vector_store %arg7[%parallel_loop3A_332, %parallel_loop3A_333], %parallel_loop3A_336 {add = true, strides = array<i32>} : memref<32x1024xf32, #tpu.memory_space<vmem>>, vector<1x16xf32>,
      %parallel_loop3A_337 = arith.index_cast %parallel_loop3A_66 : i32 to index
      %parallel_loop3A_338 = arith.constant 480 : index
      %parallel_loop3A_339 = tpu.vector_load %arg5[%parallel_loop3A_337, %parallel_loop3A_338] {strides = array<i32>} : memref<32x1024xf32, #tpu.memory_space<vmem>>, vector<1x16xf32>,
      %parallel_loop3A_340 = vector.shape_cast %parallel_loop3A_339 : vector<1x16xf32> to vector<16xf32>
      %parallel_loop3A_341 = arith.index_cast %parallel_loop3A_66 : i32 to index
      %parallel_loop3A_342 = arith.constant 480 : index
      %parallel_loop3A_343 = tpu.vector_load %arg7[%parallel_loop3A_341, %parallel_loop3A_342] {strides = array<i32>} : memref<32x1024xf32, #tpu.memory_space<vmem>>, vector<1x16xf32>,
      %parallel_loop3A_344 = vector.shape_cast %parallel_loop3A_343 : vector<1x16xf32> to vector<16xf32>
      %parallel_loop3A_345 = vector.shape_cast %parallel_loop3A_340 : vector<16xf32> to vector<1x16xf32>
      tpu.vector_store %arg7[%parallel_loop3A_341, %parallel_loop3A_342], %parallel_loop3A_345 {add = true, strides = array<i32>} : memref<32x1024xf32, #tpu.memory_space<vmem>>, vector<1x16xf32>,
      %parallel_loop3A_346 = arith.index_cast %parallel_loop3A_66 : i32 to index
      %parallel_loop3A_347 = arith.constant 496 : index
      %parallel_loop3A_348 = tpu.vector_load %arg5[%parallel_loop3A_346, %parallel_loop3A_347] {strides = array<i32>} : memref<32x1024xf32, #tpu.memory_space<vmem>>, vector<1x16xf32>,
      %parallel_loop3A_349 = vector.shape_cast %parallel_loop3A_348 : vector<1x16xf32> to vector<16xf32>
      %parallel_loop3A_350 = arith.index_cast %parallel_loop3A_66 : i32 to index
      %parallel_loop3A_351 = arith.constant 496 : index
      %parallel_loop3A_352 = tpu.vector_load %arg7[%parallel_loop3A_350, %parallel_loop3A_351] {strides = array<i32>} : memref<32x1024xf32, #tpu.memory_space<vmem>>, vector<1x16xf32>,
      %parallel_loop3A_353 = vector.shape_cast %parallel_loop3A_352 : vector<1x16xf32> to vector<16xf32>
      %parallel_loop3A_354 = vector.shape_cast %parallel_loop3A_349 : vector<16xf32> to vector<1x16xf32>
      tpu.vector_store %arg7[%parallel_loop3A_350, %parallel_loop3A_351], %parallel_loop3A_354 {add = true, strides = array<i32>} : memref<32x1024xf32, #tpu.memory_space<vmem>>, vector<1x16xf32>,
      %parallel_loop3A_355 = arith.index_cast %parallel_loop3A_66 : i32 to index
      %parallel_loop3A_356 = arith.constant 512 : index
      %parallel_loop3A_357 = tpu.vector_load %arg5[%parallel_loop3A_355, %parallel_loop3A_356] {strides = array<i32>} : memref<32x1024xf32, #tpu.memory_space<vmem>>, vector<1x16xf32>,
      %parallel_loop3A_358 = vector.shape_cast %parallel_loop3A_357 : vector<1x16xf32> to vector<16xf32>
      %parallel_loop3A_359 = arith.index_cast %parallel_loop3A_66 : i32 to index
      %parallel_loop3A_360 = arith.constant 512 : index
      %parallel_loop3A_361 = tpu.vector_load %arg7[%parallel_loop3A_359, %parallel_loop3A_360] {strides = array<i32>} : memref<32x1024xf32, #tpu.memory_space<vmem>>, vector<1x16xf32>,
      %parallel_loop3A_362 = vector.shape_cast %parallel_loop3A_361 : vector<1x16xf32> to vector<16xf32>
      %parallel_loop3A_363 = vector.shape_cast %parallel_loop3A_358 : vector<16xf32> to vector<1x16xf32>
      tpu.vector_store %arg7[%parallel_loop3A_359, %parallel_loop3A_360], %parallel_loop3A_363 {add = true, strides = array<i32>} : memref<32x1024xf32, #tpu.memory_space<vmem>>, vector<1x16xf32>,
      %parallel_loop3A_364 = arith.index_cast %parallel_loop3A_66 : i32 to index
      %parallel_loop3A_365 = arith.constant 528 : index
      %parallel_loop3A_366 = tpu.vector_load %arg5[%parallel_loop3A_364, %parallel_loop3A_365] {strides = array<i32>} : memref<32x1024xf32, #tpu.memory_space<vmem>>, vector<1x16xf32>,
      %parallel_loop3A_367 = vector.shape_cast %parallel_loop3A_366 : vector<1x16xf32> to vector<16xf32>
      %parallel_loop3A_368 = arith.index_cast %parallel_loop3A_66 : i32 to index
      %parallel_loop3A_369 = arith.constant 528 : index
      %parallel_loop3A_370 = tpu.vector_load %arg7[%parallel_loop3A_368, %parallel_loop3A_369] {strides = array<i32>} : memref<32x1024xf32, #tpu.memory_space<vmem>>, vector<1x16xf32>,
      %parallel_loop3A_371 = vector.shape_cast %parallel_loop3A_370 : vector<1x16xf32> to vector<16xf32>
      %parallel_loop3A_372 = vector.shape_cast %parallel_loop3A_367 : vector<16xf32> to vector<1x16xf32>
      tpu.vector_store %arg7[%parallel_loop3A_368, %parallel_loop3A_369], %parallel_loop3A_372 {add = true, strides = array<i32>} : memref<32x1024xf32, #tpu.memory_space<vmem>>, vector<1x16xf32>,
      %parallel_loop3A_373 = arith.index_cast %parallel_loop3A_66 : i32 to index
      %parallel_loop3A_374 = arith.constant 544 : index
      %parallel_loop3A_375 = tpu.vector_load %arg5[%parallel_loop3A_373, %parallel_loop3A_374] {strides = array<i32>} : memref<32x1024xf32, #tpu.memory_space<vmem>>, vector<1x16xf32>,
      %parallel_loop3A_376 = vector.shape_cast %parallel_loop3A_375 : vector<1x16xf32> to vector<16xf32>
      %parallel_loop3A_377 = arith.index_cast %parallel_loop3A_66 : i32 to index
      %parallel_loop3A_378 = arith.constant 544 : index
      %parallel_loop3A_379 = tpu.vector_load %arg7[%parallel_loop3A_377, %parallel_loop3A_378] {strides = array<i32>} : memref<32x1024xf32, #tpu.memory_space<vmem>>, vector<1x16xf32>,
      %parallel_loop3A_380 = vector.shape_cast %parallel_loop3A_379 : vector<1x16xf32> to vector<16xf32>
      %parallel_loop3A_381 = vector.shape_cast %parallel_loop3A_376 : vector<16xf32> to vector<1x16xf32>
      tpu.vector_store %arg7[%parallel_loop3A_377, %parallel_loop3A_378], %parallel_loop3A_381 {add = true, strides = array<i32>} : memref<32x1024xf32, #tpu.memory_space<vmem>>, vector<1x16xf32>,
      %parallel_loop3A_382 = arith.index_cast %parallel_loop3A_66 : i32 to index
      %parallel_loop3A_383 = arith.constant 560 : index
      %parallel_loop3A_384 = tpu.vector_load %arg5[%parallel_loop3A_382, %parallel_loop3A_383] {strides = array<i32>} : memref<32x1024xf32, #tpu.memory_space<vmem>>, vector<1x16xf32>,
      %parallel_loop3A_385 = vector.shape_cast %parallel_loop3A_384 : vector<1x16xf32> to vector<16xf32>
      %parallel_loop3A_386 = arith.index_cast %parallel_loop3A_66 : i32 to index
      %parallel_loop3A_387 = arith.constant 560 : index
      %parallel_loop3A_388 = tpu.vector_load %arg7[%parallel_loop3A_386, %parallel_loop3A_387] {strides = array<i32>} : memref<32x1024xf32, #tpu.memory_space<vmem>>, vector<1x16xf32>,
      %parallel_loop3A_389 = vector.shape_cast %parallel_loop3A_388 : vector<1x16xf32> to vector<16xf32>
      %parallel_loop3A_390 = vector.shape_cast %parallel_loop3A_385 : vector<16xf32> to vector<1x16xf32>
      tpu.vector_store %arg7[%parallel_loop3A_386, %parallel_loop3A_387], %parallel_loop3A_390 {add = true, strides = array<i32>} : memref<32x1024xf32, #tpu.memory_space<vmem>>, vector<1x16xf32>,
      %parallel_loop3A_391 = arith.index_cast %parallel_loop3A_66 : i32 to index
      %parallel_loop3A_392 = arith.constant 576 : index
      %parallel_loop3A_393 = tpu.vector_load %arg5[%parallel_loop3A_391, %parallel_loop3A_392] {strides = array<i32>} : memref<32x1024xf32, #tpu.memory_space<vmem>>, vector<1x16xf32>,
      %parallel_loop3A_394 = vector.shape_cast %parallel_loop3A_393 : vector<1x16xf32> to vector<16xf32>
      %parallel_loop3A_395 = arith.index_cast %parallel_loop3A_66 : i32 to index
      %parallel_loop3A_396 = arith.constant 576 : index
      %parallel_loop3A_397 = tpu.vector_load %arg7[%parallel_loop3A_395, %parallel_loop3A_396] {strides = array<i32>} : memref<32x1024xf32, #tpu.memory_space<vmem>>, vector<1x16xf32>,
      %parallel_loop3A_398 = vector.shape_cast %parallel_loop3A_397 : vector<1x16xf32> to vector<16xf32>
      %parallel_loop3A_399 = vector.shape_cast %parallel_loop3A_394 : vector<16xf32> to vector<1x16xf32>
      tpu.vector_store %arg7[%parallel_loop3A_395, %parallel_loop3A_396], %parallel_loop3A_399 {add = true, strides = array<i32>} : memref<32x1024xf32, #tpu.memory_space<vmem>>, vector<1x16xf32>,
      %parallel_loop3A_400 = arith.index_cast %parallel_loop3A_66 : i32 to index
      %parallel_loop3A_401 = arith.constant 592 : index
      %parallel_loop3A_402 = tpu.vector_load %arg5[%parallel_loop3A_400, %parallel_loop3A_401] {strides = array<i32>} : memref<32x1024xf32, #tpu.memory_space<vmem>>, vector<1x16xf32>,
      %parallel_loop3A_403 = vector.shape_cast %parallel_loop3A_402 : vector<1x16xf32> to vector<16xf32>
      %parallel_loop3A_404 = arith.index_cast %parallel_loop3A_66 : i32 to index
      %parallel_loop3A_405 = arith.constant 592 : index
      %parallel_loop3A_406 = tpu.vector_load %arg7[%parallel_loop3A_404, %parallel_loop3A_405] {strides = array<i32>} : memref<32x1024xf32, #tpu.memory_space<vmem>>, vector<1x16xf32>,
      %parallel_loop3A_407 = vector.shape_cast %parallel_loop3A_406 : vector<1x16xf32> to vector<16xf32>
      %parallel_loop3A_408 = vector.shape_cast %parallel_loop3A_403 : vector<16xf32> to vector<1x16xf32>
      tpu.vector_store %arg7[%parallel_loop3A_404, %parallel_loop3A_405], %parallel_loop3A_408 {add = true, strides = array<i32>} : memref<32x1024xf32, #tpu.memory_space<vmem>>, vector<1x16xf32>,
      %parallel_loop3A_409 = arith.index_cast %parallel_loop3A_66 : i32 to index
      %parallel_loop3A_410 = arith.constant 608 : index
      %parallel_loop3A_411 = tpu.vector_load %arg5[%parallel_loop3A_409, %parallel_loop3A_410] {strides = array<i32>} : memref<32x1024xf32, #tpu.memory_space<vmem>>, vector<1x16xf32>,
      %parallel_loop3A_412 = vector.shape_cast %parallel_loop3A_411 : vector<1x16xf32> to vector<16xf32>
      %parallel_loop3A_413 = arith.index_cast %parallel_loop3A_66 : i32 to index
      %parallel_loop3A_414 = arith.constant 608 : index
      %parallel_loop3A_415 = tpu.vector_load %arg7[%parallel_loop3A_413, %parallel_loop3A_414] {strides = array<i32>} : memref<32x1024xf32, #tpu.memory_space<vmem>>, vector<1x16xf32>,
      %parallel_loop3A_416 = vector.shape_cast %parallel_loop3A_415 : vector<1x16xf32> to vector<16xf32>
      %parallel_loop3A_417 = vector.shape_cast %parallel_loop3A_412 : vector<16xf32> to vector<1x16xf32>
      tpu.vector_store %arg7[%parallel_loop3A_413, %parallel_loop3A_414], %parallel_loop3A_417 {add = true, strides = array<i32>} : memref<32x1024xf32, #tpu.memory_space<vmem>>, vector<1x16xf32>,
      %parallel_loop3A_418 = arith.index_cast %parallel_loop3A_66 : i32 to index
      %parallel_loop3A_419 = arith.constant 624 : index
      %parallel_loop3A_420 = tpu.vector_load %arg5[%parallel_loop3A_418, %parallel_loop3A_419] {strides = array<i32>} : memref<32x1024xf32, #tpu.memory_space<vmem>>, vector<1x16xf32>,
      %parallel_loop3A_421 = vector.shape_cast %parallel_loop3A_420 : vector<1x16xf32> to vector<16xf32>
      %parallel_loop3A_422 = arith.index_cast %parallel_loop3A_66 : i32 to index
      %parallel_loop3A_423 = arith.constant 624 : index
      %parallel_loop3A_424 = tpu.vector_load %arg7[%parallel_loop3A_422, %parallel_loop3A_423] {strides = array<i32>} : memref<32x1024xf32, #tpu.memory_space<vmem>>, vector<1x16xf32>,
      %parallel_loop3A_425 = vector.shape_cast %parallel_loop3A_424 : vector<1x16xf32> to vector<16xf32>
      %parallel_loop3A_426 = vector.shape_cast %parallel_loop3A_421 : vector<16xf32> to vector<1x16xf32>
      tpu.vector_store %arg7[%parallel_loop3A_422, %parallel_loop3A_423], %parallel_loop3A_426 {add = true, strides = array<i32>} : memref<32x1024xf32, #tpu.memory_space<vmem>>, vector<1x16xf32>,
      %parallel_loop3A_427 = arith.index_cast %parallel_loop3A_66 : i32 to index
      %parallel_loop3A_428 = arith.constant 640 : index
      %parallel_loop3A_429 = tpu.vector_load %arg5[%parallel_loop3A_427, %parallel_loop3A_428] {strides = array<i32>} : memref<32x1024xf32, #tpu.memory_space<vmem>>, vector<1x16xf32>,
      %parallel_loop3A_430 = vector.shape_cast %parallel_loop3A_429 : vector<1x16xf32> to vector<16xf32>
      %parallel_loop3A_431 = arith.index_cast %parallel_loop3A_66 : i32 to index
      %parallel_loop3A_432 = arith.constant 640 : index
      %parallel_loop3A_433 = tpu.vector_load %arg7[%parallel_loop3A_431, %parallel_loop3A_432] {strides = array<i32>} : memref<32x1024xf32, #tpu.memory_space<vmem>>, vector<1x16xf32>,
      %parallel_loop3A_434 = vector.shape_cast %parallel_loop3A_433 : vector<1x16xf32> to vector<16xf32>
      %parallel_loop3A_435 = vector.shape_cast %parallel_loop3A_430 : vector<16xf32> to vector<1x16xf32>
      tpu.vector_store %arg7[%parallel_loop3A_431, %parallel_loop3A_432], %parallel_loop3A_435 {add = true, strides = array<i32>} : memref<32x1024xf32, #tpu.memory_space<vmem>>, vector<1x16xf32>,
      %parallel_loop3A_436 = arith.index_cast %parallel_loop3A_66 : i32 to index
      %parallel_loop3A_437 = arith.constant 656 : index
      %parallel_loop3A_438 = tpu.vector_load %arg5[%parallel_loop3A_436, %parallel_loop3A_437] {strides = array<i32>} : memref<32x1024xf32, #tpu.memory_space<vmem>>, vector<1x16xf32>,
      %parallel_loop3A_439 = vector.shape_cast %parallel_loop3A_438 : vector<1x16xf32> to vector<16xf32>
      %parallel_loop3A_440 = arith.index_cast %parallel_loop3A_66 : i32 to index
      %parallel_loop3A_441 = arith.constant 656 : index
      %parallel_loop3A_442 = tpu.vector_load %arg7[%parallel_loop3A_440, %parallel_loop3A_441] {strides = array<i32>} : memref<32x1024xf32, #tpu.memory_space<vmem>>, vector<1x16xf32>,
      %parallel_loop3A_443 = vector.shape_cast %parallel_loop3A_442 : vector<1x16xf32> to vector<16xf32>
      %parallel_loop3A_444 = vector.shape_cast %parallel_loop3A_439 : vector<16xf32> to vector<1x16xf32>
      tpu.vector_store %arg7[%parallel_loop3A_440, %parallel_loop3A_441], %parallel_loop3A_444 {add = true, strides = array<i32>} : memref<32x1024xf32, #tpu.memory_space<vmem>>, vector<1x16xf32>,
      %parallel_loop3A_445 = arith.index_cast %parallel_loop3A_66 : i32 to index
      %parallel_loop3A_446 = arith.constant 672 : index
      %parallel_loop3A_447 = tpu.vector_load %arg5[%parallel_loop3A_445, %parallel_loop3A_446] {strides = array<i32>} : memref<32x1024xf32, #tpu.memory_space<vmem>>, vector<1x16xf32>,
      %parallel_loop3A_448 = vector.shape_cast %parallel_loop3A_447 : vector<1x16xf32> to vector<16xf32>
      %parallel_loop3A_449 = arith.index_cast %parallel_loop3A_66 : i32 to index
      %parallel_loop3A_450 = arith.constant 672 : index
      %parallel_loop3A_451 = tpu.vector_load %arg7[%parallel_loop3A_449, %parallel_loop3A_450] {strides = array<i32>} : memref<32x1024xf32, #tpu.memory_space<vmem>>, vector<1x16xf32>,
      %parallel_loop3A_452 = vector.shape_cast %parallel_loop3A_451 : vector<1x16xf32> to vector<16xf32>
      %parallel_loop3A_453 = vector.shape_cast %parallel_loop3A_448 : vector<16xf32> to vector<1x16xf32>
      tpu.vector_store %arg7[%parallel_loop3A_449, %parallel_loop3A_450], %parallel_loop3A_453 {add = true, strides = array<i32>} : memref<32x1024xf32, #tpu.memory_space<vmem>>, vector<1x16xf32>,
      %parallel_loop3A_454 = arith.index_cast %parallel_loop3A_66 : i32 to index
      %parallel_loop3A_455 = arith.constant 688 : index
      %parallel_loop3A_456 = tpu.vector_load %arg5[%parallel_loop3A_454, %parallel_loop3A_455] {strides = array<i32>} : memref<32x1024xf32, #tpu.memory_space<vmem>>, vector<1x16xf32>,
      %parallel_loop3A_457 = vector.shape_cast %parallel_loop3A_456 : vector<1x16xf32> to vector<16xf32>
      %parallel_loop3A_458 = arith.index_cast %parallel_loop3A_66 : i32 to index
      %parallel_loop3A_459 = arith.constant 688 : index
      %parallel_loop3A_460 = tpu.vector_load %arg7[%parallel_loop3A_458, %parallel_loop3A_459] {strides = array<i32>} : memref<32x1024xf32, #tpu.memory_space<vmem>>, vector<1x16xf32>,
      %parallel_loop3A_461 = vector.shape_cast %parallel_loop3A_460 : vector<1x16xf32> to vector<16xf32>
      %parallel_loop3A_462 = vector.shape_cast %parallel_loop3A_457 : vector<16xf32> to vector<1x16xf32>
      tpu.vector_store %arg7[%parallel_loop3A_458, %parallel_loop3A_459], %parallel_loop3A_462 {add = true, strides = array<i32>} : memref<32x1024xf32, #tpu.memory_space<vmem>>, vector<1x16xf32>,
      %parallel_loop3A_463 = arith.index_cast %parallel_loop3A_66 : i32 to index
      %parallel_loop3A_464 = arith.constant 704 : index
      %parallel_loop3A_465 = tpu.vector_load %arg5[%parallel_loop3A_463, %parallel_loop3A_464] {strides = array<i32>} : memref<32x1024xf32, #tpu.memory_space<vmem>>, vector<1x16xf32>,
      %parallel_loop3A_466 = vector.shape_cast %parallel_loop3A_465 : vector<1x16xf32> to vector<16xf32>
      %parallel_loop3A_467 = arith.index_cast %parallel_loop3A_66 : i32 to index
      %parallel_loop3A_468 = arith.constant 704 : index
      %parallel_loop3A_469 = tpu.vector_load %arg7[%parallel_loop3A_467, %parallel_loop3A_468] {strides = array<i32>} : memref<32x1024xf32, #tpu.memory_space<vmem>>, vector<1x16xf32>,
      %parallel_loop3A_470 = vector.shape_cast %parallel_loop3A_469 : vector<1x16xf32> to vector<16xf32>
      %parallel_loop3A_471 = vector.shape_cast %parallel_loop3A_466 : vector<16xf32> to vector<1x16xf32>
      tpu.vector_store %arg7[%parallel_loop3A_467, %parallel_loop3A_468], %parallel_loop3A_471 {add = true, strides = array<i32>} : memref<32x1024xf32, #tpu.memory_space<vmem>>, vector<1x16xf32>,
      %parallel_loop3A_472 = arith.index_cast %parallel_loop3A_66 : i32 to index
      %parallel_loop3A_473 = arith.constant 720 : index
      %parallel_loop3A_474 = tpu.vector_load %arg5[%parallel_loop3A_472, %parallel_loop3A_473] {strides = array<i32>} : memref<32x1024xf32, #tpu.memory_space<vmem>>, vector<1x16xf32>,
      %parallel_loop3A_475 = vector.shape_cast %parallel_loop3A_474 : vector<1x16xf32> to vector<16xf32>
      %parallel_loop3A_476 = arith.index_cast %parallel_loop3A_66 : i32 to index
      %parallel_loop3A_477 = arith.constant 720 : index
      %parallel_loop3A_478 = tpu.vector_load %arg7[%parallel_loop3A_476, %parallel_loop3A_477] {strides = array<i32>} : memref<32x1024xf32, #tpu.memory_space<vmem>>, vector<1x16xf32>,
      %parallel_loop3A_479 = vector.shape_cast %parallel_loop3A_478 : vector<1x16xf32> to vector<16xf32>
      %parallel_loop3A_480 = vector.shape_cast %parallel_loop3A_475 : vector<16xf32> to vector<1x16xf32>
      tpu.vector_store %arg7[%parallel_loop3A_476, %parallel_loop3A_477], %parallel_loop3A_480 {add = true, strides = array<i32>} : memref<32x1024xf32, #tpu.memory_space<vmem>>, vector<1x16xf32>,
      %parallel_loop3A_481 = arith.index_cast %parallel_loop3A_66 : i32 to index
      %parallel_loop3A_482 = arith.constant 736 : index
      %parallel_loop3A_483 = tpu.vector_load %arg5[%parallel_loop3A_481, %parallel_loop3A_482] {strides = array<i32>} : memref<32x1024xf32, #tpu.memory_space<vmem>>, vector<1x16xf32>,
      %parallel_loop3A_484 = vector.shape_cast %parallel_loop3A_483 : vector<1x16xf32> to vector<16xf32>
      %parallel_loop3A_485 = arith.index_cast %parallel_loop3A_66 : i32 to index
      %parallel_loop3A_486 = arith.constant 736 : index
      %parallel_loop3A_487 = tpu.vector_load %arg7[%parallel_loop3A_485, %parallel_loop3A_486] {strides = array<i32>} : memref<32x1024xf32, #tpu.memory_space<vmem>>, vector<1x16xf32>,
      %parallel_loop3A_488 = vector.shape_cast %parallel_loop3A_487 : vector<1x16xf32> to vector<16xf32>
      %parallel_loop3A_489 = vector.shape_cast %parallel_loop3A_484 : vector<16xf32> to vector<1x16xf32>
      tpu.vector_store %arg7[%parallel_loop3A_485, %parallel_loop3A_486], %parallel_loop3A_489 {add = true, strides = array<i32>} : memref<32x1024xf32, #tpu.memory_space<vmem>>, vector<1x16xf32>,
      %parallel_loop3A_490 = arith.index_cast %parallel_loop3A_66 : i32 to index
      %parallel_loop3A_491 = arith.constant 752 : index
      %parallel_loop3A_492 = tpu.vector_load %arg5[%parallel_loop3A_490, %parallel_loop3A_491] {strides = array<i32>} : memref<32x1024xf32, #tpu.memory_space<vmem>>, vector<1x16xf32>,
      %parallel_loop3A_493 = vector.shape_cast %parallel_loop3A_492 : vector<1x16xf32> to vector<16xf32>
      %parallel_loop3A_494 = arith.index_cast %parallel_loop3A_66 : i32 to index
      %parallel_loop3A_495 = arith.constant 752 : index
      %parallel_loop3A_496 = tpu.vector_load %arg7[%parallel_loop3A_494, %parallel_loop3A_495] {strides = array<i32>} : memref<32x1024xf32, #tpu.memory_space<vmem>>, vector<1x16xf32>,
      %parallel_loop3A_497 = vector.shape_cast %parallel_loop3A_496 : vector<1x16xf32> to vector<16xf32>
      %parallel_loop3A_498 = vector.shape_cast %parallel_loop3A_493 : vector<16xf32> to vector<1x16xf32>
      tpu.vector_store %arg7[%parallel_loop3A_494, %parallel_loop3A_495], %parallel_loop3A_498 {add = true, strides = array<i32>} : memref<32x1024xf32, #tpu.memory_space<vmem>>, vector<1x16xf32>,
      %parallel_loop3A_499 = arith.index_cast %parallel_loop3A_66 : i32 to index
      %parallel_loop3A_500 = arith.constant 768 : index
      %parallel_loop3A_501 = tpu.vector_load %arg5[%parallel_loop3A_499, %parallel_loop3A_500] {strides = array<i32>} : memref<32x1024xf32, #tpu.memory_space<vmem>>, vector<1x16xf32>,
      %parallel_loop3A_502 = vector.shape_cast %parallel_loop3A_501 : vector<1x16xf32> to vector<16xf32>
      %parallel_loop3A_503 = arith.index_cast %parallel_loop3A_66 : i32 to index
      %parallel_loop3A_504 = arith.constant 768 : index
      %parallel_loop3A_505 = tpu.vector_load %arg7[%parallel_loop3A_503, %parallel_loop3A_504] {strides = array<i32>} : memref<32x1024xf32, #tpu.memory_space<vmem>>, vector<1x16xf32>,
      %parallel_loop3A_506 = vector.shape_cast %parallel_loop3A_505 : vector<1x16xf32> to vector<16xf32>
      %parallel_loop3A_507 = vector.shape_cast %parallel_loop3A_502 : vector<16xf32> to vector<1x16xf32>
      tpu.vector_store %arg7[%parallel_loop3A_503, %parallel_loop3A_504], %parallel_loop3A_507 {add = true, strides = array<i32>} : memref<32x1024xf32, #tpu.memory_space<vmem>>, vector<1x16xf32>,
      %parallel_loop3A_508 = arith.index_cast %parallel_loop3A_66 : i32 to index
      %parallel_loop3A_509 = arith.constant 784 : index
      %parallel_loop3A_510 = tpu.vector_load %arg5[%parallel_loop3A_508, %parallel_loop3A_509] {strides = array<i32>} : memref<32x1024xf32, #tpu.memory_space<vmem>>, vector<1x16xf32>,
      %parallel_loop3A_511 = vector.shape_cast %parallel_loop3A_510 : vector<1x16xf32> to vector<16xf32>
      %parallel_loop3A_512 = arith.index_cast %parallel_loop3A_66 : i32 to index
      %parallel_loop3A_513 = arith.constant 784 : index
      %parallel_loop3A_514 = tpu.vector_load %arg7[%parallel_loop3A_512, %parallel_loop3A_513] {strides = array<i32>} : memref<32x1024xf32, #tpu.memory_space<vmem>>, vector<1x16xf32>,
      %parallel_loop3A_515 = vector.shape_cast %parallel_loop3A_514 : vector<1x16xf32> to vector<16xf32>
      %parallel_loop3A_516 = vector.shape_cast %parallel_loop3A_511 : vector<16xf32> to vector<1x16xf32>
      tpu.vector_store %arg7[%parallel_loop3A_512, %parallel_loop3A_513], %parallel_loop3A_516 {add = true, strides = array<i32>} : memref<32x1024xf32, #tpu.memory_space<vmem>>, vector<1x16xf32>,
      %parallel_loop3A_517 = arith.index_cast %parallel_loop3A_66 : i32 to index
      %parallel_loop3A_518 = arith.constant 800 : index
      %parallel_loop3A_519 = tpu.vector_load %arg5[%parallel_loop3A_517, %parallel_loop3A_518] {strides = array<i32>} : memref<32x1024xf32, #tpu.memory_space<vmem>>, vector<1x16xf32>,
      %parallel_loop3A_520 = vector.shape_cast %parallel_loop3A_519 : vector<1x16xf32> to vector<16xf32>
      %parallel_loop3A_521 = arith.index_cast %parallel_loop3A_66 : i32 to index
      %parallel_loop3A_522 = arith.constant 800 : index
      %parallel_loop3A_523 = tpu.vector_load %arg7[%parallel_loop3A_521, %parallel_loop3A_522] {strides = array<i32>} : memref<32x1024xf32, #tpu.memory_space<vmem>>, vector<1x16xf32>,
      %parallel_loop3A_524 = vector.shape_cast %parallel_loop3A_523 : vector<1x16xf32> to vector<16xf32>
      %parallel_loop3A_525 = vector.shape_cast %parallel_loop3A_520 : vector<16xf32> to vector<1x16xf32>
      tpu.vector_store %arg7[%parallel_loop3A_521, %parallel_loop3A_522], %parallel_loop3A_525 {add = true, strides = array<i32>} : memref<32x1024xf32, #tpu.memory_space<vmem>>, vector<1x16xf32>,
      %parallel_loop3A_526 = arith.index_cast %parallel_loop3A_66 : i32 to index
      %parallel_loop3A_527 = arith.constant 816 : index
      %parallel_loop3A_528 = tpu.vector_load %arg5[%parallel_loop3A_526, %parallel_loop3A_527] {strides = array<i32>} : memref<32x1024xf32, #tpu.memory_space<vmem>>, vector<1x16xf32>,
      %parallel_loop3A_529 = vector.shape_cast %parallel_loop3A_528 : vector<1x16xf32> to vector<16xf32>
      %parallel_loop3A_530 = arith.index_cast %parallel_loop3A_66 : i32 to index
      %parallel_loop3A_531 = arith.constant 816 : index
      %parallel_loop3A_532 = tpu.vector_load %arg7[%parallel_loop3A_530, %parallel_loop3A_531] {strides = array<i32>} : memref<32x1024xf32, #tpu.memory_space<vmem>>, vector<1x16xf32>,
      %parallel_loop3A_533 = vector.shape_cast %parallel_loop3A_532 : vector<1x16xf32> to vector<16xf32>
      %parallel_loop3A_534 = vector.shape_cast %parallel_loop3A_529 : vector<16xf32> to vector<1x16xf32>
      tpu.vector_store %arg7[%parallel_loop3A_530, %parallel_loop3A_531], %parallel_loop3A_534 {add = true, strides = array<i32>} : memref<32x1024xf32, #tpu.memory_space<vmem>>, vector<1x16xf32>,
      %parallel_loop3A_535 = arith.index_cast %parallel_loop3A_66 : i32 to index
      %parallel_loop3A_536 = arith.constant 832 : index
      %parallel_loop3A_537 = tpu.vector_load %arg5[%parallel_loop3A_535, %parallel_loop3A_536] {strides = array<i32>} : memref<32x1024xf32, #tpu.memory_space<vmem>>, vector<1x16xf32>,
      %parallel_loop3A_538 = vector.shape_cast %parallel_loop3A_537 : vector<1x16xf32> to vector<16xf32>
      %parallel_loop3A_539 = arith.index_cast %parallel_loop3A_66 : i32 to index
      %parallel_loop3A_540 = arith.constant 832 : index
      %parallel_loop3A_541 = tpu.vector_load %arg7[%parallel_loop3A_539, %parallel_loop3A_540] {strides = array<i32>} : memref<32x1024xf32, #tpu.memory_space<vmem>>, vector<1x16xf32>,
      %parallel_loop3A_542 = vector.shape_cast %parallel_loop3A_541 : vector<1x16xf32> to vector<16xf32>
      %parallel_loop3A_543 = vector.shape_cast %parallel_loop3A_538 : vector<16xf32> to vector<1x16xf32>
      tpu.vector_store %arg7[%parallel_loop3A_539, %parallel_loop3A_540], %parallel_loop3A_543 {add = true, strides = array<i32>} : memref<32x1024xf32, #tpu.memory_space<vmem>>, vector<1x16xf32>,
      %parallel_loop3A_544 = arith.index_cast %parallel_loop3A_66 : i32 to index
      %parallel_loop3A_545 = arith.constant 848 : index
      %parallel_loop3A_546 = tpu.vector_load %arg5[%parallel_loop3A_544, %parallel_loop3A_545] {strides = array<i32>} : memref<32x1024xf32, #tpu.memory_space<vmem>>, vector<1x16xf32>,
      %parallel_loop3A_547 = vector.shape_cast %parallel_loop3A_546 : vector<1x16xf32> to vector<16xf32>
      %parallel_loop3A_548 = arith.index_cast %parallel_loop3A_66 : i32 to index
      %parallel_loop3A_549 = arith.constant 848 : index
      %parallel_loop3A_550 = tpu.vector_load %arg7[%parallel_loop3A_548, %parallel_loop3A_549] {strides = array<i32>} : memref<32x1024xf32, #tpu.memory_space<vmem>>, vector<1x16xf32>,
      %parallel_loop3A_551 = vector.shape_cast %parallel_loop3A_550 : vector<1x16xf32> to vector<16xf32>
      %parallel_loop3A_552 = vector.shape_cast %parallel_loop3A_547 : vector<16xf32> to vector<1x16xf32>
      tpu.vector_store %arg7[%parallel_loop3A_548, %parallel_loop3A_549], %parallel_loop3A_552 {add = true, strides = array<i32>} : memref<32x1024xf32, #tpu.memory_space<vmem>>, vector<1x16xf32>,
      %parallel_loop3A_553 = arith.index_cast %parallel_loop3A_66 : i32 to index
      %parallel_loop3A_554 = arith.constant 864 : index
      %parallel_loop3A_555 = tpu.vector_load %arg5[%parallel_loop3A_553, %parallel_loop3A_554] {strides = array<i32>} : memref<32x1024xf32, #tpu.memory_space<vmem>>, vector<1x16xf32>,
      %parallel_loop3A_556 = vector.shape_cast %parallel_loop3A_555 : vector<1x16xf32> to vector<16xf32>
      %parallel_loop3A_557 = arith.index_cast %parallel_loop3A_66 : i32 to index
      %parallel_loop3A_558 = arith.constant 864 : index
      %parallel_loop3A_559 = tpu.vector_load %arg7[%parallel_loop3A_557, %parallel_loop3A_558] {strides = array<i32>} : memref<32x1024xf32, #tpu.memory_space<vmem>>, vector<1x16xf32>,
      %parallel_loop3A_560 = vector.shape_cast %parallel_loop3A_559 : vector<1x16xf32> to vector<16xf32>
      %parallel_loop3A_561 = vector.shape_cast %parallel_loop3A_556 : vector<16xf32> to vector<1x16xf32>
      tpu.vector_store %arg7[%parallel_loop3A_557, %parallel_loop3A_558], %parallel_loop3A_561 {add = true, strides = array<i32>} : memref<32x1024xf32, #tpu.memory_space<vmem>>, vector<1x16xf32>,
      %parallel_loop3A_562 = arith.index_cast %parallel_loop3A_66 : i32 to index
      %parallel_loop3A_563 = arith.constant 880 : index
      %parallel_loop3A_564 = tpu.vector_load %arg5[%parallel_loop3A_562, %parallel_loop3A_563] {strides = array<i32>} : memref<32x1024xf32, #tpu.memory_space<vmem>>, vector<1x16xf32>,
      %parallel_loop3A_565 = vector.shape_cast %parallel_loop3A_564 : vector<1x16xf32> to vector<16xf32>
      %parallel_loop3A_566 = arith.index_cast %parallel_loop3A_66 : i32 to index
      %parallel_loop3A_567 = arith.constant 880 : index
      %parallel_loop3A_568 = tpu.vector_load %arg7[%parallel_loop3A_566, %parallel_loop3A_567] {strides = array<i32>} : memref<32x1024xf32, #tpu.memory_space<vmem>>, vector<1x16xf32>,
      %parallel_loop3A_569 = vector.shape_cast %parallel_loop3A_568 : vector<1x16xf32> to vector<16xf32>
      %parallel_loop3A_570 = vector.shape_cast %parallel_loop3A_565 : vector<16xf32> to vector<1x16xf32>
      tpu.vector_store %arg7[%parallel_loop3A_566, %parallel_loop3A_567], %parallel_loop3A_570 {add = true, strides = array<i32>} : memref<32x1024xf32, #tpu.memory_space<vmem>>, vector<1x16xf32>,
      %parallel_loop3A_571 = arith.index_cast %parallel_loop3A_66 : i32 to index
      %parallel_loop3A_572 = arith.constant 896 : index
      %parallel_loop3A_573 = tpu.vector_load %arg5[%parallel_loop3A_571, %parallel_loop3A_572] {strides = array<i32>} : memref<32x1024xf32, #tpu.memory_space<vmem>>, vector<1x16xf32>,
      %parallel_loop3A_574 = vector.shape_cast %parallel_loop3A_573 : vector<1x16xf32> to vector<16xf32>
      %parallel_loop3A_575 = arith.index_cast %parallel_loop3A_66 : i32 to index
      %parallel_loop3A_576 = arith.constant 896 : index
      %parallel_loop3A_577 = tpu.vector_load %arg7[%parallel_loop3A_575, %parallel_loop3A_576] {strides = array<i32>} : memref<32x1024xf32, #tpu.memory_space<vmem>>, vector<1x16xf32>,
      %parallel_loop3A_578 = vector.shape_cast %parallel_loop3A_577 : vector<1x16xf32> to vector<16xf32>
      %parallel_loop3A_579 = vector.shape_cast %parallel_loop3A_574 : vector<16xf32> to vector<1x16xf32>
      tpu.vector_store %arg7[%parallel_loop3A_575, %parallel_loop3A_576], %parallel_loop3A_579 {add = true, strides = array<i32>} : memref<32x1024xf32, #tpu.memory_space<vmem>>, vector<1x16xf32>,
      %parallel_loop3A_580 = arith.index_cast %parallel_loop3A_66 : i32 to index
      %parallel_loop3A_581 = arith.constant 912 : index
      %parallel_loop3A_582 = tpu.vector_load %arg5[%parallel_loop3A_580, %parallel_loop3A_581] {strides = array<i32>} : memref<32x1024xf32, #tpu.memory_space<vmem>>, vector<1x16xf32>,
      %parallel_loop3A_583 = vector.shape_cast %parallel_loop3A_582 : vector<1x16xf32> to vector<16xf32>
      %parallel_loop3A_584 = arith.index_cast %parallel_loop3A_66 : i32 to index
      %parallel_loop3A_585 = arith.constant 912 : index
      %parallel_loop3A_586 = tpu.vector_load %arg7[%parallel_loop3A_584, %parallel_loop3A_585] {strides = array<i32>} : memref<32x1024xf32, #tpu.memory_space<vmem>>, vector<1x16xf32>,
      %parallel_loop3A_587 = vector.shape_cast %parallel_loop3A_586 : vector<1x16xf32> to vector<16xf32>
      %parallel_loop3A_588 = vector.shape_cast %parallel_loop3A_583 : vector<16xf32> to vector<1x16xf32>
      tpu.vector_store %arg7[%parallel_loop3A_584, %parallel_loop3A_585], %parallel_loop3A_588 {add = true, strides = array<i32>} : memref<32x1024xf32, #tpu.memory_space<vmem>>, vector<1x16xf32>,
      %parallel_loop3A_589 = arith.index_cast %parallel_loop3A_66 : i32 to index
      %parallel_loop3A_590 = arith.constant 928 : index
      %parallel_loop3A_591 = tpu.vector_load %arg5[%parallel_loop3A_589, %parallel_loop3A_590] {strides = array<i32>} : memref<32x1024xf32, #tpu.memory_space<vmem>>, vector<1x16xf32>,
      %parallel_loop3A_592 = vector.shape_cast %parallel_loop3A_591 : vector<1x16xf32> to vector<16xf32>
      %parallel_loop3A_593 = arith.index_cast %parallel_loop3A_66 : i32 to index
      %parallel_loop3A_594 = arith.constant 928 : index
      %parallel_loop3A_595 = tpu.vector_load %arg7[%parallel_loop3A_593, %parallel_loop3A_594] {strides = array<i32>} : memref<32x1024xf32, #tpu.memory_space<vmem>>, vector<1x16xf32>,
      %parallel_loop3A_596 = vector.shape_cast %parallel_loop3A_595 : vector<1x16xf32> to vector<16xf32>
      %parallel_loop3A_597 = vector.shape_cast %parallel_loop3A_592 : vector<16xf32> to vector<1x16xf32>
      tpu.vector_store %arg7[%parallel_loop3A_593, %parallel_loop3A_594], %parallel_loop3A_597 {add = true, strides = array<i32>} : memref<32x1024xf32, #tpu.memory_space<vmem>>, vector<1x16xf32>,
      %parallel_loop3A_598 = arith.index_cast %parallel_loop3A_66 : i32 to index
      %parallel_loop3A_599 = arith.constant 944 : index
      %parallel_loop3A_600 = tpu.vector_load %arg5[%parallel_loop3A_598, %parallel_loop3A_599] {strides = array<i32>} : memref<32x1024xf32, #tpu.memory_space<vmem>>, vector<1x16xf32>,
      %parallel_loop3A_601 = vector.shape_cast %parallel_loop3A_600 : vector<1x16xf32> to vector<16xf32>
      %parallel_loop3A_602 = arith.index_cast %parallel_loop3A_66 : i32 to index
      %parallel_loop3A_603 = arith.constant 944 : index
      %parallel_loop3A_604 = tpu.vector_load %arg7[%parallel_loop3A_602, %parallel_loop3A_603] {strides = array<i32>} : memref<32x1024xf32, #tpu.memory_space<vmem>>, vector<1x16xf32>,
      %parallel_loop3A_605 = vector.shape_cast %parallel_loop3A_604 : vector<1x16xf32> to vector<16xf32>
      %parallel_loop3A_606 = vector.shape_cast %parallel_loop3A_601 : vector<16xf32> to vector<1x16xf32>
      tpu.vector_store %arg7[%parallel_loop3A_602, %parallel_loop3A_603], %parallel_loop3A_606 {add = true, strides = array<i32>} : memref<32x1024xf32, #tpu.memory_space<vmem>>, vector<1x16xf32>,
      %parallel_loop3A_607 = arith.index_cast %parallel_loop3A_66 : i32 to index
      %parallel_loop3A_608 = arith.constant 960 : index
      %parallel_loop3A_609 = tpu.vector_load %arg5[%parallel_loop3A_607, %parallel_loop3A_608] {strides = array<i32>} : memref<32x1024xf32, #tpu.memory_space<vmem>>, vector<1x16xf32>,
      %parallel_loop3A_610 = vector.shape_cast %parallel_loop3A_609 : vector<1x16xf32> to vector<16xf32>
      %parallel_loop3A_611 = arith.index_cast %parallel_loop3A_66 : i32 to index
      %parallel_loop3A_612 = arith.constant 960 : index
      %parallel_loop3A_613 = tpu.vector_load %arg7[%parallel_loop3A_611, %parallel_loop3A_612] {strides = array<i32>} : memref<32x1024xf32, #tpu.memory_space<vmem>>, vector<1x16xf32>,
      %parallel_loop3A_614 = vector.shape_cast %parallel_loop3A_613 : vector<1x16xf32> to vector<16xf32>
      %parallel_loop3A_615 = vector.shape_cast %parallel_loop3A_610 : vector<16xf32> to vector<1x16xf32>
      tpu.vector_store %arg7[%parallel_loop3A_611, %parallel_loop3A_612], %parallel_loop3A_615 {add = true, strides = array<i32>} : memref<32x1024xf32, #tpu.memory_space<vmem>>, vector<1x16xf32>,
      %parallel_loop3A_616 = arith.index_cast %parallel_loop3A_66 : i32 to index
      %parallel_loop3A_617 = arith.constant 976 : index
      %parallel_loop3A_618 = tpu.vector_load %arg5[%parallel_loop3A_616, %parallel_loop3A_617] {strides = array<i32>} : memref<32x1024xf32, #tpu.memory_space<vmem>>, vector<1x16xf32>,
      %parallel_loop3A_619 = vector.shape_cast %parallel_loop3A_618 : vector<1x16xf32> to vector<16xf32>
      %parallel_loop3A_620 = arith.index_cast %parallel_loop3A_66 : i32 to index
      %parallel_loop3A_621 = arith.constant 976 : index
      %parallel_loop3A_622 = tpu.vector_load %arg7[%parallel_loop3A_620, %parallel_loop3A_621] {strides = array<i32>} : memref<32x1024xf32, #tpu.memory_space<vmem>>, vector<1x16xf32>,
      %parallel_loop3A_623 = vector.shape_cast %parallel_loop3A_622 : vector<1x16xf32> to vector<16xf32>
      %parallel_loop3A_624 = vector.shape_cast %parallel_loop3A_619 : vector<16xf32> to vector<1x16xf32>
      tpu.vector_store %arg7[%parallel_loop3A_620, %parallel_loop3A_621], %parallel_loop3A_624 {add = true, strides = array<i32>} : memref<32x1024xf32, #tpu.memory_space<vmem>>, vector<1x16xf32>,
      %parallel_loop3A_625 = arith.index_cast %parallel_loop3A_66 : i32 to index
      %parallel_loop3A_626 = arith.constant 992 : index
      %parallel_loop3A_627 = tpu.vector_load %arg5[%parallel_loop3A_625, %parallel_loop3A_626] {strides = array<i32>} : memref<32x1024xf32, #tpu.memory_space<vmem>>, vector<1x16xf32>,
      %parallel_loop3A_628 = vector.shape_cast %parallel_loop3A_627 : vector<1x16xf32> to vector<16xf32>
      %parallel_loop3A_629 = arith.index_cast %parallel_loop3A_66 : i32 to index
      %parallel_loop3A_630 = arith.constant 992 : index
      %parallel_loop3A_631 = tpu.vector_load %arg7[%parallel_loop3A_629, %parallel_loop3A_630] {strides = array<i32>} : memref<32x1024xf32, #tpu.memory_space<vmem>>, vector<1x16xf32>,
      %parallel_loop3A_632 = vector.shape_cast %parallel_loop3A_631 : vector<1x16xf32> to vector<16xf32>
      %parallel_loop3A_633 = vector.shape_cast %parallel_loop3A_628 : vector<16xf32> to vector<1x16xf32>
      tpu.vector_store %arg7[%parallel_loop3A_629, %parallel_loop3A_630], %parallel_loop3A_633 {add = true, strides = array<i32>} : memref<32x1024xf32, #tpu.memory_space<vmem>>, vector<1x16xf32>,
      %parallel_loop3A_634 = arith.index_cast %parallel_loop3A_66 : i32 to index
      %parallel_loop3A_635 = arith.constant 1008 : index
      %parallel_loop3A_636 = tpu.vector_load %arg5[%parallel_loop3A_634, %parallel_loop3A_635] {strides = array<i32>} : memref<32x1024xf32, #tpu.memory_space<vmem>>, vector<1x16xf32>,
      %parallel_loop3A_637 = vector.shape_cast %parallel_loop3A_636 : vector<1x16xf32> to vector<16xf32>
      %parallel_loop3A_638 = arith.index_cast %parallel_loop3A_66 : i32 to index
      %parallel_loop3A_639 = arith.constant 1008 : index
      %parallel_loop3A_640 = tpu.vector_load %arg7[%parallel_loop3A_638, %parallel_loop3A_639] {strides = array<i32>} : memref<32x1024xf32, #tpu.memory_space<vmem>>, vector<1x16xf32>,
      %parallel_loop3A_641 = vector.shape_cast %parallel_loop3A_640 : vector<1x16xf32> to vector<16xf32>
      %parallel_loop3A_642 = vector.shape_cast %parallel_loop3A_637 : vector<16xf32> to vector<1x16xf32>
      tpu.vector_store %arg7[%parallel_loop3A_638, %parallel_loop3A_639], %parallel_loop3A_642 {add = true, strides = array<i32>} : memref<32x1024xf32, #tpu.memory_space<vmem>>, vector<1x16xf32>,
    } {sc.loop_unroll_factor = 1 : i64, sc.parallel_access}
    %add3A_43 = arith.constant 32 : i32
    %add3A_44 = arith.addi %mul3A_2, %add3A_43 : i32
    %dma_start3A_45 = arith.constant 0 : i32
    %dma_start3A_46 = arith.constant 0 : i32
    %dma_start3A_47 = tpu.memref_slice %arg4[%dma_start3A_45, %add3A_44, %dma_start3A_46] : memref<1x2048x1024xf32, #tpu.memory_space<hbm>> -> memref<1x32x1024xf32, #tpu.memory_space<hbm>>
    %dma_start3A_48 = tpu.memref_squeeze %dma_start3A_47 : memref<1x32x1024xf32, #tpu.memory_space<hbm>> -> memref<32x1024xf32, #tpu.memory_space<hbm>>
    %dma_start3A_49 = arith.constant 0 : i32
    %dma_start3A_50 = tpu.memref_slice %arg4[%dma_start3A_45, %add3A_44, %dma_start3A_49] : memref<1x2048x1024xf32, #tpu.memory_space<hbm>> -> memref<1x32x1024xf32, #tpu.memory_space<hbm>>
    %dma_start3A_51 = tpu.memref_squeeze %dma_start3A_50 : memref<1x32x1024xf32, #tpu.memory_space<hbm>> -> memref<32x1024xf32, #tpu.memory_space<hbm>>
    tpu.enqueue_dma source(%arg7 : memref<32x1024xf32, #tpu.memory_space<vmem>>) target(%dma_start3A_51 : memref<32x1024xf32, #tpu.memory_space<hbm>>) target_semaphore(%arg11 : memref<!tpu.dma_semaphore, #tpu.memory_space<semaphore_mem>>)
    %dma_wait3A_52 = arith.constant 0 : i32
    %dma_wait3A_53 = arith.constant 0 : i32
    %dma_wait3A_54 = tpu.memref_slice %arg4[%dma_wait3A_52, %add3A_26, %dma_wait3A_53] : memref<1x2048x1024xf32, #tpu.memory_space<hbm>> -> memref<1x32x1024xf32, #tpu.memory_space<hbm>>
    %dma_wait3A_55 = tpu.memref_squeeze %dma_wait3A_54 : memref<1x32x1024xf32, #tpu.memory_space<hbm>> -> memref<32x1024xf32, #tpu.memory_space<hbm>>
    %dma_wait3A_56 = arith.constant 0 : i32
    %dma_wait3A_57 = tpu.memref_slice %arg4[%dma_wait3A_52, %add3A_26, %dma_wait3A_56] : memref<1x2048x1024xf32, #tpu.memory_space<hbm>> -> memref<1x32x1024xf32, #tpu.memory_space<hbm>>
    %dma_wait3A_58 = tpu.memref_squeeze %dma_wait3A_57 : memref<1x32x1024xf32, #tpu.memory_space<hbm>> -> memref<32x1024xf32, #tpu.memory_space<hbm>>
    tpu.wait_dma2 semaphore(%arg10 : memref<!tpu.dma_semaphore, #tpu.memory_space<semaphore_mem>>) src(%arg6 : memref<32x1024xf32, #tpu.memory_space<vmem>>) dst(%dma_wait3A_58 : memref<32x1024xf32, #tpu.memory_space<hbm>>)
    %dma_wait3A_59 = arith.constant 0 : i32
    %dma_wait3A_60 = arith.constant 0 : i32
    %dma_wait3A_61 = tpu.memref_slice %arg4[%dma_wait3A_59, %add3A_44, %dma_wait3A_60] : memref<1x2048x1024xf32, #tpu.memory_space<hbm>> -> memref<1x32x1024xf32, #tpu.memory_space<hbm>>
    %dma_wait3A_62 = tpu.memref_squeeze %dma_wait3A_61 : memref<1x32x1024xf32, #tpu.memory_space<hbm>> -> memref<32x1024xf32, #tpu.memory_space<hbm>>
    %dma_wait3A_63 = arith.constant 0 : i32
    %dma_wait3A_64 = tpu.memref_slice %arg4[%dma_wait3A_59, %add3A_44, %dma_wait3A_63] : memref<1x2048x1024xf32, #tpu.memory_space<hbm>> -> memref<1x32x1024xf32, #tpu.memory_space<hbm>>
    %dma_wait3A_65 = tpu.memref_squeeze %dma_wait3A_64 : memref<1x32x1024xf32, #tpu.memory_space<hbm>> -> memref<32x1024xf32, #tpu.memory_space<hbm>>
    tpu.wait_dma2 semaphore(%arg11 : memref<!tpu.dma_semaphore, #tpu.memory_space<semaphore_mem>>) src(%arg7 : memref<32x1024xf32, #tpu.memory_space<vmem>>) dst(%dma_wait3A_65 : memref<32x1024xf32, #tpu.memory_space<hbm>>)
    return
  }
}

module attributes {stable_mosaic.version = 14 : i64} {
  func.func @_tc_body(%arg0: i32, %arg1: i32, %arg2: memref<1x512x1024xf32, #tpu.memory_space<vmem>>, %arg3: memref<512x1024xf32, #tpu.memory_space<vmem>>, %arg4: memref<1x512x1024xf32, #tpu.memory_space<vmem>>) attributes {dimension_semantics = [#tpu.dimension_semantics<arbitrary>, #tpu.dimension_semantics<arbitrary>], iteration_bounds = array<i64: 4, 3>, scalar_prefetch = 0 : i64, scratch_operands = 0 : i64, tpu.core_type = #tpu.core_type<tc>, window_params = [{transform_indices = @transform_0, window_bounds = array<i64: 1, 512, 1024>}, {transform_indices = @transform_1, window_bounds = array<i64: 512, 1024>}, {transform_indices = @transform_2, window_bounds = array<i64: 1, 512, 1024>}]} {
    %get3A = arith.constant 0 : index
    %get3A_0 = arith.constant 0 : index
    %get3A_1 = arith.constant 0 : index
    %get3A_2 = vector.load %arg2[%get3A, %get3A_0, %get3A_1] : memref<1x512x1024xf32, #tpu.memory_space<vmem>>, vector<1x512x1024xf32>
    %get3A_3 = vector.shape_cast %get3A_2 : vector<1x512x1024xf32> to vector<512x1024xf32>
    %get3A_4 = arith.constant 0 : index
    %get3A_5 = arith.constant 0 : index
    %get3A_6 = vector.load %arg3[%get3A_4, %get3A_5] : memref<512x1024xf32, #tpu.memory_space<vmem>>, vector<512x1024xf32>
    %add3A = arith.addf %get3A_3, %get3A_6 : vector<512x1024xf32>
    %swap3A = arith.constant 0 : index
    %swap3A_7 = arith.constant 0 : index
    %swap3A_8 = arith.constant 0 : index
    %swap3A_9 = vector.load %arg4[%swap3A, %swap3A_7, %swap3A_8] : memref<1x512x1024xf32, #tpu.memory_space<vmem>>, vector<1x512x1024xf32>
    %swap3A_10 = vector.shape_cast %swap3A_9 : vector<1x512x1024xf32> to vector<512x1024xf32>
    %swap3A_11 = vector.shape_cast %add3A : vector<512x1024xf32> to vector<1x512x1024xf32>
    tpu.vector_store %arg4[%swap3A, %swap3A_7, %swap3A_8], %swap3A_11 {strides = array<i32>} : memref<1x512x1024xf32, #tpu.memory_space<vmem>>, vector<1x512x1024xf32>,
    return
  }
  func.func @transform_0(%arg0: i32, %arg1: i32) -> (i32, i32, i32) {
    %c0_i32 = arith.constant 0 : i32
    %c0_i32_0 = arith.constant 0 : i32
    return %arg1, %arg0, %c0_i32 : i32, i32, i32
  }
  func.func @transform_1(%arg0: i32, %arg1: i32) -> (i32, i32) {
    %c0_i32 = arith.constant 0 : i32
    %c0_i32_0 = arith.constant 0 : i32
    return %arg0, %c0_i32 : i32, i32
  }
  func.func @transform_2(%arg0: i32, %arg1: i32) -> (i32, i32, i32) {
    %c0_i32 = arith.constant 0 : i32
    %c0_i32_0 = arith.constant 0 : i32
    return %arg1, %arg0, %c0_i32 : i32, i32, i32
  }
}

module attributes {stable_mosaic.version = 14 : i64} {
  func.func @_patch_body(%arg0: i32, %arg1: memref<4x2048x1024xf32, #tpu.memory_space<any>>, %arg2: memref<1x512x1024xf32, #tpu.memory_space<vmem>>, %arg3: memref<1x512x1024xf32, #tpu.memory_space<vmem>>) attributes {dimension_semantics = [#tpu.dimension_semantics<arbitrary>], iteration_bounds = array<i64: 4>, scalar_prefetch = 0 : i64, scratch_operands = 0 : i64, tpu.core_type = #tpu.core_type<tc>, window_params = [{}, {transform_indices = @transform_1, window_bounds = array<i64: 1, 512, 1024>}, {transform_indices = @transform_2, window_bounds = array<i64: 1, 512, 1024>}]} {
    %get3A = arith.constant 0 : index
    %get3A_0 = arith.constant 0 : index
    %get3A_1 = arith.constant 0 : index
    %get3A_2 = vector.load %arg2[%get3A, %get3A_0, %get3A_1] : memref<1x512x1024xf32, #tpu.memory_space<vmem>>, vector<1x512x1024xf32>
    %swap3A = arith.constant 0 : index
    %swap3A_3 = arith.constant 0 : index
    %swap3A_4 = arith.constant 0 : index
    %swap3A_5 = vector.load %arg3[%swap3A, %swap3A_3, %swap3A_4] : memref<1x512x1024xf32, #tpu.memory_space<vmem>>, vector<1x512x1024xf32>
    tpu.vector_store %arg3[%swap3A, %swap3A_3, %swap3A_4], %get3A_2 {strides = array<i32>} : memref<1x512x1024xf32, #tpu.memory_space<vmem>>, vector<1x512x1024xf32>,
    return
  }
  func.func @transform_1(%arg0: i32) -> (i32, i32, i32) {
    %c0_i32 = arith.constant 0 : i32
    %c0_i32_0 = arith.constant 0 : i32
    %c0_i32_1 = arith.constant 0 : i32
    return %c0_i32, %arg0, %c0_i32_0 : i32, i32, i32
  }
  func.func @transform_2(%arg0: i32) -> (i32, i32, i32) {
    %c3_i32 = arith.constant 3 : i32
    %c0_i32 = arith.constant 0 : i32
    %c0_i32_0 = arith.constant 0 : i32
    return %c3_i32, %arg0, %c0_i32 : i32, i32, i32
  }
}

</mosaic_0001>

<sc_bundles>
// kernel: kernel.5.cloned.1.call-start
scs
__scs_entry_jumppad:
0x0: {  	(pc) =	sbr.rel $0x88, $3  }
0x1: {  	(tag) =	ssettag $0x0;
	lr =	simm.s32 $0x1  }
0x2: {  	[smem:$0x3F9F] =	sst lr;
	_ =	strace $0xD0000000  }
0x3: {  	_ = 	snop  }
0x4: {  	_ = 	snop  }
0x5: {  	_ = 	snop  }
0x6: {  	_ = 	snop  }
0x7: {  	_ = 	snop  }
__scs_overlays_trampoline_lowered:
0x8: {  	[smem:$0x3FAE] =	sst s0  }
0x9: {  	[smem:$0x3FAF] =	sst s1  }
0xa: {  	[smem:$0x3FB0] =	sst s2  }
0xb: {  	[smem:$0x3FB1] =	sst s3  }
0xc: {  	[smem:$0x3FB2] =	sst s4  }
0xd: {  	[smem:$0x3FB3] =	sst s5  }
0xe: {  	[smem:$0x3FB4] =	sst s6  }
0xf: {  	[smem:$0x3FB5] =	sst s7  }
0x10: {  	[smem:$0x3FB6] =	sst s8  }
0x11: {  	[smem:$0x3FB7] =	sst s9;
	s0 =	simm.s32 @!p0 $0x0  }
0x12: {  	s1 =	sld [smem:$0x3F9D];
	s0 =	simm.s32 @p0 $0x1  }
0x13: {  	[smem:$0x3FB8] =	sst s0;
	s0 =	simm.s32 @!p1 $0x0  }
0x14: {  	s2 =	sld [smem:$0x3F9C];
	s0 =	simm.s32 @p1 $0x1  }
0x15: {  	[smem:$0x3FB9] =	sst s0;
	s0 =	simm.s32 @!p2 $0x0  }
0x16: {  	s3 =	sld [smem:$0x3FDB];
	s0 =	simm.s32 @p2 $0x1  }
0x17: {  	s4 =	simm.s32 $0x1BF5;
	[smem:$0x3FBB] =	sst s0  }
0x18: {  	s0 =	sld [smem:$0x3F9E];
	_ =	swait.ge [sflag:s4], $0x0  }
0x19: {  	s7 =	sld [smem:$0x3F9F]  }
0x1a: {  	s8 =	sadd.s32 $0xFFFFE003, lr  }
0x1b: {  	s9 =	sadd.s32 $0xFFFFFEF7, lr;
	s5 =	simm.s32 $0xFFFFFFFF;
	p2 =	slt.u32 s8, $0xFFFFF086  }
0x1c: {  	p1 =	slt.u32 s9, $0xF7A;
	s5 =	simm.s32 @!p2 $0x0  }
0x1d: {  	s5 =	simm.s32 @p1 $0x1;
	p0 =	seq.s32 s7, s2  }
0x1e: {  	s7 =	smul.u32 @!p0 $0xF7A, s2;
	p2 =	seq.s32 @!p0 s5, $0x0  }
0x1f: {  	s9 =	smul.u32 $0xF7A, s1;
	s8 =	simm.s32 @!p0 $0x1BF5;
	p2 =	por !p2, p0  }
0x20: {  	[sflag:s8] =	ssyncset.s32 @!p0 $0xFFFFF086;
	s6 =	sadd.s32 @!p0 s3, s7;
	s7 =	simm.s32 @!p0 $0x108  }
0x21: {  	s3 =	sadd.s32 s3, s9;
	s6 =	sadd.s32 @!p0 $0x88, s6;
	s7 =	simm.s32 @p2 $0x1082  }
0x22: {  	[simem:s7], [sflag:s8] =	dma.local @!p0 [hbm:s6], $0xF7A  }
0x23: {  	s9 =	sor.u32 $0xD0000000, s2;
	s6 =	simm.s32 $0x108;
	_ =	swait.ge @!p0 [sflag:s8], $0x0  }
0x24: {  	s3 =	sadd.s32 $0x88, s3;
	s6 =	simm.s32 @!p1 $0x1082;
	[sflag:s4] =	ssyncset.s32 $0xFFFFF086  }
0x25: {  	[simem:s6], [sflag:s4] =	dma.local [hbm:s3], $0xF7A  }
0x26: {  	[smem:$0x3F9F] =	sst s1;
	(tag) =	ssettag s2;
	_ =	strace s9  }
0x27: {  	s1 =	sld [smem:$0x3FAF]  }
0x28: {  	s2 =	sld [smem:$0x3FB0]  }
0x29: {  	s4 =	sld [smem:$0x3FB2]  }
0x2a: {  	p0 =	seq.s32 s5, $0x0;
	s5 =	sld [smem:$0x3FB3]  }
0x2b: {  	s6 =	sld [smem:$0x3FB4]  }
0x2c: {  	s7 =	sld [smem:$0x3FB5]  }
0x2d: {  	s3 =	simm.s32 $0x108;
	s8 =	sld [smem:$0x3FB6]  }
0x2e: {  	s3 =	simm.s32 @!p0 $0x1082;
	s9 =	sld [smem:$0x3FB7]  }
0x2f: {  	lr =	sadd.s32 s0, s3;
	s0 =	sld [smem:$0x3FAE]  }
0x30: {  	s3 =	sld [smem:$0x3FB1]  }
0x31: {  	[smem:$0x3FBA] =	sst s10  }
0x32: {  	s10 =	sld [smem:$0x3FB8];
	_ =	sdelay $0x3  }
0x33: {  	p0 =	seq.s32 s10, $0x1;
	s10 =	sld [smem:$0x3FBA];
	_ =	sdelay $0x3  }
0x34: {  	[smem:$0x3FBA] =	sst s10  }
0x35: {  	s10 =	sld [smem:$0x3FB9];
	_ =	sdelay $0x3  }
0x36: {  	p1 =	seq.s32 s10, $0x1;
	s10 =	sld [smem:$0x3FBA];
	_ =	sdelay $0x3  }
0x37: {  	[smem:$0x3FBA] =	sst s10  }
0x38: {  	s10 =	sld [smem:$0x3FBB]  }
0x39: {  	_ = 	snop;
	(pc) =	sbr.ind lr, $3  }
0x3a: {  	_ = 	snop  }
0x3b: {  	_ = 	snop  }
0x3c: {  	p2 =	seq.s32 s10, $0x1;
	s10 =	sld [smem:$0x3FBA]  }
0x3d: {  	_ =	shalt  }
0x3e: {  	_ =	shalt  }
0x3f: {  	_ =	shalt  }
0x40: {  	_ =	shalt  }
0x41: {  	_ =	shalt  }
0x42: {  	_ =	shalt  }
0x43: {  	_ =	shalt  }
0x44: {  	_ =	shalt  }
0x45: {  	_ =	shalt  }
0x46: {  	_ =	shalt  }
0x47: {  	_ =	shalt  }
0x48: {  	_ =	shalt  }
0x49: {  	_ =	shalt  }
0x4a: {  	_ =	shalt  }
0x4b: {  	_ =	shalt  }
0x4c: {  	_ =	shalt  }
0x4d: {  	_ =	shalt  }
0x4e: {  	_ =	shalt  }
0x4f: {  	_ =	shalt  }
0x50: {  	_ =	shalt  }
0x51: {  	_ =	shalt  }
0x52: {  	_ =	shalt  }
0x53: {  	_ =	shalt  }
0x54: {  	_ =	shalt  }
0x55: {  	_ =	shalt  }
0x56: {  	_ =	shalt  }
0x57: {  	_ =	shalt  }
0x58: {  	_ =	shalt  }
0x59: {  	_ =	shalt  }
0x5a: {  	_ =	shalt  }
0x5b: {  	_ =	shalt  }
0x5c: {  	_ =	shalt  }
0x5d: {  	_ =	shalt  }
0x5e: {  	_ =	shalt  }
0x5f: {  	_ =	shalt  }
0x60: {  	_ =	shalt  }
0x61: {  	_ =	shalt  }
0x62: {  	_ =	shalt  }
0x63: {  	_ =	shalt  }
0x64: {  	_ =	shalt  }
0x65: {  	_ =	shalt  }
0x66: {  	_ =	shalt  }
0x67: {  	_ =	shalt  }
0x68: {  	_ =	shalt  }
0x69: {  	_ =	shalt  }
0x6a: {  	_ =	shalt  }
0x6b: {  	_ =	shalt  }
0x6c: {  	_ =	shalt  }
0x6d: {  	_ =	shalt  }
0x6e: {  	_ =	shalt  }
0x6f: {  	_ =	shalt  }
0x70: {  	_ =	shalt  }
0x71: {  	_ =	shalt  }
0x72: {  	_ =	shalt  }
0x73: {  	_ =	shalt  }
0x74: {  	_ =	shalt  }
0x75: {  	_ =	shalt  }
0x76: {  	_ =	shalt  }
0x77: {  	_ =	shalt  }
0x78: {  	_ =	shalt  }
0x79: {  	_ =	shalt  }
0x7a: {  	_ =	shalt  }
0x7b: {  	_ =	shalt  }
0x7c: {  	_ =	shalt  }
0x7d: {  	_ =	shalt  }
0x7e: {  	_ =	shalt  }
0x7f: {  	_ =	shalt  }
0x80: {  	_ =	shalt  }
0x81: {  	_ =	shalt  }
0x82: {  	_ =	shalt  }
0x83: {  	_ =	shalt  }
0x84: {  	_ =	shalt  }
0x85: {  	_ =	shalt  }
0x86: {  	_ =	shalt  }
0x87: {  	_ =	shalt  }
.Lfunc_end0:
.L_simem_size_0:
called_computation_lowered:
.L_overlay_start_0:
0x88: {  	s2 =	sld [smem:$0x3FD9]  }
0x89: {  	s3 =	sld [smem:$0x3FFE];
	_ =	sdelay $0x1  }
0x8a: {  	s1 =	srdreg.scid  }
0x8b: {  	s0 =	sand.u32 $0x1, s1  }
0x8c: {  	s17 =	sshll.u32 s0, $0xA;
	s2 =	sadd.s32 s3, s2  }
0x8d: {  	s2 =	sadd.s32 s2, s17  }
0x8e: {  	[smem:$0x3FC6] =	sst s2  }
0x8f: {  	_ = 	snop  }
0x90: {  	s2 =	sld [smem:$0x3FC9]  }
0x91: {  	s18 =	sld [smem:$0x3FC8];
	(tm) =	ssettm $0x1  }
0x92: {  	s4 =	sld [smem:$0x3FFB];
	_ =	sdelay $0x3  }
0x93: {  	_ =	strace s4  }
0x94: {  	s4 =	sld [smem:$0x3FFC];
	_ =	sdelay $0x3  }
0x95: {  	_ =	strace s4  }
0x96: {  	s4 =	sld [smem:$0x3FFD];
	_ =	sdelay $0x3  }
0x97: {  	_ =	strace s4  }
0x98: {  	_ =	strace $0x8FFFFFFF  }
0x99: {  	s19 =	sld [smem:$0x3FDB];
	_ =	sdelay $0x1  }
0x9a: {  	s5 =	simm.s32 $_scs_section_size  }
0x9b: {  	s6 =	simm.s32 $_size__tile_overlayer_lowered;
	s7 =	simm.s32 $_tile_overlayer_lowered  }
0x9c: {  	s22 =	simm.s32 $0x1BFF;
	s21 =	sshll.u32 s7, $0x1;
	s4 =	sadd.s32 s5, s19  }
0x9d: {  	s8 =	simm.s32 $0x0;
	s20 =	sshll.u32 s6, $0x1;
	s6 =	sadd.s32 s21, s4  }
0x9e: {  	[timem:s8], [sflag:s22] =	dma.local [hbm:s6], s20  }
0x9f: {  	_ =	swait.ge [sflag:s22], s20  }
0xa0: {  	s5 =	ssub.s32 $0x0, s20;
	[sflag:s22] =	ssyncset.done $0x0  }
0xa1: {  	[sflag:s22] =	ssyncadd.s32 s5;
	_ =	sdelay $0x1  }
0xa2: {  	s23 =	simm.s32 $0x1B8B  }
0xa3: {  	_ =	swait.ge [sflag:s23], $0x1  }
0xa4: {  	[sflag:s23] =	ssyncset.done $0x0  }
0xa5: {  	s25 =	simm.s32 $0x1B8E;
	s24 =	sld [smem:$0x3FFE];
	[sflag:s23] =	ssyncadd.s32 $0xFFFFFFFF  }
0xa6: {  	s26 =	simm.s32 $execute0_lowered;
	[smem:$0x3FD2] =	sst s25  }
0xa7: {  	s6 =	sshll.u32 s26, $0x1;
	_ =	strace $0x80000046;
	[dreg:$0x1] =	wrdreg $0xFFFFFFFF  }
0xa8: {  	s28 =	simm.s32 $_size_execute0_lowered;
	s4 =	sadd.s32 s4, s6;
	[dreg:$0x0] =	wrdreg $0x0  }
0xa9: {  	s6 =	sshll.u32 s28, $0x1;
	[dreg:$0x2] =	wrdreg s4  }
0xaa: {  	[dreg:$0x3] =	wrdreg s6  }
0xab: {  	[dreg:$0x4] =	wrdreg $0xC0  }
0xac: {  	_ =	task [dreg:s8], $0x5FFFF  }
0xad: {  	[dreg:$0x1] =	wrdreg $0xFFFFFFFF  }
0xae: {  	[dreg:$0x0] =	wrdreg $0x60  }
0xaf: {  	[dreg:$0x2] =	wrdreg s2  }
0xb0: {  	[dreg:$0x3] =	wrdreg s18  }
0xb1: {  	[dreg:$0x4] =	wrdreg s24  }
0xb2: {  	[dreg:$0x5] =	wrdreg $0x9  }
0xb3: {  	_ =	task.clear_ibuf [dreg:s8], $0x6FFFF;
	_ =	strace $0x90000046  }
0xb4: {  	s29 =	simm.s32 $0x9;
	_ =	strace $0x80000048  }
0xb5: {  	_ =	swait.ge [sflag:s29], $0x1  }
0xb6: {  	[sflag:s29] =	ssyncadd.s32 $0xFFFFFFFF  }
0xb7: {  	_ =	strace $0x90000048  }
0xb8: {  	_ =	sfence  }
0xb9: {  	s30 =	sld [smem:$0x0];
	_ =	sdelay $0x2  }
0xba: {  	s31 =	sshll.u32 s1, $0xD;
	s1 =	sshrl.u32 s1, $0x2  }
0xbb: {  	s3 =	sand.u32 $0x4000, s31;
	s1 =	sadd.s32 s1, s30  }
0xbc: {  	s0 =	sor.u32 s3, s0;
	s1 =	sshll.u32 s1, $0x11  }
0xbd: {  	s0 =	sor.u32 s1, s0  }
0xbe: {  	s0 =	sadd.s32 $0x8F2B, s0  }
0xbf: {  	[sflag:s0] =	ssyncadd.remote.s32 $0x1  }
0xc0: {  	_ =	sfence.sel $0xFFFF  }
0xc1: {  	[dreg:$0x0] =	wrdreg $0xFFFFFFFF;
	(pc) =	sbr.abs _section_cstart, $3  }
0xc2: {  	[dreg:$0x1] =	wrdreg $0xFFFFFFFF  }
0xc3: {  	_ =	task.clear_ibuf [dreg:s8], $0x2FFFF;
	_ =	strace $0x9FFFFFFF  }
0xc4: {  	(tm) =	ssettm $0x7FFFFFFF  }
0xc5: {  	_ =	shalt  }
tec
execute0_lowered:
.L_overlay_start_1:
0x0: {  	(tag) =	ssettag $0x1  }
0x1: {  	s3 =	rddreg [dreg:$0x0]  }
0x2: {  	s7 =	rddreg [dreg:$0x1]  }
0x3: {  	s4 =	rddreg [dreg:$0x2];
	s2 =	srdreg.scid  }
0x4: {  	s0 =	rddreg [dreg:$0x3];
	s1 =	stileid.u32;
	s12 =	simm.s32 $0x1  }
0x5: {  	s13 =	simm.s32 $0x10000;
	s14 =	simm.s32 $0x2;
	s15 =	simm.s32 $0x3  }
0x6: {  	s16 =	simm.s32 $0x4;
	s17 =	simm.s32 $0x0;
	s5 =	sand.u32 $0x1, s2  }
0x7: {  	s2 =	simm.s32 $0x0;
	s6 =	sshll.u32 s1, $0xE;
	s10 =	sadd.s32 $0x800, s4  }
0x8: {  	s8 =	sshll.u32 s5, $0xD;
	[smem:$0x7FF] =	sst s2;
	s5 =	ssub.s32 $0x2, s5  }
0x9: {  	s6 =	sor.u32 s8, s6;
	_ =	strace $0x80000047;
	s30 =	sshrl.u32 s5, $0x1  }
0xa: {  	s9 =	sadd.s32 s6, s3;
	s11 =	ssub.s32 s5, s30;
	s4 =	sadd.s32 s7, s6  }
0xb: {  	s31 =	sor.u32 $0x1000, s6;
	s6 =	sadd.s32 s10, s6;
	s3 =	sadd.s32 $0xC0000, s9  }
0xc: {  	s5 =	sadd.s32 $0xC1000, s9;
	s7 =	sadd.s32 s7, s31;
	s8 =	sadd.s32 s10, s31  }
0xd: {  	s9 =	smax.u32 s11, $0x1;
	s10 =	simm.s32 $0x8000;
	s11 =	simm.s32 $0x5  }
.LBB2_1:
0xe: {  	[tilespmem:s10], [sflag:$0x1] =	stream.linear.gather [hbm4b:s3+s2], $0x8000, $0x38;
	[tilespmem:$0x18000] =	vst v63  }
0xf: {  	_ = 	snop  }
0x10: {  	[tilespmem:s2], [sflag:$0x5] =	stream.linear.gather [hbm4b:s4+s2], $0x8000, $0x38;
	[tilespmem:$0x18000] =	vst v63  }
0x11: {  	_ =	swait.ge [sflag:s11], $0x8000  }
0x12: {  	[sflag:s11] =	ssyncset.done $0x0  }
0x13: {  	[sflag:s11] =	ssyncadd.s32 $0xFFFF8000  }
0x14: {  	s18 =	simm.s32 $0x0;
	_ =	swait.ge [sflag:s12], $0x8000  }
0x15: {  	s19 =	sand.u32 $0x380, s2;
	s18 =	sand.u32 $0x6000, s18;
	[sflag:s12] =	ssyncset.done $0x0  }
0x16: {  	s20 =	sor.u32 s19, s18;
	[sflag:s12] =	ssyncadd.s32 $0xFFFF8000  }
0x17: {  	[tilespmem:s13], [sflag:$0x2] =	stream.linear.gather [hbm4b:s5+s2], $0x8000, $0x38;
	[tilespmem:$0x18000] =	vst v63  }
0x18: {  	v0 =	vld [tilespmem:s20+$0x0];
	_ =	sdelay $0x3  }
0x19: {  	s18 =	sor.u32 $0x8000, s20  }
0x1a: {  	[tilespmem:s18+$0x0] =	vst.add.f32.msk $0xffff, v0  }
0x1b: {  	v0 =	vld [tilespmem:s20+$0x10];
	_ =	sdelay $0x3  }
0x1c: {  	s21 =	sor.u32 $0x8010, s20  }
0x1d: {  	[tilespmem:s21+$0x0] =	vst.add.f32.msk $0xffff, v0  }
0x1e: {  	v0 =	vld [tilespmem:s20+$0x20];
	_ =	sdelay $0x3  }
0x1f: {  	s22 =	sor.u32 $0x8020, s20  }
0x20: {  	[tilespmem:s22+$0x0] =	vst.add.f32.msk $0xffff, v0  }
0x21: {  	v0 =	vld [tilespmem:s20+$0x30];
	_ =	sdelay $0x3  }
0x22: {  	s23 =	sor.u32 $0x8030, s20  }
0x23: {  	[tilespmem:s23+$0x0] =	vst.add.f32.msk $0xffff, v0  }
0x24: {  	v0 =	vld [tilespmem:s20+$0x40];
	_ =	sdelay $0x3  }
0x25: {  	s24 =	sor.u32 $0x8040, s20  }
0x26: {  	[tilespmem:s24+$0x0] =	vst.add.f32.msk $0xffff, v0  }
0x27: {  	v0 =	vld [tilespmem:s20+$0x50];
	_ =	sdelay $0x3  }
0x28: {  	s25 =	sor.u32 $0x8050, s20  }
0x29: {  	[tilespmem:s25+$0x0] =	vst.add.f32.msk $0xffff, v0  }
0x2a: {  	v0 =	vld [tilespmem:s20+$0x60];
	_ =	sdelay $0x3  }
0x2b: {  	s26 =	sor.u32 $0x8060, s20  }
0x2c: {  	[tilespmem:s26+$0x0] =	vst.add.f32.msk $0xffff, v0  }
0x2d: {  	v0 =	vld [tilespmem:s20+$0x70];
	_ =	sdelay $0x3  }
0x2e: {  	s28 =	sor.u32 $0x8070, s20  }
0x2f: {  	[tilespmem:s28+$0x0] =	vst.add.f32.msk $0xffff, v0  }
0x30: {  	v0 =	vld [tilespmem:s20+$0x400];
	_ =	sdelay $0x3  }
0x31: {  	s29 =	sor.u32 $0x8400, s20  }
0x32: {  	[tilespmem:s29+$0x0] =	vst.add.f32.msk $0xffff, v0  }
0x33: {  	v0 =	vld [tilespmem:s20+$0x410];
	_ =	sdelay $0x3  }
0x34: {  	s30 =	sor.u32 $0x8410, s20  }
0x35: {  	[tilespmem:s30+$0x0] =	vst.add.f32.msk $0xffff, v0  }
0x36: {  	v0 =	vld [tilespmem:s20+$0x420];
	_ =	sdelay $0x3  }
0x37: {  	s31 =	sor.u32 $0x8420, s20  }
0x38: {  	[tilespmem:s31+$0x0] =	vst.add.f32.msk $0xffff, v0  }
0x39: {  	v0 =	vld [tilespmem:s20+$0x430];
	_ =	sdelay $0x3  }
0x3a: {  	s19 =	sor.u32 $0x8430, s20  }
0x3b: {  	[tilespmem:s19+$0x0] =	vst.add.f32.msk $0xffff, v0  }
0x3c: {  	v0 =	vld [tilespmem:s20+$0x440];
	_ =	sdelay $0x3  }
0x3d: {  	s21 =	sor.u32 $0x8440, s20  }
0x3e: {  	[tilespmem:s21+$0x0] =	vst.add.f32.msk $0xffff, v0  }
0x3f: {  	v0 =	vld [tilespmem:s20+$0x450];
	_ =	sdelay $0x3  }
0x40: {  	s22 =	sor.u32 $0x8450, s20  }
0x41: {  	[tilespmem:s22+$0x0] =	vst.add.f32.msk $0xffff, v0  }
0x42: {  	v0 =	vld [tilespmem:s20+$0x460];
	_ =	sdelay $0x3  }
0x43: {  	s23 =	sor.u32 $0x8460, s20  }
0x44: {  	[tilespmem:s23+$0x0] =	vst.add.f32.msk $0xffff, v0  }
0x45: {  	v0 =	vld [tilespmem:s20+$0x470];
	_ =	sdelay $0x3  }
0x46: {  	s24 =	sor.u32 $0x8470, s20  }
0x47: {  	[tilespmem:s24+$0x0] =	vst.add.f32.msk $0xffff, v0  }
0x48: {  	v0 =	vld [tilespmem:s20+$0x800];
	_ =	sdelay $0x3  }
0x49: {  	s25 =	sor.u32 $0x8800, s20  }
0x4a: {  	[tilespmem:s25+$0x0] =	vst.add.f32.msk $0xffff, v0  }
0x4b: {  	v0 =	vld [tilespmem:s20+$0x810];
	_ =	sdelay $0x3  }
0x4c: {  	s26 =	sor.u32 $0x8810, s20  }
0x4d: {  	[tilespmem:s26+$0x0] =	vst.add.f32.msk $0xffff, v0  }
0x4e: {  	v0 =	vld [tilespmem:s20+$0x820];
	_ =	sdelay $0x3  }
0x4f: {  	s28 =	sor.u32 $0x8820, s20  }
0x50: {  	[tilespmem:s28+$0x0] =	vst.add.f32.msk $0xffff, v0  }
0x51: {  	v0 =	vld [tilespmem:s20+$0x830];
	_ =	sdelay $0x3  }
0x52: {  	s29 =	sor.u32 $0x8830, s20  }
0x53: {  	[tilespmem:s29+$0x0] =	vst.add.f32.msk $0xffff, v0  }
0x54: {  	v0 =	vld [tilespmem:s20+$0x840];
	_ =	sdelay $0x3  }
0x55: {  	s30 =	sor.u32 $0x8840, s20  }
0x56: {  	s31 =	simm.s32 $0x80;
	s21 =	simm.s32 $0x400;
	[tilespmem:s30+$0x0] =	vst.add.f32.msk $0xffff, v0  }
0x57: {  	s19 =	sand.u32 $0x380, s31;
	s22 =	sand.u32 $0x6000, s21;
	v0 =	vld [tilespmem:s20+$0x850]  }
0x58: {  	s18 =	sor.u32 s19, s22  }
0x59: {  	v1 =	vld [tilespmem:s18+$0x0];
	_ =	sdelay $0x1  }
0x5a: {  	s23 =	sor.u32 $0x8850, s20  }
0x5b: {  	[tilespmem:s23+$0x0] =	vst.add.f32.msk $0xffff, v0  }
0x5c: {  	s24 =	sor.u32 $0x8000, s18;
	v0 =	vld [tilespmem:s20+$0x860]  }
0x5d: {  	[tilespmem:s24+$0x0] =	vst.add.f32.msk $0xffff, v1  }
0x5e: {  	v1 =	vld [tilespmem:s18+$0x10];
	_ =	sdelay $0x1  }
0x5f: {  	s25 =	sor.u32 $0x8860, s20  }
0x60: {  	[tilespmem:s25+$0x0] =	vst.add.f32.msk $0xffff, v0  }
0x61: {  	s26 =	sor.u32 $0x8010, s18;
	v0 =	vld [tilespmem:s20+$0x870]  }
0x62: {  	[tilespmem:s26+$0x0] =	vst.add.f32.msk $0xffff, v1  }
0x63: {  	v1 =	vld [tilespmem:s18+$0x20];
	_ =	sdelay $0x1  }
0x64: {  	s28 =	sor.u32 $0x8870, s20  }
0x65: {  	[tilespmem:s28+$0x0] =	vst.add.f32.msk $0xffff, v0  }
0x66: {  	s29 =	sor.u32 $0x8020, s18;
	v0 =	vld [tilespmem:s20+$0xC00]  }
0x67: {  	[tilespmem:s29+$0x0] =	vst.add.f32.msk $0xffff, v1  }
0x68: {  	v1 =	vld [tilespmem:s18+$0x30];
	_ =	sdelay $0x1  }
0x69: {  	s30 =	sor.u32 $0x8C00, s20  }
0x6a: {  	[tilespmem:s30+$0x0] =	vst.add.f32.msk $0xffff, v0  }
0x6b: {  	s31 =	sor.u32 $0x8030, s18;
	v0 =	vld [tilespmem:s20+$0xC10]  }
0x6c: {  	[tilespmem:s31+$0x0] =	vst.add.f32.msk $0xffff, v1  }
0x6d: {  	v1 =	vld [tilespmem:s18+$0x40];
	_ =	sdelay $0x1  }
0x6e: {  	s21 =	sor.u32 $0x8C10, s20  }
0x6f: {  	[tilespmem:s21+$0x0] =	vst.add.f32.msk $0xffff, v0  }
0x70: {  	s22 =	sor.u32 $0x8040, s18;
	v0 =	vld [tilespmem:s20+$0xC20]  }
0x71: {  	[tilespmem:s22+$0x0] =	vst.add.f32.msk $0xffff, v1  }
0x72: {  	v1 =	vld [tilespmem:s18+$0x50];
	_ =	sdelay $0x1  }
0x73: {  	s23 =	sor.u32 $0x8C20, s20  }
0x74: {  	[tilespmem:s23+$0x0] =	vst.add.f32.msk $0xffff, v0  }
0x75: {  	s24 =	sor.u32 $0x8050, s18;
	v0 =	vld [tilespmem:s20+$0xC30]  }
0x76: {  	[tilespmem:s24+$0x0] =	vst.add.f32.msk $0xffff, v1  }
0x77: {  	v1 =	vld [tilespmem:s18+$0x60];
	_ =	sdelay $0x1  }
0x78: {  	s25 =	sor.u32 $0x8C30, s20  }
0x79: {  	[tilespmem:s25+$0x0] =	vst.add.f32.msk $0xffff, v0  }
0x7a: {  	s26 =	sor.u32 $0x8060, s18;
	v0 =	vld [tilespmem:s20+$0xC40]  }
0x7b: {  	[tilespmem:s26+$0x0] =	vst.add.f32.msk $0xffff, v1  }
0x7c: {  	v1 =	vld [tilespmem:s18+$0x70];
	_ =	sdelay $0x1  }
0x7d: {  	s28 =	sor.u32 $0x8C40, s20  }
0x7e: {  	[tilespmem:s28+$0x0] =	vst.add.f32.msk $0xffff, v0  }
0x7f: {  	s29 =	sor.u32 $0x8070, s18;
	v0 =	vld [tilespmem:s20+$0xC50]  }
0x80: {  	[tilespmem:s29+$0x0] =	vst.add.f32.msk $0xffff, v1  }
0x81: {  	v1 =	vld [tilespmem:s18+$0x400];
	_ =	sdelay $0x1  }
0x82: {  	s30 =	sor.u32 $0x8C50, s20  }
0x83: {  	[tilespmem:s30+$0x0] =	vst.add.f32.msk $0xffff, v0  }
0x84: {  	s31 =	sor.u32 $0x8400, s18;
	v0 =	vld [tilespmem:s20+$0xC60]  }
0x85: {  	[tilespmem:s31+$0x0] =	vst.add.f32.msk $0xffff, v1  }
0x86: {  	v1 =	vld [tilespmem:s18+$0x410];
	_ =	sdelay $0x1  }
0x87: {  	s21 =	sor.u32 $0x8C60, s20  }
0x88: {  	[tilespmem:s21+$0x0] =	vst.add.f32.msk $0xffff, v0  }
0x89: {  	s22 =	sor.u32 $0x8410, s18;
	v0 =	vld [tilespmem:s20+$0xC70]  }
0x8a: {  	[tilespmem:s22+$0x0] =	vst.add.f32.msk $0xffff, v1  }
0x8b: {  	v1 =	vld [tilespmem:s18+$0x420];
	_ =	sdelay $0x1  }
0x8c: {  	s23 =	sor.u32 $0x8C70, s20  }
0x8d: {  	[tilespmem:s23+$0x0] =	vst.add.f32.msk $0xffff, v0  }
0x8e: {  	s24 =	sor.u32 $0x8420, s18;
	v0 =	vld [tilespmem:s20+$0x1000]  }
0x8f: {  	[tilespmem:s24+$0x0] =	vst.add.f32.msk $0xffff, v1  }
0x90: {  	v1 =	vld [tilespmem:s18+$0x430];
	_ =	sdelay $0x1  }
0x91: {  	s25 =	sor.u32 $0x9000, s20  }
0x92: {  	[tilespmem:s25+$0x0] =	vst.add.f32.msk $0xffff, v0  }
0x93: {  	s26 =	sor.u32 $0x8430, s18;
	v0 =	vld [tilespmem:s20+$0x1010]  }
0x94: {  	[tilespmem:s26+$0x0] =	vst.add.f32.msk $0xffff, v1  }
0x95: {  	v1 =	vld [tilespmem:s18+$0x440];
	_ =	sdelay $0x1  }
0x96: {  	s28 =	sor.u32 $0x9010, s20  }
0x97: {  	[tilespmem:s28+$0x0] =	vst.add.f32.msk $0xffff, v0  }
0x98: {  	s29 =	sor.u32 $0x8440, s18;
	v0 =	vld [tilespmem:s20+$0x1020]  }
0x99: {  	[tilespmem:s29+$0x0] =	vst.add.f32.msk $0xffff, v1  }
0x9a: {  	v1 =	vld [tilespmem:s18+$0x450];
	_ =	sdelay $0x1  }
0x9b: {  	s30 =	sor.u32 $0x9020, s20  }
0x9c: {  	[tilespmem:s30+$0x0] =	vst.add.f32.msk $0xffff, v0  }
0x9d: {  	s31 =	sor.u32 $0x8450, s18;
	v0 =	vld [tilespmem:s20+$0x1030]  }
0x9e: {  	[tilespmem:s31+$0x0] =	vst.add.f32.msk $0xffff, v1  }
0x9f: {  	v1 =	vld [tilespmem:s18+$0x460];
	_ =	sdelay $0x1  }
0xa0: {  	s21 =	sor.u32 $0x9030, s20  }
0xa1: {  	[tilespmem:s21+$0x0] =	vst.add.f32.msk $0xffff, v0  }
0xa2: {  	s22 =	sor.u32 $0x8460, s18;
	v0 =	vld [tilespmem:s20+$0x1040]  }
0xa3: {  	[tilespmem:s22+$0x0] =	vst.add.f32.msk $0xffff, v1  }
0xa4: {  	v1 =	vld [tilespmem:s18+$0x470];
	_ =	sdelay $0x1  }
0xa5: {  	s23 =	sor.u32 $0x9040, s20  }
0xa6: {  	[tilespmem:s23+$0x0] =	vst.add.f32.msk $0xffff, v0  }
0xa7: {  	s24 =	sor.u32 $0x8470, s18;
	v0 =	vld [tilespmem:s20+$0x1050]  }
0xa8: {  	[tilespmem:s24+$0x0] =	vst.add.f32.msk $0xffff, v1  }
0xa9: {  	v1 =	vld [tilespmem:s18+$0x800];
	_ =	sdelay $0x1  }
0xaa: {  	s25 =	sor.u32 $0x9050, s20  }
0xab: {  	[tilespmem:s25+$0x0] =	vst.add.f32.msk $0xffff, v0  }
0xac: {  	s26 =	sor.u32 $0x8800, s18;
	v0 =	vld [tilespmem:s20+$0x1060]  }
0xad: {  	[tilespmem:s26+$0x0] =	vst.add.f32.msk $0xffff, v1  }
0xae: {  	v1 =	vld [tilespmem:s18+$0x810];
	_ =	sdelay $0x1  }
0xaf: {  	s28 =	sor.u32 $0x9060, s20  }
0xb0: {  	[tilespmem:s28+$0x0] =	vst.add.f32.msk $0xffff, v0  }
0xb1: {  	s29 =	sor.u32 $0x8810, s18;
	v0 =	vld [tilespmem:s20+$0x1070]  }
0xb2: {  	[tilespmem:s29+$0x0] =	vst.add.f32.msk $0xffff, v1  }
0xb3: {  	v1 =	vld [tilespmem:s18+$0x820];
	_ =	sdelay $0x1  }
0xb4: {  	s30 =	sor.u32 $0x9070, s20  }
0xb5: {  	[tilespmem:s30+$0x0] =	vst.add.f32.msk $0xffff, v0  }
0xb6: {  	s31 =	sor.u32 $0x8820, s18;
	v0 =	vld [tilespmem:s20+$0x1400]  }
0xb7: {  	[tilespmem:s31+$0x0] =	vst.add.f32.msk $0xffff, v1  }
0xb8: {  	v1 =	vld [tilespmem:s18+$0x830];
	_ =	sdelay $0x1  }
0xb9: {  	s21 =	sor.u32 $0x9400, s20  }
0xba: {  	[tilespmem:s21+$0x0] =	vst.add.f32.msk $0xffff, v0  }
0xbb: {  	s22 =	sor.u32 $0x8830, s18;
	v0 =	vld [tilespmem:s20+$0x1410]  }
0xbc: {  	[tilespmem:s22+$0x0] =	vst.add.f32.msk $0xffff, v1  }
0xbd: {  	v1 =	vld [tilespmem:s18+$0x840];
	_ =	sdelay $0x1  }
0xbe: {  	s23 =	sor.u32 $0x9410, s20  }
0xbf: {  	[tilespmem:s23+$0x0] =	vst.add.f32.msk $0xffff, v0  }
0xc0: {  	s24 =	sor.u32 $0x8840, s18;
	v0 =	vld [tilespmem:s20+$0x1420]  }
0xc1: {  	s22 =	simm.s32 $0x800;
	s25 =	simm.s32 $0x100;
	[tilespmem:s24+$0x0] =	vst.add.f32.msk $0xffff, v1  }
0xc2: {  	s26 =	sand.u32 $0x6000, s22;
	v1 =	vld [tilespmem:s18+$0x850];
	s21 =	sand.u32 $0x380, s25  }
0xc3: {  	s19 =	sor.u32 s21, s26  }
0xc4: {  	s28 =	sor.u32 $0x9420, s20;
	v2 =	vld [tilespmem:s19+$0x0]  }
0xc5: {  	[tilespmem:s28+$0x0] =	vst.add.f32.msk $0xffff, v0  }
0xc6: {  	s29 =	sor.u32 $0x8850, s18;
	v0 =	vld [tilespmem:s20+$0x1430]  }
0xc7: {  	[tilespmem:s29+$0x0] =	vst.add.f32.msk $0xffff, v1  }
0xc8: {  	v1 =	vld [tilespmem:s18+$0x860];
	s30 =	sor.u32 $0x8000, s19  }
0xc9: {  	[tilespmem:s30+$0x0] =	vst.add.f32.msk $0xffff, v2  }
0xca: {  	s31 =	sor.u32 $0x9430, s20;
	v2 =	vld [tilespmem:s19+$0x10]  }
0xcb: {  	[tilespmem:s31+$0x0] =	vst.add.f32.msk $0xffff, v0  }
0xcc: {  	s22 =	sor.u32 $0x8860, s18;
	v0 =	vld [tilespmem:s20+$0x1440]  }
0xcd: {  	[tilespmem:s22+$0x0] =	vst.add.f32.msk $0xffff, v1  }
0xce: {  	v1 =	vld [tilespmem:s18+$0x870];
	s23 =	sor.u32 $0x8010, s19  }
0xcf: {  	[tilespmem:s23+$0x0] =	vst.add.f32.msk $0xffff, v2  }
0xd0: {  	s24 =	sor.u32 $0x9440, s20;
	v2 =	vld [tilespmem:s19+$0x20]  }
0xd1: {  	[tilespmem:s24+$0x0] =	vst.add.f32.msk $0xffff, v0  }
0xd2: {  	s25 =	sor.u32 $0x8870, s18;
	v0 =	vld [tilespmem:s20+$0x1450]  }
0xd3: {  	[tilespmem:s25+$0x0] =	vst.add.f32.msk $0xffff, v1  }
0xd4: {  	s26 =	sor.u32 $0x8020, s19;
	v1 =	vld [tilespmem:s18+$0xC00]  }
0xd5: {  	[tilespmem:s26+$0x0] =	vst.add.f32.msk $0xffff, v2  }
0xd6: {  	s28 =	sor.u32 $0x9450, s20;
	v2 =	vld [tilespmem:s19+$0x30]  }
0xd7: {  	[tilespmem:s28+$0x0] =	vst.add.f32.msk $0xffff, v0  }
0xd8: {  	s29 =	sor.u32 $0x8C00, s18;
	v0 =	vld [tilespmem:s20+$0x1460]  }
0xd9: {  	[tilespmem:s29+$0x0] =	vst.add.f32.msk $0xffff, v1  }
0xda: {  	s30 =	sor.u32 $0x8030, s19;
	v1 =	vld [tilespmem:s18+$0xC10]  }
0xdb: {  	[tilespmem:s30+$0x0] =	vst.add.f32.msk $0xffff, v2  }
0xdc: {  	s31 =	sor.u32 $0x9460, s20;
	v2 =	vld [tilespmem:s19+$0x40]  }
0xdd: {  	[tilespmem:s31+$0x0] =	vst.add.f32.msk $0xffff, v0  }
0xde: {  	s22 =	sor.u32 $0x8C10, s18;
	v0 =	vld [tilespmem:s20+$0x1470]  }
0xdf: {  	[tilespmem:s22+$0x0] =	vst.add.f32.msk $0xffff, v1  }
0xe0: {  	s23 =	sor.u32 $0x8040, s19;
	v1 =	vld [tilespmem:s18+$0xC20]  }
0xe1: {  	[tilespmem:s23+$0x0] =	vst.add.f32.msk $0xffff, v2  }
0xe2: {  	s24 =	sor.u32 $0x9470, s20;
	v2 =	vld [tilespmem:s19+$0x50]  }
0xe3: {  	[tilespmem:s24+$0x0] =	vst.add.f32.msk $0xffff, v0  }
0xe4: {  	s25 =	sor.u32 $0x8C20, s18;
	v0 =	vld [tilespmem:s20+$0x1800]  }
0xe5: {  	[tilespmem:s25+$0x0] =	vst.add.f32.msk $0xffff, v1  }
0xe6: {  	s26 =	sor.u32 $0x8050, s19;
	v1 =	vld [tilespmem:s18+$0xC30]  }
0xe7: {  	[tilespmem:s26+$0x0] =	vst.add.f32.msk $0xffff, v2  }
0xe8: {  	s28 =	sor.u32 $0x9800, s20;
	v2 =	vld [tilespmem:s19+$0x60]  }
0xe9: {  	[tilespmem:s28+$0x0] =	vst.add.f32.msk $0xffff, v0  }
0xea: {  	s29 =	sor.u32 $0x8C30, s18;
	v0 =	vld [tilespmem:s20+$0x1810]  }
0xeb: {  	[tilespmem:s29+$0x0] =	vst.add.f32.msk $0xffff, v1  }
0xec: {  	s30 =	sor.u32 $0x8060, s19;
	v1 =	vld [tilespmem:s18+$0xC40]  }
0xed: {  	[tilespmem:s30+$0x0] =	vst.add.f32.msk $0xffff, v2  }
0xee: {  	s31 =	sor.u32 $0x9810, s20;
	v2 =	vld [tilespmem:s19+$0x70]  }
0xef: {  	[tilespmem:s31+$0x0] =	vst.add.f32.msk $0xffff, v0  }
0xf0: {  	s22 =	sor.u32 $0x8C40, s18;
	v0 =	vld [tilespmem:s20+$0x1820]  }
0xf1: {  	[tilespmem:s22+$0x0] =	vst.add.f32.msk $0xffff, v1  }
0xf2: {  	s23 =	sor.u32 $0x8070, s19;
	v1 =	vld [tilespmem:s18+$0xC50]  }
0xf3: {  	[tilespmem:s23+$0x0] =	vst.add.f32.msk $0xffff, v2  }
0xf4: {  	s24 =	sor.u32 $0x9820, s20;
	v2 =	vld [tilespmem:s19+$0x400]  }
0xf5: {  	[tilespmem:s24+$0x0] =	vst.add.f32.msk $0xffff, v0  }
0xf6: {  	s25 =	sor.u32 $0x8C50, s18;
	v0 =	vld [tilespmem:s20+$0x1830]  }
0xf7: {  	[tilespmem:s25+$0x0] =	vst.add.f32.msk $0xffff, v1  }
0xf8: {  	s26 =	sor.u32 $0x8400, s19;
	v1 =	vld [tilespmem:s18+$0xC60]  }
0xf9: {  	[tilespmem:s26+$0x0] =	vst.add.f32.msk $0xffff, v2  }
0xfa: {  	s28 =	sor.u32 $0x9830, s20;
	v2 =	vld [tilespmem:s19+$0x410]  }
0xfb: {  	[tilespmem:s28+$0x0] =	vst.add.f32.msk $0xffff, v0  }
0xfc: {  	s29 =	sor.u32 $0x8C60, s18;
	v0 =	vld [tilespmem:s20+$0x1840]  }
0xfd: {  	[tilespmem:s29+$0x0] =	vst.add.f32.msk $0xffff, v1  }
0xfe: {  	s30 =	sor.u32 $0x8410, s19;
	v1 =	vld [tilespmem:s18+$0xC70]  }
0xff: {  	[tilespmem:s30+$0x0] =	vst.add.f32.msk $0xffff, v2  }
0x100: {  	s31 =	sor.u32 $0x9840, s20;
	v2 =	vld [tilespmem:s19+$0x420]  }
0x101: {  	[tilespmem:s31+$0x0] =	vst.add.f32.msk $0xffff, v0  }
0x102: {  	s22 =	sor.u32 $0x8C70, s18;
	v0 =	vld [tilespmem:s20+$0x1850]  }
0x103: {  	[tilespmem:s22+$0x0] =	vst.add.f32.msk $0xffff, v1  }
0x104: {  	s23 =	sor.u32 $0x8420, s19;
	v1 =	vld [tilespmem:s18+$0x1000]  }
0x105: {  	[tilespmem:s23+$0x0] =	vst.add.f32.msk $0xffff, v2  }
0x106: {  	s24 =	sor.u32 $0x9850, s20;
	v2 =	vld [tilespmem:s19+$0x430]  }
0x107: {  	[tilespmem:s24+$0x0] =	vst.add.f32.msk $0xffff, v0  }
0x108: {  	s25 =	sor.u32 $0x9000, s18;
	v0 =	vld [tilespmem:s20+$0x1860]  }
0x109: {  	[tilespmem:s25+$0x0] =	vst.add.f32.msk $0xffff, v1  }
0x10a: {  	s26 =	sor.u32 $0x8430, s19;
	v1 =	vld [tilespmem:s18+$0x1010]  }
0x10b: {  	[tilespmem:s26+$0x0] =	vst.add.f32.msk $0xffff, v2  }
0x10c: {  	s28 =	sor.u32 $0x9860, s20;
	v2 =	vld [tilespmem:s19+$0x440]  }
0x10d: {  	[tilespmem:s28+$0x0] =	vst.add.f32.msk $0xffff, v0  }
0x10e: {  	s29 =	sor.u32 $0x9010, s18;
	v0 =	vld [tilespmem:s20+$0x1870]  }
0x10f: {  	[tilespmem:s29+$0x0] =	vst.add.f32.msk $0xffff, v1  }
0x110: {  	s30 =	sor.u32 $0x8440, s19;
	v1 =	vld [tilespmem:s18+$0x1020];
	s31 =	sand.u32 $0x7, s2  }
0x111: {  	s23 =	sshll.u32 s31, $0x7;
	[tilespmem:s30+$0x0] =	vst.add.f32.msk $0xffff, v2  }
0x112: {  	s21 =	sadd.s32 $0x0, s23;
	v2 =	vld [tilespmem:s19+$0x450];
	s20 =	sor.u32 $0x9870, s20  }
0x113: {  	s24 =	sor.u32 $0x1C00, s21;
	[tilespmem:s20+$0x0] =	vst.add.f32.msk $0xffff, v0  }
0x114: {  	s25 =	sor.u32 $0x9020, s18;
	v0 =	vld [tilespmem:s24+$0x0]  }
0x115: {  	[tilespmem:s25+$0x0] =	vst.add.f32.msk $0xffff, v1  }
0x116: {  	v1 =	vld [tilespmem:s18+$0x1030];
	s26 =	sor.u32 $0x8450, s19  }
0x117: {  	[tilespmem:s26+$0x0] =	vst.add.f32.msk $0xffff, v2  }
0x118: {  	v2 =	vld [tilespmem:s19+$0x460]  }
0x119: {  	s28 =	sor.u32 $0x1C10, s21;
	[tilespmem:s24+$0x8000] =	vst.add.f32.msk $0xffff, v0  }
0x11a: {  	s29 =	sor.u32 $0x9030, s18;
	v0 =	vld [tilespmem:s28+$0x0]  }
0x11b: {  	[tilespmem:s29+$0x0] =	vst.add.f32.msk $0xffff, v1  }
0x11c: {  	v1 =	vld [tilespmem:s18+$0x1040];
	s30 =	sor.u32 $0x8460, s19  }
0x11d: {  	[tilespmem:s30+$0x0] =	vst.add.f32.msk $0xffff, v2  }
0x11e: {  	v2 =	vld [tilespmem:s19+$0x470]  }
0x11f: {  	s31 =	sor.u32 $0x1C20, s21;
	[tilespmem:s28+$0x8000] =	vst.add.f32.msk $0xffff, v0  }
0x120: {  	s23 =	sor.u32 $0x9040, s18;
	v0 =	vld [tilespmem:s31+$0x0]  }
0x121: {  	[tilespmem:s23+$0x0] =	vst.add.f32.msk $0xffff, v1  }
0x122: {  	v1 =	vld [tilespmem:s18+$0x1050];
	s24 =	sor.u32 $0x8470, s19  }
0x123: {  	[tilespmem:s24+$0x0] =	vst.add.f32.msk $0xffff, v2  }
0x124: {  	v2 =	vld [tilespmem:s19+$0x800]  }
0x125: {  	s25 =	sor.u32 $0x1C30, s21;
	[tilespmem:s31+$0x8000] =	vst.add.f32.msk $0xffff, v0  }
0x126: {  	s26 =	sor.u32 $0x9050, s18;
	v0 =	vld [tilespmem:s25+$0x0]  }
0x127: {  	[tilespmem:s26+$0x0] =	vst.add.f32.msk $0xffff, v1  }
0x128: {  	v1 =	vld [tilespmem:s18+$0x1060];
	s28 =	sor.u32 $0x8800, s19  }
0x129: {  	[tilespmem:s28+$0x0] =	vst.add.f32.msk $0xffff, v2  }
0x12a: {  	v2 =	vld [tilespmem:s19+$0x810]  }
0x12b: {  	s29 =	sor.u32 $0x1C40, s21;
	[tilespmem:s25+$0x8000] =	vst.add.f32.msk $0xffff, v0  }
0x12c: {  	s30 =	sor.u32 $0x9060, s18;
	v0 =	vld [tilespmem:s29+$0x0]  }
0x12d: {  	[tilespmem:s30+$0x0] =	vst.add.f32.msk $0xffff, v1  }
0x12e: {  	v1 =	vld [tilespmem:s18+$0x1070];
	s31 =	sor.u32 $0x8810, s19  }
0x12f: {  	[tilespmem:s31+$0x0] =	vst.add.f32.msk $0xffff, v2  }
0x130: {  	v2 =	vld [tilespmem:s19+$0x820]  }
0x131: {  	s23 =	sor.u32 $0x1C50, s21;
	[tilespmem:s29+$0x8000] =	vst.add.f32.msk $0xffff, v0  }
0x132: {  	s24 =	sor.u32 $0x9070, s18;
	v0 =	vld [tilespmem:s23+$0x0]  }
0x133: {  	[tilespmem:s24+$0x0] =	vst.add.f32.msk $0xffff, v1  }
0x134: {  	v1 =	vld [tilespmem:s18+$0x1400];
	s25 =	sor.u32 $0x8820, s19  }
0x135: {  	[tilespmem:s25+$0x0] =	vst.add.f32.msk $0xffff, v2  }
0x136: {  	v2 =	vld [tilespmem:s19+$0x830]  }
0x137: {  	s26 =	sor.u32 $0x1C60, s21;
	[tilespmem:s23+$0x8000] =	vst.add.f32.msk $0xffff, v0  }
0x138: {  	s28 =	sor.u32 $0x9400, s18;
	v0 =	vld [tilespmem:s26+$0x0]  }
0x139: {  	[tilespmem:s28+$0x0] =	vst.add.f32.msk $0xffff, v1  }
0x13a: {  	v1 =	vld [tilespmem:s18+$0x1410];
	s29 =	sor.u32 $0x8830, s19  }
0x13b: {  	[tilespmem:s29+$0x0] =	vst.add.f32.msk $0xffff, v2  }
0x13c: {  	v2 =	vld [tilespmem:s19+$0x840]  }
0x13d: {  	[tilespmem:s26+$0x8000] =	vst.add.f32.msk $0xffff, v0;
	s26 =	sor.u32 $0x1C70, s21  }
0x13e: {  	s30 =	sor.u32 $0x9410, s18;
	v0 =	vld [tilespmem:s26+$0x0]  }
0x13f: {  	s22 =	simm.s32 $0x180;
	[tilespmem:s30+$0x0] =	vst.add.f32.msk $0xffff, v1  }
0x140: {  	s20 =	simm.s32 $0x0;
	s24 =	simm.s32 $0x200;
	s31 =	sor.u32 $0x8840, s19;
	v1 =	vld [tilespmem:s18+$0x1420]  }
0x141: {  	s25 =	simm.s32 $0xC00;
	s23 =	simm.s32 $0xFFFF8C00;
	[tilespmem:s31+$0x0] =	vst.add.f32.msk $0xffff, v2;
	s21 =	simm.s32 $0x0  }
.LBB2_2:
0x142: {  	p0 =	sne.s32 s24, $0xF80;
	s25 =	sand.u32 $0x6000, s25;
	s22 =	sand.u32 $0x380, s22;
	v2 =	vld [tilespmem:s19+$0x850]  }
0x143: {  	s25 =	sor.u32 s22, s25;
	[tilespmem:s26+$0x8000] =	vst.add.f32.msk $0xffff, v0;
	s22 =	smov.u32 s24  }
0x144: {  	s26 =	sor.u32 $0x9420, s18;
	v0 =	vld [tilespmem:s25+$0x0]  }
0x145: {  	[tilespmem:s26+$0x0] =	vst.add.f32.msk $0xffff, v1  }
0x146: {  	s26 =	sor.u32 $0x8850, s19;
	v1 =	vld [tilespmem:s18+$0x1430]  }
0x147: {  	[tilespmem:s26+$0x0] =	vst.add.f32.msk $0xffff, v2  }
0x148: {  	s26 =	sor.u32 $0x8000, s25;
	v2 =	vld [tilespmem:s19+$0x860]  }
0x149: {  	[tilespmem:s26+$0x0] =	vst.add.f32.msk $0xffff, v0  }
0x14a: {  	s26 =	sor.u32 $0x9430, s18;
	v0 =	vld [tilespmem:s25+$0x10]  }
0x14b: {  	[tilespmem:s26+$0x0] =	vst.add.f32.msk $0xffff, v1  }
0x14c: {  	s26 =	sor.u32 $0x8860, s19;
	v1 =	vld [tilespmem:s18+$0x1440]  }
0x14d: {  	[tilespmem:s26+$0x0] =	vst.add.f32.msk $0xffff, v2  }
0x14e: {  	s26 =	sor.u32 $0x8010, s25;
	v2 =	vld [tilespmem:s19+$0x870]  }
0x14f: {  	[tilespmem:s26+$0x0] =	vst.add.f32.msk $0xffff, v0  }
0x150: {  	s26 =	sor.u32 $0x9440, s18;
	v0 =	vld [tilespmem:s25+$0x20]  }
0x151: {  	[tilespmem:s26+$0x0] =	vst.add.f32.msk $0xffff, v1  }
0x152: {  	s26 =	sor.u32 $0x8870, s19;
	v1 =	vld [tilespmem:s18+$0x1450]  }
0x153: {  	[tilespmem:s26+$0x0] =	vst.add.f32.msk $0xffff, v2  }
0x154: {  	s26 =	sor.u32 $0x8020, s25;
	v2 =	vld [tilespmem:s19+$0xC00]  }
0x155: {  	[tilespmem:s26+$0x0] =	vst.add.f32.msk $0xffff, v0  }
0x156: {  	s26 =	sor.u32 $0x9450, s18;
	v0 =	vld [tilespmem:s25+$0x30]  }
0x157: {  	[tilespmem:s26+$0x0] =	vst.add.f32.msk $0xffff, v1  }
0x158: {  	s26 =	sor.u32 $0x8C00, s19;
	v1 =	vld [tilespmem:s18+$0x1460]  }
0x159: {  	[tilespmem:s26+$0x0] =	vst.add.f32.msk $0xffff, v2  }
0x15a: {  	s26 =	sor.u32 $0x8030, s25;
	v2 =	vld [tilespmem:s19+$0xC10]  }
0x15b: {  	[tilespmem:s26+$0x0] =	vst.add.f32.msk $0xffff, v0  }
0x15c: {  	s26 =	sor.u32 $0x9460, s18;
	v0 =	vld [tilespmem:s25+$0x40]  }
0x15d: {  	[tilespmem:s26+$0x0] =	vst.add.f32.msk $0xffff, v1  }
0x15e: {  	s26 =	sor.u32 $0x8C10, s19;
	v1 =	vld [tilespmem:s18+$0x1470]  }
0x15f: {  	[tilespmem:s26+$0x0] =	vst.add.f32.msk $0xffff, v2  }
0x160: {  	s26 =	sor.u32 $0x8040, s25;
	v2 =	vld [tilespmem:s19+$0xC20]  }
0x161: {  	[tilespmem:s26+$0x0] =	vst.add.f32.msk $0xffff, v0  }
0x162: {  	s26 =	sor.u32 $0x9470, s18;
	v0 =	vld [tilespmem:s25+$0x50]  }
0x163: {  	[tilespmem:s26+$0x0] =	vst.add.f32.msk $0xffff, v1  }
0x164: {  	s26 =	sor.u32 $0x8C20, s19;
	v1 =	vld [tilespmem:s18+$0x1800]  }
0x165: {  	[tilespmem:s26+$0x0] =	vst.add.f32.msk $0xffff, v2  }
0x166: {  	s26 =	sor.u32 $0x8050, s25;
	v2 =	vld [tilespmem:s19+$0xC30]  }
0x167: {  	[tilespmem:s26+$0x0] =	vst.add.f32.msk $0xffff, v0  }
0x168: {  	s26 =	sor.u32 $0x9800, s18;
	v0 =	vld [tilespmem:s25+$0x60]  }
0x169: {  	[tilespmem:s26+$0x0] =	vst.add.f32.msk $0xffff, v1  }
0x16a: {  	s26 =	sor.u32 $0x8C30, s19;
	v1 =	vld [tilespmem:s18+$0x1810]  }
0x16b: {  	[tilespmem:s26+$0x0] =	vst.add.f32.msk $0xffff, v2  }
0x16c: {  	s26 =	sor.u32 $0x8060, s25;
	v2 =	vld [tilespmem:s19+$0xC40]  }
0x16d: {  	[tilespmem:s26+$0x0] =	vst.add.f32.msk $0xffff, v0  }
0x16e: {  	s26 =	sor.u32 $0x9810, s18;
	v0 =	vld [tilespmem:s25+$0x70]  }
0x16f: {  	[tilespmem:s26+$0x0] =	vst.add.f32.msk $0xffff, v1  }
0x170: {  	s26 =	sor.u32 $0x8C40, s19;
	v1 =	vld [tilespmem:s18+$0x1820]  }
0x171: {  	[tilespmem:s26+$0x0] =	vst.add.f32.msk $0xffff, v2  }
0x172: {  	s26 =	sor.u32 $0x8070, s25;
	v2 =	vld [tilespmem:s19+$0xC50]  }
0x173: {  	[tilespmem:s26+$0x0] =	vst.add.f32.msk $0xffff, v0  }
0x174: {  	s26 =	sor.u32 $0x9820, s18;
	v0 =	vld [tilespmem:s25+$0x400]  }
0x175: {  	[tilespmem:s26+$0x0] =	vst.add.f32.msk $0xffff, v1  }
0x176: {  	s26 =	sor.u32 $0x8C50, s19;
	v1 =	vld [tilespmem:s18+$0x1830]  }
0x177: {  	[tilespmem:s26+$0x0] =	vst.add.f32.msk $0xffff, v2  }
0x178: {  	s26 =	sor.u32 $0x8400, s25;
	v2 =	vld [tilespmem:s19+$0xC60]  }
0x179: {  	[tilespmem:s26+$0x0] =	vst.add.f32.msk $0xffff, v0  }
0x17a: {  	s26 =	sor.u32 $0x9830, s18;
	v0 =	vld [tilespmem:s25+$0x410]  }
0x17b: {  	[tilespmem:s26+$0x0] =	vst.add.f32.msk $0xffff, v1  }
0x17c: {  	s26 =	sor.u32 $0x8C60, s19;
	v1 =	vld [tilespmem:s18+$0x1840]  }
0x17d: {  	[tilespmem:s26+$0x0] =	vst.add.f32.msk $0xffff, v2  }
0x17e: {  	s26 =	sor.u32 $0x8410, s25;
	v2 =	vld [tilespmem:s19+$0xC70]  }
0x17f: {  	[tilespmem:s26+$0x0] =	vst.add.f32.msk $0xffff, v0  }
0x180: {  	s26 =	sor.u32 $0x9840, s18;
	v0 =	vld [tilespmem:s25+$0x420]  }
0x181: {  	[tilespmem:s26+$0x0] =	vst.add.f32.msk $0xffff, v1  }
0x182: {  	s26 =	sor.u32 $0x8C70, s19;
	v1 =	vld [tilespmem:s18+$0x1850]  }
0x183: {  	[tilespmem:s26+$0x0] =	vst.add.f32.msk $0xffff, v2  }
0x184: {  	s26 =	sor.u32 $0x8420, s25;
	v2 =	vld [tilespmem:s19+$0x1000]  }
0x185: {  	[tilespmem:s26+$0x0] =	vst.add.f32.msk $0xffff, v0  }
0x186: {  	s26 =	sor.u32 $0x9850, s18;
	v0 =	vld [tilespmem:s25+$0x430]  }
0x187: {  	[tilespmem:s26+$0x0] =	vst.add.f32.msk $0xffff, v1  }
0x188: {  	s26 =	sor.u32 $0x9000, s19;
	v1 =	vld [tilespmem:s18+$0x1860]  }
0x189: {  	[tilespmem:s26+$0x0] =	vst.add.f32.msk $0xffff, v2  }
0x18a: {  	s26 =	sor.u32 $0x8430, s25;
	v2 =	vld [tilespmem:s19+$0x1010]  }
0x18b: {  	[tilespmem:s26+$0x0] =	vst.add.f32.msk $0xffff, v0  }
0x18c: {  	s26 =	sor.u32 $0x9860, s18;
	v0 =	vld [tilespmem:s25+$0x440]  }
0x18d: {  	[tilespmem:s26+$0x0] =	vst.add.f32.msk $0xffff, v1  }
0x18e: {  	s26 =	sor.u32 $0x9010, s19;
	v1 =	vld [tilespmem:s18+$0x1870]  }
0x18f: {  	s21 =	sadd.s32 $0x1, s21;
	[tilespmem:s26+$0x0] =	vst.add.f32.msk $0xffff, v2  }
0x190: {  	s28 =	sand.u32 $0x7, s21;
	s26 =	sor.u32 $0x8440, s25;
	v2 =	vld [tilespmem:s19+$0x1020]  }
0x191: {  	s20 =	sadd.s32 $0x400, s20;
	[tilespmem:s26+$0x0] =	vst.add.f32.msk $0xffff, v0;
	s26 =	sshll.u32 s28, $0x7  }
0x192: {  	s28 =	sor.u32 $0x9870, s18;
	s18 =	smov.u32 s19;
	v0 =	vld [tilespmem:s25+$0x450];
	s26 =	sadd.s32 s26, s20  }
0x193: {  	s19 =	smov.u32 s25;
	[tilespmem:s28+$0x0] =	vst.add.f32.msk $0xffff, v1;
	s28 =	sor.u32 $0x1C00, s26  }
0x194: {  	s25 =	sor.u32 $0x9020, s18;
	v1 =	vld [tilespmem:s28+$0x0]  }
0x195: {  	[tilespmem:s25+$0x0] =	vst.add.f32.msk $0xffff, v2  }
0x196: {  	s25 =	sor.u32 $0x8450, s19;
	v2 =	vld [tilespmem:s18+$0x1030]  }
0x197: {  	[tilespmem:s25+$0x0] =	vst.add.f32.msk $0xffff, v0  }
0x198: {  	v0 =	vld [tilespmem:s19+$0x460]  }
0x199: {  	s25 =	sor.u32 $0x1C10, s26;
	[tilespmem:s28+$0x8000] =	vst.add.f32.msk $0xffff, v1  }
0x19a: {  	s28 =	sor.u32 $0x9030, s18;
	v1 =	vld [tilespmem:s25+$0x0]  }
0x19b: {  	[tilespmem:s28+$0x0] =	vst.add.f32.msk $0xffff, v2  }
0x19c: {  	s28 =	sor.u32 $0x8460, s19;
	v2 =	vld [tilespmem:s18+$0x1040]  }
0x19d: {  	[tilespmem:s28+$0x0] =	vst.add.f32.msk $0xffff, v0  }
0x19e: {  	v0 =	vld [tilespmem:s19+$0x470]  }
0x19f: {  	[tilespmem:s25+$0x8000] =	vst.add.f32.msk $0xffff, v1;
	s25 =	sor.u32 $0x1C20, s26  }
0x1a0: {  	s28 =	sor.u32 $0x9040, s18;
	v1 =	vld [tilespmem:s25+$0x0]  }
0x1a1: {  	[tilespmem:s28+$0x0] =	vst.add.f32.msk $0xffff, v2  }
0x1a2: {  	s28 =	sor.u32 $0x8470, s19;
	v2 =	vld [tilespmem:s18+$0x1050]  }
0x1a3: {  	[tilespmem:s28+$0x0] =	vst.add.f32.msk $0xffff, v0  }
0x1a4: {  	v0 =	vld [tilespmem:s19+$0x800]  }
0x1a5: {  	[tilespmem:s25+$0x8000] =	vst.add.f32.msk $0xffff, v1;
	s25 =	sor.u32 $0x1C30, s26  }
0x1a6: {  	s28 =	sor.u32 $0x9050, s18;
	v1 =	vld [tilespmem:s25+$0x0]  }
0x1a7: {  	[tilespmem:s28+$0x0] =	vst.add.f32.msk $0xffff, v2  }
0x1a8: {  	s28 =	sor.u32 $0x8800, s19;
	v2 =	vld [tilespmem:s18+$0x1060]  }
0x1a9: {  	[tilespmem:s28+$0x0] =	vst.add.f32.msk $0xffff, v0  }
0x1aa: {  	v0 =	vld [tilespmem:s19+$0x810]  }
0x1ab: {  	[tilespmem:s25+$0x8000] =	vst.add.f32.msk $0xffff, v1;
	s25 =	sor.u32 $0x1C40, s26  }
0x1ac: {  	s28 =	sor.u32 $0x9060, s18;
	v1 =	vld [tilespmem:s25+$0x0]  }
0x1ad: {  	[tilespmem:s28+$0x0] =	vst.add.f32.msk $0xffff, v2  }
0x1ae: {  	s28 =	sor.u32 $0x8810, s19;
	v2 =	vld [tilespmem:s18+$0x1070]  }
0x1af: {  	[tilespmem:s28+$0x0] =	vst.add.f32.msk $0xffff, v0  }
0x1b0: {  	v0 =	vld [tilespmem:s19+$0x820]  }
0x1b1: {  	[tilespmem:s25+$0x8000] =	vst.add.f32.msk $0xffff, v1;
	s25 =	sor.u32 $0x1C50, s26  }
0x1b2: {  	s28 =	sor.u32 $0x9070, s18;
	v1 =	vld [tilespmem:s25+$0x0]  }
0x1b3: {  	[tilespmem:s28+$0x0] =	vst.add.f32.msk $0xffff, v2  }
0x1b4: {  	s28 =	sor.u32 $0x8820, s19;
	v2 =	vld [tilespmem:s18+$0x1400]  }
0x1b5: {  	[tilespmem:s28+$0x0] =	vst.add.f32.msk $0xffff, v0  }
0x1b6: {  	v0 =	vld [tilespmem:s19+$0x830]  }
0x1b7: {  	[tilespmem:s25+$0x8000] =	vst.add.f32.msk $0xffff, v1;
	s25 =	sor.u32 $0x1C60, s26  }
0x1b8: {  	s28 =	sor.u32 $0x9400, s18;
	v1 =	vld [tilespmem:s25+$0x0]  }
0x1b9: {  	[tilespmem:s28+$0x0] =	vst.add.f32.msk $0xffff, v2  }
0x1ba: {  	s28 =	sor.u32 $0x8830, s19;
	v2 =	vld [tilespmem:s18+$0x1410]  }
0x1bb: {  	[tilespmem:s28+$0x0] =	vst.add.f32.msk $0xffff, v0  }
0x1bc: {  	v3 =	vld [tilespmem:s19+$0x840]  }
.Ltmp0:
0x1bd: {  	s26 =	sor.u32 $0x1C70, s26;
	[tilespmem:s25+$0x8000] =	vst.add.f32.msk $0xffff, v1;
	(pc) =	sbr.rel @p0 .LBB2_2-.Ltmp0, $4  }
0x1be: {  	s25 =	sor.u32 $0x9410, s18;
	v0 =	vld [tilespmem:s26+$0x0]  }
0x1bf: {  	[tilespmem:s25+$0x0] =	vst.add.f32.msk $0xffff, v2  }
0x1c0: {  	s23 =	sadd.s32 $0x400, s23;
	s28 =	sor.u32 $0x8840, s19;
	v1 =	vld [tilespmem:s18+$0x1420]  }
0x1c1: {  	s24 =	sadd.s32 $0x80, s24;
	s25 =	sadd.s32 $0x8000, s23;
	[tilespmem:s28+$0x0] =	vst.add.f32.msk $0xffff, v3  }
0x1c2: {  	s23 =	sand.u32 $0x6000, s25;
	s22 =	sand.u32 $0x380, s22;
	v2 =	vld [tilespmem:s19+$0x850]  }
0x1c3: {  	s22 =	sor.u32 s22, s23;
	[tilespmem:s26+$0x8000] =	vst.add.f32.msk $0xffff, v0  }
0x1c4: {  	s31 =	sor.u32 $0x9420, s18;
	v0 =	vld [tilespmem:s22+$0x0]  }
0x1c5: {  	[tilespmem:s31+$0x0] =	vst.add.f32.msk $0xffff, v1  }
0x1c6: {  	s24 =	sor.u32 $0x8850, s19;
	v1 =	vld [tilespmem:s18+$0x1430]  }
0x1c7: {  	[tilespmem:s24+$0x0] =	vst.add.f32.msk $0xffff, v2  }
0x1c8: {  	s25 =	sor.u32 $0x8000, s22;
	v2 =	vld [tilespmem:s19+$0x860]  }
0x1c9: {  	[tilespmem:s25+$0x0] =	vst.add.f32.msk $0xffff, v0  }
0x1ca: {  	s26 =	sor.u32 $0x9430, s18;
	v0 =	vld [tilespmem:s22+$0x10]  }
0x1cb: {  	[tilespmem:s26+$0x0] =	vst.add.f32.msk $0xffff, v1  }
0x1cc: {  	s28 =	sor.u32 $0x8860, s19;
	v1 =	vld [tilespmem:s18+$0x1440]  }
0x1cd: {  	[tilespmem:s28+$0x0] =	vst.add.f32.msk $0xffff, v2  }
0x1ce: {  	s29 =	sor.u32 $0x8010, s22;
	v2 =	vld [tilespmem:s19+$0x870]  }
0x1cf: {  	[tilespmem:s29+$0x0] =	vst.add.f32.msk $0xffff, v0  }
0x1d0: {  	s30 =	sor.u32 $0x9440, s18;
	v3 =	vld [tilespmem:s22+$0x20]  }
0x1d1: {  	[tilespmem:s30+$0x0] =	vst.add.f32.msk $0xffff, v1  }
0x1d2: {  	s31 =	sor.u32 $0x8870, s19;
	v0 =	vld [tilespmem:s18+$0x1450]  }
0x1d3: {  	[tilespmem:s31+$0x0] =	vst.add.f32.msk $0xffff, v2  }
0x1d4: {  	s24 =	sor.u32 $0x8020, s22;
	v1 =	vld [tilespmem:s19+$0xC00]  }
0x1d5: {  	[tilespmem:s24+$0x0] =	vst.add.f32.msk $0xffff, v3  }
0x1d6: {  	v2 =	vld [tilespmem:s22+$0x30];
	_ =	sdelay $0x3  }
0x1d7: {  	s25 =	sor.u32 $0x8030, s22  }
0x1d8: {  	[tilespmem:s25+$0x0] =	vst.add.f32.msk $0xffff, v2  }
0x1d9: {  	v2 =	vld [tilespmem:s22+$0x40];
	_ =	sdelay $0x3  }
0x1da: {  	s26 =	sor.u32 $0x8040, s22  }
0x1db: {  	[tilespmem:s26+$0x0] =	vst.add.f32.msk $0xffff, v2  }
0x1dc: {  	v2 =	vld [tilespmem:s22+$0x50];
	_ =	sdelay $0x3  }
0x1dd: {  	s28 =	sor.u32 $0x8050, s22  }
0x1de: {  	[tilespmem:s28+$0x0] =	vst.add.f32.msk $0xffff, v2  }
0x1df: {  	v2 =	vld [tilespmem:s22+$0x60];
	_ =	sdelay $0x3  }
0x1e0: {  	s29 =	sor.u32 $0x8060, s22  }
0x1e1: {  	[tilespmem:s29+$0x0] =	vst.add.f32.msk $0xffff, v2  }
0x1e2: {  	v2 =	vld [tilespmem:s22+$0x70];
	_ =	sdelay $0x3  }
0x1e3: {  	s30 =	sor.u32 $0x8070, s22  }
0x1e4: {  	[tilespmem:s30+$0x0] =	vst.add.f32.msk $0xffff, v2  }
0x1e5: {  	v2 =	vld [tilespmem:s22+$0x400];
	_ =	sdelay $0x3  }
0x1e6: {  	s31 =	sor.u32 $0x8400, s22  }
0x1e7: {  	[tilespmem:s31+$0x0] =	vst.add.f32.msk $0xffff, v2  }
0x1e8: {  	v2 =	vld [tilespmem:s22+$0x410];
	_ =	sdelay $0x3  }
0x1e9: {  	s24 =	sor.u32 $0x8410, s22  }
0x1ea: {  	[tilespmem:s24+$0x0] =	vst.add.f32.msk $0xffff, v2  }
0x1eb: {  	v2 =	vld [tilespmem:s22+$0x420];
	_ =	sdelay $0x3  }
0x1ec: {  	s25 =	sor.u32 $0x8420, s22  }
0x1ed: {  	[tilespmem:s25+$0x0] =	vst.add.f32.msk $0xffff, v2  }
0x1ee: {  	v2 =	vld [tilespmem:s22+$0x430];
	_ =	sdelay $0x3  }
0x1ef: {  	s26 =	sor.u32 $0x8430, s22  }
0x1f0: {  	[tilespmem:s26+$0x0] =	vst.add.f32.msk $0xffff, v2  }
0x1f1: {  	v2 =	vld [tilespmem:s22+$0x440];
	_ =	sdelay $0x3  }
0x1f2: {  	s28 =	sor.u32 $0x8440, s22  }
0x1f3: {  	[tilespmem:s28+$0x0] =	vst.add.f32.msk $0xffff, v2  }
0x1f4: {  	v2 =	vld [tilespmem:s22+$0x450];
	_ =	sdelay $0x3  }
0x1f5: {  	s29 =	sor.u32 $0x8450, s22  }
0x1f6: {  	[tilespmem:s29+$0x0] =	vst.add.f32.msk $0xffff, v2  }
0x1f7: {  	v2 =	vld [tilespmem:s22+$0x460];
	_ =	sdelay $0x3  }
0x1f8: {  	s30 =	sor.u32 $0x8460, s22  }
0x1f9: {  	[tilespmem:s30+$0x0] =	vst.add.f32.msk $0xffff, v2  }
0x1fa: {  	v2 =	vld [tilespmem:s22+$0x470];
	_ =	sdelay $0x3  }
0x1fb: {  	s31 =	sor.u32 $0x8470, s22  }
0x1fc: {  	[tilespmem:s31+$0x0] =	vst.add.f32.msk $0xffff, v2  }
0x1fd: {  	v2 =	vld [tilespmem:s22+$0x800];
	_ =	sdelay $0x3  }
0x1fe: {  	s24 =	sor.u32 $0x8800, s22  }
0x1ff: {  	[tilespmem:s24+$0x0] =	vst.add.f32.msk $0xffff, v2  }
0x200: {  	v2 =	vld [tilespmem:s22+$0x810];
	_ =	sdelay $0x3  }
0x201: {  	s25 =	sor.u32 $0x8810, s22  }
0x202: {  	[tilespmem:s25+$0x0] =	vst.add.f32.msk $0xffff, v2  }
0x203: {  	v2 =	vld [tilespmem:s22+$0x820];
	_ =	sdelay $0x3  }
0x204: {  	s26 =	sor.u32 $0x8820, s22  }
0x205: {  	[tilespmem:s26+$0x0] =	vst.add.f32.msk $0xffff, v2  }
0x206: {  	v2 =	vld [tilespmem:s22+$0x830];
	_ =	sdelay $0x3  }
0x207: {  	s28 =	sor.u32 $0x8830, s22  }
0x208: {  	[tilespmem:s28+$0x0] =	vst.add.f32.msk $0xffff, v2  }
0x209: {  	v2 =	vld [tilespmem:s22+$0x840];
	_ =	sdelay $0x3  }
0x20a: {  	s29 =	sor.u32 $0x8840, s22  }
0x20b: {  	[tilespmem:s29+$0x0] =	vst.add.f32.msk $0xffff, v2  }
0x20c: {  	v2 =	vld [tilespmem:s22+$0x850];
	_ =	sdelay $0x3  }
0x20d: {  	s30 =	sor.u32 $0x8850, s22  }
0x20e: {  	[tilespmem:s30+$0x0] =	vst.add.f32.msk $0xffff, v2  }
0x20f: {  	v2 =	vld [tilespmem:s22+$0x860];
	_ =	sdelay $0x3  }
0x210: {  	s31 =	sor.u32 $0x8860, s22  }
0x211: {  	[tilespmem:s31+$0x0] =	vst.add.f32.msk $0xffff, v2  }
0x212: {  	v2 =	vld [tilespmem:s22+$0x870];
	_ =	sdelay $0x3  }
0x213: {  	s24 =	sor.u32 $0x8870, s22  }
0x214: {  	[tilespmem:s24+$0x0] =	vst.add.f32.msk $0xffff, v2  }
0x215: {  	v2 =	vld [tilespmem:s22+$0xC00];
	_ =	sdelay $0x1  }
0x216: {  	s25 =	sor.u32 $0x8C00, s19  }
0x217: {  	[tilespmem:s25+$0x0] =	vst.add.f32.msk $0xffff, v1  }
0x218: {  	v1 =	vld [tilespmem:s19+$0xC10];
	s26 =	sor.u32 $0x8C00, s22  }
0x219: {  	[tilespmem:s26+$0x0] =	vst.add.f32.msk $0xffff, v2  }
0x21a: {  	v2 =	vld [tilespmem:s22+$0xC10];
	_ =	sdelay $0x1  }
0x21b: {  	s28 =	sor.u32 $0x8C10, s19  }
0x21c: {  	[tilespmem:s28+$0x0] =	vst.add.f32.msk $0xffff, v1  }
0x21d: {  	v1 =	vld [tilespmem:s19+$0xC20];
	s29 =	sor.u32 $0x8C10, s22  }
0x21e: {  	[tilespmem:s29+$0x0] =	vst.add.f32.msk $0xffff, v2  }
0x21f: {  	v2 =	vld [tilespmem:s22+$0xC20];
	_ =	sdelay $0x1  }
0x220: {  	s30 =	sor.u32 $0x8C20, s19  }
0x221: {  	[tilespmem:s30+$0x0] =	vst.add.f32.msk $0xffff, v1  }
0x222: {  	v1 =	vld [tilespmem:s19+$0xC30];
	s31 =	sor.u32 $0x8C20, s22  }
0x223: {  	[tilespmem:s31+$0x0] =	vst.add.f32.msk $0xffff, v2  }
0x224: {  	v2 =	vld [tilespmem:s22+$0xC30];
	_ =	sdelay $0x1  }
0x225: {  	s24 =	sor.u32 $0x8C30, s19  }
0x226: {  	[tilespmem:s24+$0x0] =	vst.add.f32.msk $0xffff, v1  }
0x227: {  	s25 =	sor.u32 $0x8C30, s22;
	v1 =	vld [tilespmem:s19+$0xC40]  }
0x228: {  	[tilespmem:s25+$0x0] =	vst.add.f32.msk $0xffff, v2  }
0x229: {  	v2 =	vld [tilespmem:s22+$0xC40];
	_ =	sdelay $0x1  }
0x22a: {  	s26 =	sor.u32 $0x8C40, s19  }
0x22b: {  	[tilespmem:s26+$0x0] =	vst.add.f32.msk $0xffff, v1  }
0x22c: {  	s28 =	sor.u32 $0x8C40, s22;
	v1 =	vld [tilespmem:s19+$0xC50]  }
0x22d: {  	[tilespmem:s28+$0x0] =	vst.add.f32.msk $0xffff, v2  }
0x22e: {  	v2 =	vld [tilespmem:s22+$0xC50];
	_ =	sdelay $0x1  }
0x22f: {  	s29 =	sor.u32 $0x8C50, s19  }
0x230: {  	[tilespmem:s29+$0x0] =	vst.add.f32.msk $0xffff, v1  }
0x231: {  	s30 =	sor.u32 $0x8C50, s22;
	v1 =	vld [tilespmem:s19+$0xC60]  }
0x232: {  	[tilespmem:s30+$0x0] =	vst.add.f32.msk $0xffff, v2  }
0x233: {  	v2 =	vld [tilespmem:s22+$0xC60];
	_ =	sdelay $0x1  }
0x234: {  	s31 =	sor.u32 $0x8C60, s19  }
0x235: {  	[tilespmem:s31+$0x0] =	vst.add.f32.msk $0xffff, v1  }
0x236: {  	s24 =	sor.u32 $0x8C60, s22;
	v1 =	vld [tilespmem:s19+$0xC70]  }
0x237: {  	[tilespmem:s24+$0x0] =	vst.add.f32.msk $0xffff, v2  }
0x238: {  	v2 =	vld [tilespmem:s22+$0xC70];
	_ =	sdelay $0x1  }
0x239: {  	s25 =	sor.u32 $0x8C70, s19  }
0x23a: {  	[tilespmem:s25+$0x0] =	vst.add.f32.msk $0xffff, v1  }
0x23b: {  	s26 =	sor.u32 $0x8C70, s22;
	v1 =	vld [tilespmem:s19+$0x1000]  }
0x23c: {  	[tilespmem:s26+$0x0] =	vst.add.f32.msk $0xffff, v2  }
0x23d: {  	v2 =	vld [tilespmem:s22+$0x1000];
	_ =	sdelay $0x1  }
0x23e: {  	s28 =	sor.u32 $0x9000, s19  }
0x23f: {  	[tilespmem:s28+$0x0] =	vst.add.f32.msk $0xffff, v1  }
0x240: {  	s29 =	sor.u32 $0x9000, s22;
	v1 =	vld [tilespmem:s19+$0x1010]  }
0x241: {  	[tilespmem:s29+$0x0] =	vst.add.f32.msk $0xffff, v2  }
0x242: {  	v2 =	vld [tilespmem:s22+$0x1010];
	_ =	sdelay $0x1  }
0x243: {  	s30 =	sor.u32 $0x9010, s19  }
0x244: {  	[tilespmem:s30+$0x0] =	vst.add.f32.msk $0xffff, v1  }
0x245: {  	s31 =	sor.u32 $0x9010, s22;
	v1 =	vld [tilespmem:s19+$0x1020]  }
0x246: {  	[tilespmem:s31+$0x0] =	vst.add.f32.msk $0xffff, v2  }
0x247: {  	v2 =	vld [tilespmem:s22+$0x1020];
	_ =	sdelay $0x1  }
0x248: {  	s24 =	sor.u32 $0x9020, s19  }
0x249: {  	[tilespmem:s24+$0x0] =	vst.add.f32.msk $0xffff, v1  }
0x24a: {  	s25 =	sor.u32 $0x9020, s22;
	v1 =	vld [tilespmem:s19+$0x1030]  }
0x24b: {  	[tilespmem:s25+$0x0] =	vst.add.f32.msk $0xffff, v2  }
0x24c: {  	v2 =	vld [tilespmem:s22+$0x1030];
	_ =	sdelay $0x1  }
0x24d: {  	s26 =	sor.u32 $0x9030, s19  }
0x24e: {  	[tilespmem:s26+$0x0] =	vst.add.f32.msk $0xffff, v1  }
0x24f: {  	s28 =	sor.u32 $0x9030, s22;
	v1 =	vld [tilespmem:s19+$0x1040]  }
0x250: {  	[tilespmem:s28+$0x0] =	vst.add.f32.msk $0xffff, v2  }
0x251: {  	v2 =	vld [tilespmem:s22+$0x1040];
	_ =	sdelay $0x1  }
0x252: {  	s29 =	sor.u32 $0x9040, s19  }
0x253: {  	[tilespmem:s29+$0x0] =	vst.add.f32.msk $0xffff, v1  }
0x254: {  	s30 =	sor.u32 $0x9040, s22;
	v1 =	vld [tilespmem:s19+$0x1050]  }
0x255: {  	[tilespmem:s30+$0x0] =	vst.add.f32.msk $0xffff, v2  }
0x256: {  	v2 =	vld [tilespmem:s22+$0x1050];
	_ =	sdelay $0x1  }
0x257: {  	s31 =	sor.u32 $0x9050, s19  }
0x258: {  	[tilespmem:s31+$0x0] =	vst.add.f32.msk $0xffff, v1  }
0x259: {  	s24 =	sor.u32 $0x9050, s22;
	v1 =	vld [tilespmem:s19+$0x1060]  }
0x25a: {  	[tilespmem:s24+$0x0] =	vst.add.f32.msk $0xffff, v2  }
0x25b: {  	v2 =	vld [tilespmem:s22+$0x1060];
	_ =	sdelay $0x1  }
0x25c: {  	s25 =	sor.u32 $0x9060, s19  }
0x25d: {  	[tilespmem:s25+$0x0] =	vst.add.f32.msk $0xffff, v1  }
0x25e: {  	s26 =	sor.u32 $0x9060, s22;
	v1 =	vld [tilespmem:s19+$0x1070]  }
0x25f: {  	[tilespmem:s26+$0x0] =	vst.add.f32.msk $0xffff, v2  }
0x260: {  	v2 =	vld [tilespmem:s22+$0x1070];
	_ =	sdelay $0x1  }
0x261: {  	s28 =	sor.u32 $0x9070, s19  }
0x262: {  	[tilespmem:s28+$0x0] =	vst.add.f32.msk $0xffff, v1  }
0x263: {  	s29 =	sor.u32 $0x9070, s22;
	v1 =	vld [tilespmem:s19+$0x1400]  }
0x264: {  	[tilespmem:s29+$0x0] =	vst.add.f32.msk $0xffff, v2  }
0x265: {  	v2 =	vld [tilespmem:s22+$0x1400];
	_ =	sdelay $0x1  }
0x266: {  	s30 =	sor.u32 $0x9400, s19  }
0x267: {  	[tilespmem:s30+$0x0] =	vst.add.f32.msk $0xffff, v1  }
0x268: {  	s31 =	sor.u32 $0x9400, s22;
	v1 =	vld [tilespmem:s19+$0x1410]  }
0x269: {  	[tilespmem:s31+$0x0] =	vst.add.f32.msk $0xffff, v2  }
0x26a: {  	v2 =	vld [tilespmem:s22+$0x1410];
	_ =	sdelay $0x1  }
0x26b: {  	s24 =	sor.u32 $0x9410, s19  }
0x26c: {  	[tilespmem:s24+$0x0] =	vst.add.f32.msk $0xffff, v1  }
0x26d: {  	s25 =	sor.u32 $0x9410, s22;
	v1 =	vld [tilespmem:s19+$0x1420]  }
0x26e: {  	[tilespmem:s25+$0x0] =	vst.add.f32.msk $0xffff, v2  }
0x26f: {  	v2 =	vld [tilespmem:s22+$0x1420];
	_ =	sdelay $0x1  }
0x270: {  	s26 =	sor.u32 $0x9420, s19  }
0x271: {  	[tilespmem:s26+$0x0] =	vst.add.f32.msk $0xffff, v1  }
0x272: {  	s28 =	sor.u32 $0x9420, s22;
	v1 =	vld [tilespmem:s19+$0x1430]  }
0x273: {  	[tilespmem:s28+$0x0] =	vst.add.f32.msk $0xffff, v2  }
0x274: {  	v2 =	vld [tilespmem:s22+$0x1430];
	_ =	sdelay $0x1  }
0x275: {  	s29 =	sor.u32 $0x9430, s19  }
0x276: {  	[tilespmem:s29+$0x0] =	vst.add.f32.msk $0xffff, v1  }
0x277: {  	s30 =	sor.u32 $0x9430, s22;
	v1 =	vld [tilespmem:s19+$0x1440]  }
0x278: {  	[tilespmem:s30+$0x0] =	vst.add.f32.msk $0xffff, v2  }
0x279: {  	v2 =	vld [tilespmem:s22+$0x1440];
	_ =	sdelay $0x1  }
0x27a: {  	s31 =	sor.u32 $0x9440, s19  }
0x27b: {  	[tilespmem:s31+$0x0] =	vst.add.f32.msk $0xffff, v1  }
0x27c: {  	s24 =	sor.u32 $0x9440, s22;
	v1 =	vld [tilespmem:s19+$0x1450]  }
0x27d: {  	[tilespmem:s24+$0x0] =	vst.add.f32.msk $0xffff, v2  }
0x27e: {  	s25 =	sor.u32 $0x9450, s18;
	v2 =	vld [tilespmem:s22+$0x1450]  }
0x27f: {  	[tilespmem:s25+$0x0] =	vst.add.f32.msk $0xffff, v0  }
0x280: {  	s26 =	sor.u32 $0x9450, s19;
	v0 =	vld [tilespmem:s18+$0x1460]  }
0x281: {  	[tilespmem:s26+$0x0] =	vst.add.f32.msk $0xffff, v1  }
0x282: {  	v1 =	vld [tilespmem:s19+$0x1460];
	s28 =	sor.u32 $0x9450, s22  }
0x283: {  	[tilespmem:s28+$0x0] =	vst.add.f32.msk $0xffff, v2  }
0x284: {  	s29 =	sor.u32 $0x9460, s18;
	v2 =	vld [tilespmem:s22+$0x1460]  }
0x285: {  	[tilespmem:s29+$0x0] =	vst.add.f32.msk $0xffff, v0  }
0x286: {  	v0 =	vld [tilespmem:s18+$0x1470];
	s30 =	sor.u32 $0x9460, s19  }
0x287: {  	[tilespmem:s30+$0x0] =	vst.add.f32.msk $0xffff, v1  }
0x288: {  	s31 =	sor.u32 $0x9460, s22;
	v1 =	vld [tilespmem:s19+$0x1470]  }
0x289: {  	[tilespmem:s31+$0x0] =	vst.add.f32.msk $0xffff, v2  }
0x28a: {  	s24 =	sor.u32 $0x9470, s18;
	v2 =	vld [tilespmem:s22+$0x1470]  }
0x28b: {  	[tilespmem:s24+$0x0] =	vst.add.f32.msk $0xffff, v0  }
0x28c: {  	s25 =	sor.u32 $0x9470, s19;
	v0 =	vld [tilespmem:s18+$0x1800]  }
0x28d: {  	[tilespmem:s25+$0x0] =	vst.add.f32.msk $0xffff, v1  }
0x28e: {  	s26 =	sor.u32 $0x9470, s22;
	v1 =	vld [tilespmem:s19+$0x1800]  }
0x28f: {  	[tilespmem:s26+$0x0] =	vst.add.f32.msk $0xffff, v2  }
0x290: {  	s28 =	sor.u32 $0x9800, s18;
	v2 =	vld [tilespmem:s22+$0x1800]  }
0x291: {  	[tilespmem:s28+$0x0] =	vst.add.f32.msk $0xffff, v0  }
0x292: {  	s29 =	sor.u32 $0x9800, s19;
	v0 =	vld [tilespmem:s18+$0x1810]  }
0x293: {  	[tilespmem:s29+$0x0] =	vst.add.f32.msk $0xffff, v1  }
0x294: {  	s30 =	sor.u32 $0x9800, s22;
	v1 =	vld [tilespmem:s19+$0x1810]  }
0x295: {  	[tilespmem:s30+$0x0] =	vst.add.f32.msk $0xffff, v2  }
0x296: {  	s31 =	sor.u32 $0x9810, s18;
	v2 =	vld [tilespmem:s22+$0x1810]  }
0x297: {  	[tilespmem:s31+$0x0] =	vst.add.f32.msk $0xffff, v0  }
0x298: {  	s24 =	sor.u32 $0x9810, s19;
	v0 =	vld [tilespmem:s18+$0x1820]  }
0x299: {  	[tilespmem:s24+$0x0] =	vst.add.f32.msk $0xffff, v1  }
0x29a: {  	s25 =	sor.u32 $0x9810, s22;
	v1 =	vld [tilespmem:s19+$0x1820]  }
0x29b: {  	[tilespmem:s25+$0x0] =	vst.add.f32.msk $0xffff, v2  }
0x29c: {  	s26 =	sor.u32 $0x9820, s18;
	v2 =	vld [tilespmem:s22+$0x1820]  }
0x29d: {  	[tilespmem:s26+$0x0] =	vst.add.f32.msk $0xffff, v0  }
0x29e: {  	s28 =	sor.u32 $0x9820, s19;
	v0 =	vld [tilespmem:s18+$0x1830]  }
0x29f: {  	[tilespmem:s28+$0x0] =	vst.add.f32.msk $0xffff, v1  }
0x2a0: {  	s29 =	sor.u32 $0x9820, s22;
	v1 =	vld [tilespmem:s19+$0x1830]  }
0x2a1: {  	[tilespmem:s29+$0x0] =	vst.add.f32.msk $0xffff, v2  }
0x2a2: {  	s30 =	sor.u32 $0x9830, s18;
	v2 =	vld [tilespmem:s22+$0x1830]  }
0x2a3: {  	[tilespmem:s30+$0x0] =	vst.add.f32.msk $0xffff, v0  }
0x2a4: {  	s31 =	sor.u32 $0x9830, s19;
	v0 =	vld [tilespmem:s18+$0x1840]  }
0x2a5: {  	[tilespmem:s31+$0x0] =	vst.add.f32.msk $0xffff, v1  }
0x2a6: {  	s24 =	sor.u32 $0x9830, s22;
	v1 =	vld [tilespmem:s19+$0x1840]  }
0x2a7: {  	[tilespmem:s24+$0x0] =	vst.add.f32.msk $0xffff, v2  }
0x2a8: {  	s25 =	sor.u32 $0x9840, s18;
	v2 =	vld [tilespmem:s22+$0x1840]  }
0x2a9: {  	[tilespmem:s25+$0x0] =	vst.add.f32.msk $0xffff, v0  }
0x2aa: {  	s26 =	sor.u32 $0x9840, s19;
	v0 =	vld [tilespmem:s18+$0x1850]  }
0x2ab: {  	[tilespmem:s26+$0x0] =	vst.add.f32.msk $0xffff, v1  }
0x2ac: {  	s28 =	sor.u32 $0x9840, s22;
	v1 =	vld [tilespmem:s19+$0x1850]  }
0x2ad: {  	[tilespmem:s28+$0x0] =	vst.add.f32.msk $0xffff, v2  }
0x2ae: {  	s29 =	sor.u32 $0x9850, s18;
	v2 =	vld [tilespmem:s22+$0x1850]  }
0x2af: {  	[tilespmem:s29+$0x0] =	vst.add.f32.msk $0xffff, v0  }
0x2b0: {  	s30 =	sor.u32 $0x9850, s19;
	v0 =	vld [tilespmem:s18+$0x1860]  }
0x2b1: {  	[tilespmem:s30+$0x0] =	vst.add.f32.msk $0xffff, v1  }
0x2b2: {  	s31 =	sor.u32 $0x9850, s22;
	v1 =	vld [tilespmem:s19+$0x1860]  }
0x2b3: {  	[tilespmem:s31+$0x0] =	vst.add.f32.msk $0xffff, v2  }
0x2b4: {  	s24 =	sor.u32 $0x9860, s18;
	v2 =	vld [tilespmem:s22+$0x1860]  }
0x2b5: {  	[tilespmem:s24+$0x0] =	vst.add.f32.msk $0xffff, v0  }
0x2b6: {  	s25 =	sor.u32 $0x9860, s19;
	v0 =	vld [tilespmem:s18+$0x1870]  }
0x2b7: {  	s21 =	sadd.s32 $0x1, s21;
	[tilespmem:s25+$0x0] =	vst.add.f32.msk $0xffff, v1  }
0x2b8: {  	s29 =	sor.u32 $0x9860, s22;
	s30 =	sor.u32 $0x9870, s18;
	s24 =	sand.u32 $0x7, s21;
	v1 =	vld [tilespmem:s19+$0x1870]  }
0x2b9: {  	s21 =	sadd.s32 $0x1, s21;
	s26 =	sshll.u32 s24, $0x7;
	s28 =	sadd.s32 $0x400, s20;
	[tilespmem:s29+$0x0] =	vst.add.f32.msk $0xffff, v2  }
0x2ba: {  	s20 =	sadd.s32 s26, s28;
	s24 =	sadd.s32 $0x400, s28;
	s31 =	sand.u32 $0x7, s21;
	v2 =	vld [tilespmem:s22+$0x1870]  }
0x2bb: {  	[tilespmem:s30+$0x0] =	vst.add.f32.msk $0xffff, v0;
	s23 =	sor.u32 $0x1C00, s20;
	s21 =	sadd.s32 $0x1, s21;
	s26 =	sshll.u32 s31, $0x7  }
0x2bc: {  	s28 =	sor.u32 $0x9870, s19;
	v0 =	vld [tilespmem:s23+$0x0];
	s21 =	sand.u32 $0x7, s21;
	s18 =	sadd.s32 s26, s24  }
0x2bd: {  	[tilespmem:s28+$0x0] =	vst.add.f32.msk $0xffff, v1;
	s31 =	sadd.s32 $0x400, s24;
	s30 =	sshll.u32 s21, $0x7;
	s29 =	sor.u32 $0x1C00, s18  }
0x2be: {  	s24 =	sor.u32 $0x9870, s22;
	s19 =	sadd.s32 s30, s31;
	v1 =	vld [tilespmem:s29+$0x0]  }
0x2bf: {  	s26 =	sor.u32 $0x1C00, s19;
	[tilespmem:s24+$0x0] =	vst.add.f32.msk $0xffff, v2  }
0x2c0: {  	v2 =	vld [tilespmem:s26+$0x0]  }
0x2c1: {  	s28 =	sor.u32 $0x1C10, s20;
	[tilespmem:s23+$0x8000] =	vst.add.f32.msk $0xffff, v0  }
0x2c2: {  	v0 =	vld [tilespmem:s28+$0x0]  }
0x2c3: {  	[tilespmem:s29+$0x8000] =	vst.add.f32.msk $0xffff, v1;
	s29 =	sor.u32 $0x1C10, s18  }
0x2c4: {  	v1 =	vld [tilespmem:s29+$0x0]  }
0x2c5: {  	s30 =	sor.u32 $0x1C10, s19;
	[tilespmem:s26+$0x8000] =	vst.add.f32.msk $0xffff, v2  }
0x2c6: {  	v2 =	vld [tilespmem:s30+$0x0]  }
0x2c7: {  	s31 =	sor.u32 $0x1C20, s20;
	[tilespmem:s28+$0x8000] =	vst.add.f32.msk $0xffff, v0  }
0x2c8: {  	v0 =	vld [tilespmem:s31+$0x0]  }
0x2c9: {  	s24 =	sor.u32 $0x1C20, s18;
	[tilespmem:s29+$0x8000] =	vst.add.f32.msk $0xffff, v1  }
0x2ca: {  	v1 =	vld [tilespmem:s24+$0x0]  }
0x2cb: {  	s25 =	sor.u32 $0x1C20, s19;
	[tilespmem:s30+$0x8000] =	vst.add.f32.msk $0xffff, v2  }
0x2cc: {  	v2 =	vld [tilespmem:s25+$0x0]  }
0x2cd: {  	[tilespmem:s31+$0x8000] =	vst.add.f32.msk $0xffff, v0;
	s26 =	sor.u32 $0x1C30, s20  }
0x2ce: {  	v0 =	vld [tilespmem:s26+$0x0]  }
0x2cf: {  	s28 =	sor.u32 $0x1C30, s18;
	[tilespmem:s24+$0x8000] =	vst.add.f32.msk $0xffff, v1  }
0x2d0: {  	v1 =	vld [tilespmem:s28+$0x0]  }
0x2d1: {  	s29 =	sor.u32 $0x1C30, s19;
	[tilespmem:s25+$0x8000] =	vst.add.f32.msk $0xffff, v2  }
0x2d2: {  	v2 =	vld [tilespmem:s29+$0x0]  }
0x2d3: {  	[tilespmem:s26+$0x8000] =	vst.add.f32.msk $0xffff, v0;
	s30 =	sor.u32 $0x1C40, s20  }
0x2d4: {  	v0 =	vld [tilespmem:s30+$0x0]  }
0x2d5: {  	s31 =	sor.u32 $0x1C40, s18;
	[tilespmem:s28+$0x8000] =	vst.add.f32.msk $0xffff, v1  }
0x2d6: {  	v1 =	vld [tilespmem:s31+$0x0]  }
0x2d7: {  	s24 =	sor.u32 $0x1C40, s19;
	[tilespmem:s29+$0x8000] =	vst.add.f32.msk $0xffff, v2  }
0x2d8: {  	v2 =	vld [tilespmem:s24+$0x0]  }
0x2d9: {  	[tilespmem:s30+$0x8000] =	vst.add.f32.msk $0xffff, v0;
	s25 =	sor.u32 $0x1C50, s20  }
0x2da: {  	v0 =	vld [tilespmem:s25+$0x0]  }
0x2db: {  	s26 =	sor.u32 $0x1C50, s18;
	[tilespmem:s31+$0x8000] =	vst.add.f32.msk $0xffff, v1  }
0x2dc: {  	v1 =	vld [tilespmem:s26+$0x0]  }
0x2dd: {  	s28 =	sor.u32 $0x1C50, s19;
	[tilespmem:s24+$0x8000] =	vst.add.f32.msk $0xffff, v2  }
0x2de: {  	v2 =	vld [tilespmem:s28+$0x0]  }
0x2df: {  	[tilespmem:s25+$0x8000] =	vst.add.f32.msk $0xffff, v0;
	s29 =	sor.u32 $0x1C60, s20  }
0x2e0: {  	v0 =	vld [tilespmem:s29+$0x0]  }
0x2e1: {  	s30 =	sor.u32 $0x1C60, s18;
	[tilespmem:s26+$0x8000] =	vst.add.f32.msk $0xffff, v1  }
0x2e2: {  	v1 =	vld [tilespmem:s30+$0x0]  }
0x2e3: {  	s31 =	sor.u32 $0x1C60, s19;
	[tilespmem:s28+$0x8000] =	vst.add.f32.msk $0xffff, v2  }
0x2e4: {  	v2 =	vld [tilespmem:s31+$0x0]  }
0x2e5: {  	s20 =	sor.u32 $0x1C70, s20;
	[tilespmem:s29+$0x8000] =	vst.add.f32.msk $0xffff, v0  }
0x2e6: {  	v0 =	vld [tilespmem:s20+$0x0]  }
0x2e7: {  	s18 =	sor.u32 $0x1C70, s18;
	[tilespmem:s30+$0x8000] =	vst.add.f32.msk $0xffff, v1  }
0x2e8: {  	v1 =	vld [tilespmem:s18+$0x0]  }
0x2e9: {  	s19 =	sor.u32 $0x1C70, s19;
	[tilespmem:s31+$0x8000] =	vst.add.f32.msk $0xffff, v2  }
0x2ea: {  	v2 =	vld [tilespmem:s19+$0x0];
	_ =	sdelay $0x2  }
0x2eb: {  	[tilespmem:s20+$0x8000] =	vst.add.f32.msk $0xffff, v0  }
0x2ec: {  	[tilespmem:s18+$0x8000] =	vst.add.f32.msk $0xffff, v1  }
0x2ed: {  	s18 =	simm.s32 $0x0;
	[tilespmem:s19+$0x8000] =	vst.add.f32.msk $0xffff, v2  }
0x2ee: {  	[hbm4b:s6+s18] =	stream.linear.scatter [tilespmem:s10], [sflag:$0x3], $0x8000, $0x38;
	[tilespmem:$0x18000] =	vst v63  }
0x2ef: {  	_ = 	snop  }
0x2f0: {  	[tilespmem:s18], [sflag:$0x5] =	stream.linear.gather [hbm4b:s7+s18], $0x8000, $0x38;
	[tilespmem:$0x18000] =	vst v63  }
0x2f1: {  	_ =	swait.ge [sflag:s11], $0x8000  }
0x2f2: {  	[sflag:s11] =	ssyncset.done $0x0  }
0x2f3: {  	[sflag:s11] =	ssyncadd.s32 $0xFFFF8000  }
0x2f4: {  	s23 =	simm.s32 $0x0;
	_ =	swait.ge [sflag:s14], $0x8000  }
0x2f5: {  	s24 =	sand.u32 $0x380, s18;
	s19 =	sand.u32 $0x6000, s23;
	[sflag:s14] =	ssyncset.done $0x0  }
0x2f6: {  	s21 =	sor.u32 s24, s19;
	[sflag:s14] =	ssyncadd.s32 $0xFFFF8000  }
0x2f7: {  	v0 =	vld [tilespmem:s21+$0x0];
	_ =	sdelay $0x3  }
0x2f8: {  	s19 =	sor.u32 $0x10000, s21  }
0x2f9: {  	[tilespmem:s19+$0x0] =	vst.add.f32.msk $0xffff, v0  }
0x2fa: {  	v0 =	vld [tilespmem:s21+$0x10];
	_ =	sdelay $0x3  }
0x2fb: {  	s25 =	sor.u32 $0x10010, s21  }
0x2fc: {  	[tilespmem:s25+$0x0] =	vst.add.f32.msk $0xffff, v0  }
0x2fd: {  	v0 =	vld [tilespmem:s21+$0x20];
	_ =	sdelay $0x3  }
0x2fe: {  	s26 =	sor.u32 $0x10020, s21  }
0x2ff: {  	[tilespmem:s26+$0x0] =	vst.add.f32.msk $0xffff, v0  }
0x300: {  	v0 =	vld [tilespmem:s21+$0x30];
	_ =	sdelay $0x3  }
0x301: {  	s28 =	sor.u32 $0x10030, s21  }
0x302: {  	[tilespmem:s28+$0x0] =	vst.add.f32.msk $0xffff, v0  }
0x303: {  	v0 =	vld [tilespmem:s21+$0x40];
	_ =	sdelay $0x3  }
0x304: {  	s29 =	sor.u32 $0x10040, s21  }
0x305: {  	[tilespmem:s29+$0x0] =	vst.add.f32.msk $0xffff, v0  }
0x306: {  	v0 =	vld [tilespmem:s21+$0x50];
	_ =	sdelay $0x3  }
0x307: {  	s30 =	sor.u32 $0x10050, s21  }
0x308: {  	[tilespmem:s30+$0x0] =	vst.add.f32.msk $0xffff, v0  }
0x309: {  	v0 =	vld [tilespmem:s21+$0x60];
	_ =	sdelay $0x3  }
0x30a: {  	s31 =	sor.u32 $0x10060, s21  }
0x30b: {  	[tilespmem:s31+$0x0] =	vst.add.f32.msk $0xffff, v0  }
0x30c: {  	v0 =	vld [tilespmem:s21+$0x70];
	_ =	sdelay $0x3  }
0x30d: {  	s20 =	sor.u32 $0x10070, s21  }
0x30e: {  	[tilespmem:s20+$0x0] =	vst.add.f32.msk $0xffff, v0  }
0x30f: {  	v0 =	vld [tilespmem:s21+$0x400];
	_ =	sdelay $0x3  }
0x310: {  	s22 =	sor.u32 $0x10400, s21  }
0x311: {  	[tilespmem:s22+$0x0] =	vst.add.f32.msk $0xffff, v0  }
0x312: {  	v0 =	vld [tilespmem:s21+$0x410];
	_ =	sdelay $0x3  }
0x313: {  	s23 =	sor.u32 $0x10410, s21  }
0x314: {  	[tilespmem:s23+$0x0] =	vst.add.f32.msk $0xffff, v0  }
0x315: {  	v0 =	vld [tilespmem:s21+$0x420];
	_ =	sdelay $0x3  }
0x316: {  	s24 =	sor.u32 $0x10420, s21  }
0x317: {  	[tilespmem:s24+$0x0] =	vst.add.f32.msk $0xffff, v0  }
0x318: {  	v0 =	vld [tilespmem:s21+$0x430];
	_ =	sdelay $0x3  }
0x319: {  	s25 =	sor.u32 $0x10430, s21  }
0x31a: {  	[tilespmem:s25+$0x0] =	vst.add.f32.msk $0xffff, v0  }
0x31b: {  	v0 =	vld [tilespmem:s21+$0x440];
	_ =	sdelay $0x3  }
0x31c: {  	s26 =	sor.u32 $0x10440, s21  }
0x31d: {  	[tilespmem:s26+$0x0] =	vst.add.f32.msk $0xffff, v0  }
0x31e: {  	v0 =	vld [tilespmem:s21+$0x450];
	_ =	sdelay $0x3  }
0x31f: {  	s28 =	sor.u32 $0x10450, s21  }
0x320: {  	[tilespmem:s28+$0x0] =	vst.add.f32.msk $0xffff, v0  }
0x321: {  	v0 =	vld [tilespmem:s21+$0x460];
	_ =	sdelay $0x3  }
0x322: {  	s29 =	sor.u32 $0x10460, s21  }
0x323: {  	[tilespmem:s29+$0x0] =	vst.add.f32.msk $0xffff, v0  }
0x324: {  	v0 =	vld [tilespmem:s21+$0x470];
	_ =	sdelay $0x3  }
0x325: {  	s30 =	sor.u32 $0x10470, s21  }
0x326: {  	[tilespmem:s30+$0x0] =	vst.add.f32.msk $0xffff, v0  }
0x327: {  	v0 =	vld [tilespmem:s21+$0x800];
	_ =	sdelay $0x3  }
0x328: {  	s31 =	sor.u32 $0x10800, s21  }
0x329: {  	[tilespmem:s31+$0x0] =	vst.add.f32.msk $0xffff, v0  }
0x32a: {  	v0 =	vld [tilespmem:s21+$0x810];
	_ =	sdelay $0x3  }
0x32b: {  	s20 =	sor.u32 $0x10810, s21  }
0x32c: {  	[tilespmem:s20+$0x0] =	vst.add.f32.msk $0xffff, v0  }
0x32d: {  	v0 =	vld [tilespmem:s21+$0x820];
	_ =	sdelay $0x3  }
0x32e: {  	s22 =	sor.u32 $0x10820, s21  }
0x32f: {  	[tilespmem:s22+$0x0] =	vst.add.f32.msk $0xffff, v0  }
0x330: {  	v0 =	vld [tilespmem:s21+$0x830];
	_ =	sdelay $0x3  }
0x331: {  	s23 =	sor.u32 $0x10830, s21  }
0x332: {  	[tilespmem:s23+$0x0] =	vst.add.f32.msk $0xffff, v0  }
0x333: {  	v0 =	vld [tilespmem:s21+$0x840];
	_ =	sdelay $0x3  }
0x334: {  	s24 =	sor.u32 $0x10840, s21  }
0x335: {  	s25 =	simm.s32 $0x80;
	s26 =	simm.s32 $0x400;
	[tilespmem:s24+$0x0] =	vst.add.f32.msk $0xffff, v0  }
0x336: {  	s28 =	sand.u32 $0x6000, s26;
	s20 =	sand.u32 $0x380, s25;
	v0 =	vld [tilespmem:s21+$0x850]  }
0x337: {  	s19 =	sor.u32 s20, s28  }
0x338: {  	v1 =	vld [tilespmem:s19+$0x0];
	_ =	sdelay $0x1  }
0x339: {  	s29 =	sor.u32 $0x10850, s21  }
0x33a: {  	[tilespmem:s29+$0x0] =	vst.add.f32.msk $0xffff, v0  }
0x33b: {  	s30 =	sor.u32 $0x10000, s19;
	v0 =	vld [tilespmem:s21+$0x860]  }
0x33c: {  	[tilespmem:s30+$0x0] =	vst.add.f32.msk $0xffff, v1  }
0x33d: {  	v1 =	vld [tilespmem:s19+$0x10];
	_ =	sdelay $0x1  }
0x33e: {  	s31 =	sor.u32 $0x10860, s21  }
0x33f: {  	[tilespmem:s31+$0x0] =	vst.add.f32.msk $0xffff, v0  }
0x340: {  	s22 =	sor.u32 $0x10010, s19;
	v0 =	vld [tilespmem:s21+$0x870]  }
0x341: {  	[tilespmem:s22+$0x0] =	vst.add.f32.msk $0xffff, v1  }
0x342: {  	v1 =	vld [tilespmem:s19+$0x20];
	_ =	sdelay $0x1  }
0x343: {  	s23 =	sor.u32 $0x10870, s21  }
0x344: {  	[tilespmem:s23+$0x0] =	vst.add.f32.msk $0xffff, v0  }
0x345: {  	s24 =	sor.u32 $0x10020, s19;
	v0 =	vld [tilespmem:s21+$0xC00]  }
0x346: {  	[tilespmem:s24+$0x0] =	vst.add.f32.msk $0xffff, v1  }
0x347: {  	v1 =	vld [tilespmem:s19+$0x30];
	_ =	sdelay $0x1  }
0x348: {  	s25 =	sor.u32 $0x10C00, s21  }
0x349: {  	[tilespmem:s25+$0x0] =	vst.add.f32.msk $0xffff, v0  }
0x34a: {  	s26 =	sor.u32 $0x10030, s19;
	v0 =	vld [tilespmem:s21+$0xC10]  }
0x34b: {  	[tilespmem:s26+$0x0] =	vst.add.f32.msk $0xffff, v1  }
0x34c: {  	v1 =	vld [tilespmem:s19+$0x40];
	_ =	sdelay $0x1  }
0x34d: {  	s28 =	sor.u32 $0x10C10, s21  }
0x34e: {  	[tilespmem:s28+$0x0] =	vst.add.f32.msk $0xffff, v0  }
0x34f: {  	s29 =	sor.u32 $0x10040, s19;
	v0 =	vld [tilespmem:s21+$0xC20]  }
0x350: {  	[tilespmem:s29+$0x0] =	vst.add.f32.msk $0xffff, v1  }
0x351: {  	v1 =	vld [tilespmem:s19+$0x50];
	_ =	sdelay $0x1  }
0x352: {  	s30 =	sor.u32 $0x10C20, s21  }
0x353: {  	[tilespmem:s30+$0x0] =	vst.add.f32.msk $0xffff, v0  }
0x354: {  	s31 =	sor.u32 $0x10050, s19;
	v0 =	vld [tilespmem:s21+$0xC30]  }
0x355: {  	[tilespmem:s31+$0x0] =	vst.add.f32.msk $0xffff, v1  }
0x356: {  	v1 =	vld [tilespmem:s19+$0x60];
	_ =	sdelay $0x1  }
0x357: {  	s22 =	sor.u32 $0x10C30, s21  }
0x358: {  	[tilespmem:s22+$0x0] =	vst.add.f32.msk $0xffff, v0  }
0x359: {  	s23 =	sor.u32 $0x10060, s19;
	v0 =	vld [tilespmem:s21+$0xC40]  }
0x35a: {  	[tilespmem:s23+$0x0] =	vst.add.f32.msk $0xffff, v1  }
0x35b: {  	v1 =	vld [tilespmem:s19+$0x70];
	_ =	sdelay $0x1  }
0x35c: {  	s24 =	sor.u32 $0x10C40, s21  }
0x35d: {  	[tilespmem:s24+$0x0] =	vst.add.f32.msk $0xffff, v0  }
0x35e: {  	s25 =	sor.u32 $0x10070, s19;
	v0 =	vld [tilespmem:s21+$0xC50]  }
0x35f: {  	[tilespmem:s25+$0x0] =	vst.add.f32.msk $0xffff, v1  }
0x360: {  	v1 =	vld [tilespmem:s19+$0x400];
	_ =	sdelay $0x1  }
0x361: {  	s26 =	sor.u32 $0x10C50, s21  }
0x362: {  	[tilespmem:s26+$0x0] =	vst.add.f32.msk $0xffff, v0  }
0x363: {  	s28 =	sor.u32 $0x10400, s19;
	v0 =	vld [tilespmem:s21+$0xC60]  }
0x364: {  	[tilespmem:s28+$0x0] =	vst.add.f32.msk $0xffff, v1  }
0x365: {  	v1 =	vld [tilespmem:s19+$0x410];
	_ =	sdelay $0x1  }
0x366: {  	s29 =	sor.u32 $0x10C60, s21  }
0x367: {  	[tilespmem:s29+$0x0] =	vst.add.f32.msk $0xffff, v0  }
0x368: {  	s30 =	sor.u32 $0x10410, s19;
	v0 =	vld [tilespmem:s21+$0xC70]  }
0x369: {  	[tilespmem:s30+$0x0] =	vst.add.f32.msk $0xffff, v1  }
0x36a: {  	v1 =	vld [tilespmem:s19+$0x420];
	_ =	sdelay $0x1  }
0x36b: {  	s31 =	sor.u32 $0x10C70, s21  }
0x36c: {  	[tilespmem:s31+$0x0] =	vst.add.f32.msk $0xffff, v0  }
0x36d: {  	s22 =	sor.u32 $0x10420, s19;
	v0 =	vld [tilespmem:s21+$0x1000]  }
0x36e: {  	[tilespmem:s22+$0x0] =	vst.add.f32.msk $0xffff, v1  }
0x36f: {  	v1 =	vld [tilespmem:s19+$0x430];
	_ =	sdelay $0x1  }
0x370: {  	s23 =	sor.u32 $0x11000, s21  }
0x371: {  	[tilespmem:s23+$0x0] =	vst.add.f32.msk $0xffff, v0  }
0x372: {  	s24 =	sor.u32 $0x10430, s19;
	v0 =	vld [tilespmem:s21+$0x1010]  }
0x373: {  	[tilespmem:s24+$0x0] =	vst.add.f32.msk $0xffff, v1  }
0x374: {  	v1 =	vld [tilespmem:s19+$0x440];
	_ =	sdelay $0x1  }
0x375: {  	s25 =	sor.u32 $0x11010, s21  }
0x376: {  	[tilespmem:s25+$0x0] =	vst.add.f32.msk $0xffff, v0  }
0x377: {  	s26 =	sor.u32 $0x10440, s19;
	v0 =	vld [tilespmem:s21+$0x1020]  }
0x378: {  	[tilespmem:s26+$0x0] =	vst.add.f32.msk $0xffff, v1  }
0x379: {  	v1 =	vld [tilespmem:s19+$0x450];
	_ =	sdelay $0x1  }
0x37a: {  	s28 =	sor.u32 $0x11020, s21  }
0x37b: {  	[tilespmem:s28+$0x0] =	vst.add.f32.msk $0xffff, v0  }
0x37c: {  	s29 =	sor.u32 $0x10450, s19;
	v0 =	vld [tilespmem:s21+$0x1030]  }
0x37d: {  	[tilespmem:s29+$0x0] =	vst.add.f32.msk $0xffff, v1  }
0x37e: {  	v1 =	vld [tilespmem:s19+$0x460];
	_ =	sdelay $0x1  }
0x37f: {  	s30 =	sor.u32 $0x11030, s21  }
0x380: {  	[tilespmem:s30+$0x0] =	vst.add.f32.msk $0xffff, v0  }
0x381: {  	s31 =	sor.u32 $0x10460, s19;
	v0 =	vld [tilespmem:s21+$0x1040]  }
0x382: {  	[tilespmem:s31+$0x0] =	vst.add.f32.msk $0xffff, v1  }
0x383: {  	v1 =	vld [tilespmem:s19+$0x470];
	_ =	sdelay $0x1  }
0x384: {  	s22 =	sor.u32 $0x11040, s21  }
0x385: {  	[tilespmem:s22+$0x0] =	vst.add.f32.msk $0xffff, v0  }
0x386: {  	s23 =	sor.u32 $0x10470, s19;
	v0 =	vld [tilespmem:s21+$0x1050]  }
0x387: {  	[tilespmem:s23+$0x0] =	vst.add.f32.msk $0xffff, v1  }
0x388: {  	v1 =	vld [tilespmem:s19+$0x800];
	_ =	sdelay $0x1  }
0x389: {  	s24 =	sor.u32 $0x11050, s21  }
0x38a: {  	[tilespmem:s24+$0x0] =	vst.add.f32.msk $0xffff, v0  }
0x38b: {  	s25 =	sor.u32 $0x10800, s19;
	v0 =	vld [tilespmem:s21+$0x1060]  }
0x38c: {  	[tilespmem:s25+$0x0] =	vst.add.f32.msk $0xffff, v1  }
0x38d: {  	v1 =	vld [tilespmem:s19+$0x810];
	_ =	sdelay $0x1  }
0x38e: {  	s26 =	sor.u32 $0x11060, s21  }
0x38f: {  	[tilespmem:s26+$0x0] =	vst.add.f32.msk $0xffff, v0  }
0x390: {  	s28 =	sor.u32 $0x10810, s19;
	v0 =	vld [tilespmem:s21+$0x1070]  }
0x391: {  	[tilespmem:s28+$0x0] =	vst.add.f32.msk $0xffff, v1  }
0x392: {  	v1 =	vld [tilespmem:s19+$0x820];
	_ =	sdelay $0x1  }
0x393: {  	s29 =	sor.u32 $0x11070, s21  }
0x394: {  	[tilespmem:s29+$0x0] =	vst.add.f32.msk $0xffff, v0  }
0x395: {  	s30 =	sor.u32 $0x10820, s19;
	v0 =	vld [tilespmem:s21+$0x1400]  }
0x396: {  	[tilespmem:s30+$0x0] =	vst.add.f32.msk $0xffff, v1  }
0x397: {  	v1 =	vld [tilespmem:s19+$0x830];
	_ =	sdelay $0x1  }
0x398: {  	s31 =	sor.u32 $0x11400, s21  }
0x399: {  	[tilespmem:s31+$0x0] =	vst.add.f32.msk $0xffff, v0  }
0x39a: {  	s22 =	sor.u32 $0x10830, s19;
	v0 =	vld [tilespmem:s21+$0x1410]  }
0x39b: {  	[tilespmem:s22+$0x0] =	vst.add.f32.msk $0xffff, v1  }
0x39c: {  	v1 =	vld [tilespmem:s19+$0x840];
	_ =	sdelay $0x1  }
0x39d: {  	s23 =	sor.u32 $0x11410, s21  }
0x39e: {  	[tilespmem:s23+$0x0] =	vst.add.f32.msk $0xffff, v0  }
0x39f: {  	s24 =	sor.u32 $0x10840, s19;
	v0 =	vld [tilespmem:s21+$0x1420]  }
0x3a0: {  	s25 =	simm.s32 $0x100;
	s26 =	simm.s32 $0x800;
	[tilespmem:s24+$0x0] =	vst.add.f32.msk $0xffff, v1  }
0x3a1: {  	s22 =	sand.u32 $0x380, s25;
	s28 =	sand.u32 $0x6000, s26;
	v1 =	vld [tilespmem:s19+$0x850]  }
0x3a2: {  	s20 =	sor.u32 s22, s28  }
0x3a3: {  	v2 =	vld [tilespmem:s20+$0x0];
	s29 =	sor.u32 $0x11420, s21  }
0x3a4: {  	[tilespmem:s29+$0x0] =	vst.add.f32.msk $0xffff, v0  }
0x3a5: {  	s30 =	sor.u32 $0x10850, s19;
	v0 =	vld [tilespmem:s21+$0x1430]  }
0x3a6: {  	[tilespmem:s30+$0x0] =	vst.add.f32.msk $0xffff, v1  }
0x3a7: {  	v1 =	vld [tilespmem:s19+$0x860];
	s31 =	sor.u32 $0x10000, s20  }
0x3a8: {  	[tilespmem:s31+$0x0] =	vst.add.f32.msk $0xffff, v2  }
0x3a9: {  	v2 =	vld [tilespmem:s20+$0x10];
	s23 =	sor.u32 $0x11430, s21  }
0x3aa: {  	[tilespmem:s23+$0x0] =	vst.add.f32.msk $0xffff, v0  }
0x3ab: {  	s24 =	sor.u32 $0x10860, s19;
	v0 =	vld [tilespmem:s21+$0x1440]  }
0x3ac: {  	[tilespmem:s24+$0x0] =	vst.add.f32.msk $0xffff, v1  }
0x3ad: {  	s25 =	sor.u32 $0x10010, s20;
	v1 =	vld [tilespmem:s19+$0x870]  }
0x3ae: {  	[tilespmem:s25+$0x0] =	vst.add.f32.msk $0xffff, v2  }
0x3af: {  	s26 =	sor.u32 $0x11440, s21;
	v2 =	vld [tilespmem:s20+$0x20]  }
0x3b0: {  	[tilespmem:s26+$0x0] =	vst.add.f32.msk $0xffff, v0  }
0x3b1: {  	s28 =	sor.u32 $0x10870, s19;
	v0 =	vld [tilespmem:s21+$0x1450]  }
0x3b2: {  	[tilespmem:s28+$0x0] =	vst.add.f32.msk $0xffff, v1  }
0x3b3: {  	v1 =	vld [tilespmem:s19+$0xC00];
	s29 =	sor.u32 $0x10020, s20  }
0x3b4: {  	[tilespmem:s29+$0x0] =	vst.add.f32.msk $0xffff, v2  }
0x3b5: {  	s30 =	sor.u32 $0x11450, s21;
	v2 =	vld [tilespmem:s20+$0x30]  }
0x3b6: {  	[tilespmem:s30+$0x0] =	vst.add.f32.msk $0xffff, v0  }
0x3b7: {  	s31 =	sor.u32 $0x10C00, s19;
	v0 =	vld [tilespmem:s21+$0x1460]  }
0x3b8: {  	[tilespmem:s31+$0x0] =	vst.add.f32.msk $0xffff, v1  }
0x3b9: {  	v1 =	vld [tilespmem:s19+$0xC10];
	s23 =	sor.u32 $0x10030, s20  }
0x3ba: {  	[tilespmem:s23+$0x0] =	vst.add.f32.msk $0xffff, v2  }
0x3bb: {  	s24 =	sor.u32 $0x11460, s21;
	v2 =	vld [tilespmem:s20+$0x40]  }
0x3bc: {  	[tilespmem:s24+$0x0] =	vst.add.f32.msk $0xffff, v0  }
0x3bd: {  	s25 =	sor.u32 $0x10C10, s19;
	v0 =	vld [tilespmem:s21+$0x1470]  }
0x3be: {  	[tilespmem:s25+$0x0] =	vst.add.f32.msk $0xffff, v1  }
0x3bf: {  	v1 =	vld [tilespmem:s19+$0xC20];
	s26 =	sor.u32 $0x10040, s20  }
0x3c0: {  	[tilespmem:s26+$0x0] =	vst.add.f32.msk $0xffff, v2  }
0x3c1: {  	s28 =	sor.u32 $0x11470, s21;
	v2 =	vld [tilespmem:s20+$0x50]  }
0x3c2: {  	[tilespmem:s28+$0x0] =	vst.add.f32.msk $0xffff, v0  }
0x3c3: {  	s29 =	sor.u32 $0x10C20, s19;
	v0 =	vld [tilespmem:s21+$0x1800]  }
0x3c4: {  	[tilespmem:s29+$0x0] =	vst.add.f32.msk $0xffff, v1  }
0x3c5: {  	v1 =	vld [tilespmem:s19+$0xC30];
	s30 =	sor.u32 $0x10050, s20  }
0x3c6: {  	[tilespmem:s30+$0x0] =	vst.add.f32.msk $0xffff, v2  }
0x3c7: {  	s31 =	sor.u32 $0x11800, s21;
	v2 =	vld [tilespmem:s20+$0x60]  }
0x3c8: {  	[tilespmem:s31+$0x0] =	vst.add.f32.msk $0xffff, v0  }
0x3c9: {  	s23 =	sor.u32 $0x10C30, s19;
	v0 =	vld [tilespmem:s21+$0x1810]  }
0x3ca: {  	[tilespmem:s23+$0x0] =	vst.add.f32.msk $0xffff, v1  }
0x3cb: {  	v1 =	vld [tilespmem:s19+$0xC40];
	s24 =	sor.u32 $0x10060, s20  }
0x3cc: {  	[tilespmem:s24+$0x0] =	vst.add.f32.msk $0xffff, v2  }
0x3cd: {  	s25 =	sor.u32 $0x11810, s21;
	v2 =	vld [tilespmem:s20+$0x70]  }
0x3ce: {  	[tilespmem:s25+$0x0] =	vst.add.f32.msk $0xffff, v0  }
0x3cf: {  	s26 =	sor.u32 $0x10C40, s19;
	v0 =	vld [tilespmem:s21+$0x1820]  }
0x3d0: {  	[tilespmem:s26+$0x0] =	vst.add.f32.msk $0xffff, v1  }
0x3d1: {  	v1 =	vld [tilespmem:s19+$0xC50];
	s28 =	sor.u32 $0x10070, s20  }
0x3d2: {  	[tilespmem:s28+$0x0] =	vst.add.f32.msk $0xffff, v2  }
0x3d3: {  	s29 =	sor.u32 $0x11820, s21;
	v2 =	vld [tilespmem:s20+$0x400]  }
0x3d4: {  	[tilespmem:s29+$0x0] =	vst.add.f32.msk $0xffff, v0  }
0x3d5: {  	s30 =	sor.u32 $0x10C50, s19;
	v0 =	vld [tilespmem:s21+$0x1830]  }
0x3d6: {  	[tilespmem:s30+$0x0] =	vst.add.f32.msk $0xffff, v1  }
0x3d7: {  	v1 =	vld [tilespmem:s19+$0xC60];
	s31 =	sor.u32 $0x10400, s20  }
0x3d8: {  	[tilespmem:s31+$0x0] =	vst.add.f32.msk $0xffff, v2  }
0x3d9: {  	s23 =	sor.u32 $0x11830, s21;
	v2 =	vld [tilespmem:s20+$0x410]  }
0x3da: {  	[tilespmem:s23+$0x0] =	vst.add.f32.msk $0xffff, v0  }
0x3db: {  	s24 =	sor.u32 $0x10C60, s19;
	v0 =	vld [tilespmem:s21+$0x1840]  }
0x3dc: {  	[tilespmem:s24+$0x0] =	vst.add.f32.msk $0xffff, v1  }
0x3dd: {  	v1 =	vld [tilespmem:s19+$0xC70];
	s25 =	sor.u32 $0x10410, s20  }
0x3de: {  	[tilespmem:s25+$0x0] =	vst.add.f32.msk $0xffff, v2  }
0x3df: {  	s26 =	sor.u32 $0x11840, s21;
	v2 =	vld [tilespmem:s20+$0x420]  }
0x3e0: {  	[tilespmem:s26+$0x0] =	vst.add.f32.msk $0xffff, v0  }
0x3e1: {  	s28 =	sor.u32 $0x10C70, s19;
	v0 =	vld [tilespmem:s21+$0x1850]  }
0x3e2: {  	[tilespmem:s28+$0x0] =	vst.add.f32.msk $0xffff, v1  }
0x3e3: {  	v1 =	vld [tilespmem:s19+$0x1000];
	s29 =	sor.u32 $0x10420, s20  }
0x3e4: {  	[tilespmem:s29+$0x0] =	vst.add.f32.msk $0xffff, v2  }
0x3e5: {  	s30 =	sor.u32 $0x11850, s21;
	v2 =	vld [tilespmem:s20+$0x430]  }
0x3e6: {  	[tilespmem:s30+$0x0] =	vst.add.f32.msk $0xffff, v0  }
0x3e7: {  	s31 =	sor.u32 $0x11000, s19;
	v0 =	vld [tilespmem:s21+$0x1860]  }
0x3e8: {  	[tilespmem:s31+$0x0] =	vst.add.f32.msk $0xffff, v1  }
0x3e9: {  	v1 =	vld [tilespmem:s19+$0x1010];
	s23 =	sor.u32 $0x10430, s20  }
0x3ea: {  	[tilespmem:s23+$0x0] =	vst.add.f32.msk $0xffff, v2  }
0x3eb: {  	s24 =	sor.u32 $0x11860, s21;
	v2 =	vld [tilespmem:s20+$0x440]  }
0x3ec: {  	[tilespmem:s24+$0x0] =	vst.add.f32.msk $0xffff, v0  }
0x3ed: {  	s25 =	sor.u32 $0x11010, s19;
	v0 =	vld [tilespmem:s21+$0x1870]  }
0x3ee: {  	[tilespmem:s25+$0x0] =	vst.add.f32.msk $0xffff, v1  }
0x3ef: {  	s28 =	sand.u32 $0x7, s18;
	v1 =	vld [tilespmem:s19+$0x1020];
	s26 =	sor.u32 $0x10440, s20  }
0x3f0: {  	s29 =	sshll.u32 s28, $0x7;
	[tilespmem:s26+$0x0] =	vst.add.f32.msk $0xffff, v2  }
0x3f1: {  	s22 =	sadd.s32 $0x0, s29;
	v2 =	vld [tilespmem:s20+$0x450];
	s21 =	sor.u32 $0x11870, s21  }
0x3f2: {  	s30 =	sor.u32 $0x1C00, s22;
	[tilespmem:s21+$0x0] =	vst.add.f32.msk $0xffff, v0  }
0x3f3: {  	s31 =	sor.u32 $0x11020, s19;
	v0 =	vld [tilespmem:s30+$0x0]  }
0x3f4: {  	[tilespmem:s31+$0x0] =	vst.add.f32.msk $0xffff, v1  }
0x3f5: {  	v1 =	vld [tilespmem:s19+$0x1030];
	s24 =	sor.u32 $0x10450, s20  }
0x3f6: {  	[tilespmem:s24+$0x0] =	vst.add.f32.msk $0xffff, v2  }
0x3f7: {  	v2 =	vld [tilespmem:s20+$0x460]  }
0x3f8: {  	s25 =	sor.u32 $0x1C10, s22;
	[tilespmem:s30+$0x10000] =	vst.add.f32.msk $0xffff, v0  }
0x3f9: {  	s26 =	sor.u32 $0x11030, s19;
	v0 =	vld [tilespmem:s25+$0x0]  }
0x3fa: {  	[tilespmem:s26+$0x0] =	vst.add.f32.msk $0xffff, v1  }
0x3fb: {  	s28 =	sor.u32 $0x10460, s20;
	v1 =	vld [tilespmem:s19+$0x1040]  }
0x3fc: {  	[tilespmem:s28+$0x0] =	vst.add.f32.msk $0xffff, v2  }
0x3fd: {  	v2 =	vld [tilespmem:s20+$0x470]  }
0x3fe: {  	s29 =	sor.u32 $0x1C20, s22;
	[tilespmem:s25+$0x10000] =	vst.add.f32.msk $0xffff, v0  }
0x3ff: {  	s30 =	sor.u32 $0x11040, s19;
	v0 =	vld [tilespmem:s29+$0x0]  }
0x400: {  	[tilespmem:s30+$0x0] =	vst.add.f32.msk $0xffff, v1  }
0x401: {  	s31 =	sor.u32 $0x10470, s20;
	v1 =	vld [tilespmem:s19+$0x1050]  }
0x402: {  	[tilespmem:s31+$0x0] =	vst.add.f32.msk $0xffff, v2  }
0x403: {  	v2 =	vld [tilespmem:s20+$0x800]  }
0x404: {  	s24 =	sor.u32 $0x1C30, s22;
	[tilespmem:s29+$0x10000] =	vst.add.f32.msk $0xffff, v0  }
0x405: {  	s25 =	sor.u32 $0x11050, s19;
	v0 =	vld [tilespmem:s24+$0x0]  }
0x406: {  	[tilespmem:s25+$0x0] =	vst.add.f32.msk $0xffff, v1  }
0x407: {  	s26 =	sor.u32 $0x10800, s20;
	v1 =	vld [tilespmem:s19+$0x1060]  }
0x408: {  	[tilespmem:s26+$0x0] =	vst.add.f32.msk $0xffff, v2  }
0x409: {  	v2 =	vld [tilespmem:s20+$0x810]  }
0x40a: {  	s28 =	sor.u32 $0x1C40, s22;
	[tilespmem:s24+$0x10000] =	vst.add.f32.msk $0xffff, v0  }
0x40b: {  	s29 =	sor.u32 $0x11060, s19;
	v0 =	vld [tilespmem:s28+$0x0]  }
0x40c: {  	[tilespmem:s29+$0x0] =	vst.add.f32.msk $0xffff, v1  }
0x40d: {  	s30 =	sor.u32 $0x10810, s20;
	v1 =	vld [tilespmem:s19+$0x1070]  }
0x40e: {  	[tilespmem:s30+$0x0] =	vst.add.f32.msk $0xffff, v2  }
0x40f: {  	v2 =	vld [tilespmem:s20+$0x820]  }
0x410: {  	s31 =	sor.u32 $0x1C50, s22;
	[tilespmem:s28+$0x10000] =	vst.add.f32.msk $0xffff, v0  }
0x411: {  	s24 =	sor.u32 $0x11070, s19;
	v0 =	vld [tilespmem:s31+$0x0]  }
0x412: {  	[tilespmem:s24+$0x0] =	vst.add.f32.msk $0xffff, v1  }
0x413: {  	s25 =	sor.u32 $0x10820, s20;
	v1 =	vld [tilespmem:s19+$0x1400]  }
0x414: {  	[tilespmem:s25+$0x0] =	vst.add.f32.msk $0xffff, v2  }
0x415: {  	v2 =	vld [tilespmem:s20+$0x830]  }
0x416: {  	s26 =	sor.u32 $0x1C60, s22;
	[tilespmem:s31+$0x10000] =	vst.add.f32.msk $0xffff, v0  }
0x417: {  	s28 =	sor.u32 $0x11400, s19;
	v0 =	vld [tilespmem:s26+$0x0]  }
0x418: {  	[tilespmem:s28+$0x0] =	vst.add.f32.msk $0xffff, v1  }
0x419: {  	s29 =	sor.u32 $0x10830, s20;
	v1 =	vld [tilespmem:s19+$0x1410]  }
0x41a: {  	[tilespmem:s29+$0x0] =	vst.add.f32.msk $0xffff, v2  }
0x41b: {  	v2 =	vld [tilespmem:s20+$0x840]  }
0x41c: {  	s22 =	sor.u32 $0x1C70, s22;
	[tilespmem:s26+$0x10000] =	vst.add.f32.msk $0xffff, v0  }
0x41d: {  	s30 =	sor.u32 $0x11410, s19;
	v0 =	vld [tilespmem:s22+$0x0]  }
0x41e: {  	[tilespmem:s30+$0x0] =	vst.add.f32.msk $0xffff, v1  }
0x41f: {  	s23 =	simm.s32 $0xFFFF8C00;
	s21 =	simm.s32 $0x0;
	s31 =	sor.u32 $0x10840, s20;
	v1 =	vld [tilespmem:s19+$0x1420]  }
0x420: {  	s24 =	simm.s32 $0x180;
	s25 =	simm.s32 $0x200;
	[tilespmem:s31+$0x0] =	vst.add.f32.msk $0xffff, v2;
	s26 =	simm.s32 $0xC00  }
.LBB2_4:
0x421: {  	p0 =	sne.s32 s25, $0xF80;
	s26 =	sand.u32 $0x6000, s26;
	s24 =	sand.u32 $0x380, s24;
	v2 =	vld [tilespmem:s20+$0x850]  }
0x422: {  	s26 =	sor.u32 s24, s26;
	[tilespmem:s22+$0x10000] =	vst.add.f32.msk $0xffff, v0;
	s24 =	smov.u32 s25  }
0x423: {  	s22 =	sor.u32 $0x11420, s19;
	v0 =	vld [tilespmem:s26+$0x0]  }
0x424: {  	[tilespmem:s22+$0x0] =	vst.add.f32.msk $0xffff, v1  }
0x425: {  	s22 =	sor.u32 $0x10850, s20;
	v1 =	vld [tilespmem:s19+$0x1430]  }
0x426: {  	[tilespmem:s22+$0x0] =	vst.add.f32.msk $0xffff, v2  }
0x427: {  	s22 =	sor.u32 $0x10000, s26;
	v2 =	vld [tilespmem:s20+$0x860]  }
0x428: {  	[tilespmem:s22+$0x0] =	vst.add.f32.msk $0xffff, v0  }
0x429: {  	s22 =	sor.u32 $0x11430, s19;
	v0 =	vld [tilespmem:s26+$0x10]  }
0x42a: {  	[tilespmem:s22+$0x0] =	vst.add.f32.msk $0xffff, v1  }
0x42b: {  	s22 =	sor.u32 $0x10860, s20;
	v1 =	vld [tilespmem:s19+$0x1440]  }
0x42c: {  	[tilespmem:s22+$0x0] =	vst.add.f32.msk $0xffff, v2  }
0x42d: {  	s22 =	sor.u32 $0x10010, s26;
	v2 =	vld [tilespmem:s20+$0x870]  }
0x42e: {  	[tilespmem:s22+$0x0] =	vst.add.f32.msk $0xffff, v0  }
0x42f: {  	s22 =	sor.u32 $0x11440, s19;
	v0 =	vld [tilespmem:s26+$0x20]  }
0x430: {  	[tilespmem:s22+$0x0] =	vst.add.f32.msk $0xffff, v1  }
0x431: {  	s22 =	sor.u32 $0x10870, s20;
	v1 =	vld [tilespmem:s19+$0x1450]  }
0x432: {  	[tilespmem:s22+$0x0] =	vst.add.f32.msk $0xffff, v2  }
0x433: {  	s22 =	sor.u32 $0x10020, s26;
	v2 =	vld [tilespmem:s20+$0xC00]  }
0x434: {  	[tilespmem:s22+$0x0] =	vst.add.f32.msk $0xffff, v0  }
0x435: {  	s22 =	sor.u32 $0x11450, s19;
	v0 =	vld [tilespmem:s26+$0x30]  }
0x436: {  	[tilespmem:s22+$0x0] =	vst.add.f32.msk $0xffff, v1  }
0x437: {  	s22 =	sor.u32 $0x10C00, s20;
	v1 =	vld [tilespmem:s19+$0x1460]  }
0x438: {  	[tilespmem:s22+$0x0] =	vst.add.f32.msk $0xffff, v2  }
0x439: {  	s22 =	sor.u32 $0x10030, s26;
	v2 =	vld [tilespmem:s20+$0xC10]  }
0x43a: {  	[tilespmem:s22+$0x0] =	vst.add.f32.msk $0xffff, v0  }
0x43b: {  	s22 =	sor.u32 $0x11460, s19;
	v0 =	vld [tilespmem:s26+$0x40]  }
0x43c: {  	[tilespmem:s22+$0x0] =	vst.add.f32.msk $0xffff, v1  }
0x43d: {  	s22 =	sor.u32 $0x10C10, s20;
	v1 =	vld [tilespmem:s19+$0x1470]  }
0x43e: {  	[tilespmem:s22+$0x0] =	vst.add.f32.msk $0xffff, v2  }
0x43f: {  	s22 =	sor.u32 $0x10040, s26;
	v2 =	vld [tilespmem:s20+$0xC20]  }
0x440: {  	[tilespmem:s22+$0x0] =	vst.add.f32.msk $0xffff, v0  }
0x441: {  	s22 =	sor.u32 $0x11470, s19;
	v0 =	vld [tilespmem:s26+$0x50]  }
0x442: {  	[tilespmem:s22+$0x0] =	vst.add.f32.msk $0xffff, v1  }
0x443: {  	s22 =	sor.u32 $0x10C20, s20;
	v1 =	vld [tilespmem:s19+$0x1800]  }
0x444: {  	[tilespmem:s22+$0x0] =	vst.add.f32.msk $0xffff, v2  }
0x445: {  	s22 =	sor.u32 $0x10050, s26;
	v2 =	vld [tilespmem:s20+$0xC30]  }
0x446: {  	[tilespmem:s22+$0x0] =	vst.add.f32.msk $0xffff, v0  }
0x447: {  	s22 =	sor.u32 $0x11800, s19;
	v0 =	vld [tilespmem:s26+$0x60]  }
0x448: {  	[tilespmem:s22+$0x0] =	vst.add.f32.msk $0xffff, v1  }
0x449: {  	s22 =	sor.u32 $0x10C30, s20;
	v1 =	vld [tilespmem:s19+$0x1810]  }
0x44a: {  	[tilespmem:s22+$0x0] =	vst.add.f32.msk $0xffff, v2  }
0x44b: {  	s22 =	sor.u32 $0x10060, s26;
	v2 =	vld [tilespmem:s20+$0xC40]  }
0x44c: {  	[tilespmem:s22+$0x0] =	vst.add.f32.msk $0xffff, v0  }
0x44d: {  	s22 =	sor.u32 $0x11810, s19;
	v0 =	vld [tilespmem:s26+$0x70]  }
0x44e: {  	[tilespmem:s22+$0x0] =	vst.add.f32.msk $0xffff, v1  }
0x44f: {  	s22 =	sor.u32 $0x10C40, s20;
	v1 =	vld [tilespmem:s19+$0x1820]  }
0x450: {  	[tilespmem:s22+$0x0] =	vst.add.f32.msk $0xffff, v2  }
0x451: {  	s22 =	sor.u32 $0x10070, s26;
	v2 =	vld [tilespmem:s20+$0xC50]  }
0x452: {  	[tilespmem:s22+$0x0] =	vst.add.f32.msk $0xffff, v0  }
0x453: {  	s22 =	sor.u32 $0x11820, s19;
	v0 =	vld [tilespmem:s26+$0x400]  }
0x454: {  	[tilespmem:s22+$0x0] =	vst.add.f32.msk $0xffff, v1  }
0x455: {  	s22 =	sor.u32 $0x10C50, s20;
	v1 =	vld [tilespmem:s19+$0x1830]  }
0x456: {  	[tilespmem:s22+$0x0] =	vst.add.f32.msk $0xffff, v2  }
0x457: {  	s22 =	sor.u32 $0x10400, s26;
	v2 =	vld [tilespmem:s20+$0xC60]  }
0x458: {  	[tilespmem:s22+$0x0] =	vst.add.f32.msk $0xffff, v0  }
0x459: {  	s22 =	sor.u32 $0x11830, s19;
	v0 =	vld [tilespmem:s26+$0x410]  }
0x45a: {  	[tilespmem:s22+$0x0] =	vst.add.f32.msk $0xffff, v1  }
0x45b: {  	s22 =	sor.u32 $0x10C60, s20;
	v1 =	vld [tilespmem:s19+$0x1840]  }
0x45c: {  	[tilespmem:s22+$0x0] =	vst.add.f32.msk $0xffff, v2  }
0x45d: {  	s22 =	sor.u32 $0x10410, s26;
	v2 =	vld [tilespmem:s20+$0xC70]  }
0x45e: {  	[tilespmem:s22+$0x0] =	vst.add.f32.msk $0xffff, v0  }
0x45f: {  	s22 =	sor.u32 $0x11840, s19;
	v0 =	vld [tilespmem:s26+$0x420]  }
0x460: {  	[tilespmem:s22+$0x0] =	vst.add.f32.msk $0xffff, v1  }
0x461: {  	s22 =	sor.u32 $0x10C70, s20;
	v1 =	vld [tilespmem:s19+$0x1850]  }
0x462: {  	[tilespmem:s22+$0x0] =	vst.add.f32.msk $0xffff, v2  }
0x463: {  	s22 =	sor.u32 $0x10420, s26;
	v2 =	vld [tilespmem:s20+$0x1000]  }
0x464: {  	[tilespmem:s22+$0x0] =	vst.add.f32.msk $0xffff, v0  }
0x465: {  	s22 =	sor.u32 $0x11850, s19;
	v0 =	vld [tilespmem:s26+$0x430]  }
0x466: {  	[tilespmem:s22+$0x0] =	vst.add.f32.msk $0xffff, v1  }
0x467: {  	s22 =	sor.u32 $0x11000, s20;
	v1 =	vld [tilespmem:s19+$0x1860]  }
0x468: {  	[tilespmem:s22+$0x0] =	vst.add.f32.msk $0xffff, v2  }
0x469: {  	s22 =	sor.u32 $0x10430, s26;
	v2 =	vld [tilespmem:s20+$0x1010]  }
0x46a: {  	[tilespmem:s22+$0x0] =	vst.add.f32.msk $0xffff, v0  }
0x46b: {  	s22 =	sor.u32 $0x11860, s19;
	v0 =	vld [tilespmem:s26+$0x440]  }
0x46c: {  	[tilespmem:s22+$0x0] =	vst.add.f32.msk $0xffff, v1  }
0x46d: {  	s22 =	sor.u32 $0x11010, s20;
	v1 =	vld [tilespmem:s19+$0x1870]  }
0x46e: {  	s18 =	sadd.s32 $0x1, s18;
	[tilespmem:s22+$0x0] =	vst.add.f32.msk $0xffff, v2  }
0x46f: {  	s28 =	sand.u32 $0x7, s18;
	s22 =	sor.u32 $0x10440, s26;
	v2 =	vld [tilespmem:s20+$0x1020]  }
0x470: {  	s21 =	sadd.s32 $0x400, s21;
	[tilespmem:s22+$0x0] =	vst.add.f32.msk $0xffff, v0;
	s22 =	sshll.u32 s28, $0x7  }
0x471: {  	s28 =	sor.u32 $0x11870, s19;
	s19 =	smov.u32 s20;
	v0 =	vld [tilespmem:s26+$0x450];
	s22 =	sadd.s32 s22, s21  }
0x472: {  	s20 =	smov.u32 s26;
	[tilespmem:s28+$0x0] =	vst.add.f32.msk $0xffff, v1;
	s28 =	sor.u32 $0x1C00, s22  }
0x473: {  	s26 =	sor.u32 $0x11020, s19;
	v1 =	vld [tilespmem:s28+$0x0]  }
0x474: {  	[tilespmem:s26+$0x0] =	vst.add.f32.msk $0xffff, v2  }
0x475: {  	s26 =	sor.u32 $0x10450, s20;
	v2 =	vld [tilespmem:s19+$0x1030]  }
0x476: {  	[tilespmem:s26+$0x0] =	vst.add.f32.msk $0xffff, v0  }
0x477: {  	v0 =	vld [tilespmem:s20+$0x460]  }
0x478: {  	s26 =	sor.u32 $0x1C10, s22;
	[tilespmem:s28+$0x10000] =	vst.add.f32.msk $0xffff, v1  }
0x479: {  	s28 =	sor.u32 $0x11030, s19;
	v1 =	vld [tilespmem:s26+$0x0]  }
0x47a: {  	[tilespmem:s28+$0x0] =	vst.add.f32.msk $0xffff, v2  }
0x47b: {  	s28 =	sor.u32 $0x10460, s20;
	v2 =	vld [tilespmem:s19+$0x1040]  }
0x47c: {  	[tilespmem:s28+$0x0] =	vst.add.f32.msk $0xffff, v0  }
0x47d: {  	v0 =	vld [tilespmem:s20+$0x470]  }
0x47e: {  	[tilespmem:s26+$0x10000] =	vst.add.f32.msk $0xffff, v1;
	s26 =	sor.u32 $0x1C20, s22  }
0x47f: {  	s28 =	sor.u32 $0x11040, s19;
	v1 =	vld [tilespmem:s26+$0x0]  }
0x480: {  	[tilespmem:s28+$0x0] =	vst.add.f32.msk $0xffff, v2  }
0x481: {  	s28 =	sor.u32 $0x10470, s20;
	v2 =	vld [tilespmem:s19+$0x1050]  }
0x482: {  	[tilespmem:s28+$0x0] =	vst.add.f32.msk $0xffff, v0  }
0x483: {  	v0 =	vld [tilespmem:s20+$0x800]  }
0x484: {  	[tilespmem:s26+$0x10000] =	vst.add.f32.msk $0xffff, v1;
	s26 =	sor.u32 $0x1C30, s22  }
0x485: {  	s28 =	sor.u32 $0x11050, s19;
	v1 =	vld [tilespmem:s26+$0x0]  }
0x486: {  	[tilespmem:s28+$0x0] =	vst.add.f32.msk $0xffff, v2  }
0x487: {  	s28 =	sor.u32 $0x10800, s20;
	v2 =	vld [tilespmem:s19+$0x1060]  }
0x488: {  	[tilespmem:s28+$0x0] =	vst.add.f32.msk $0xffff, v0  }
0x489: {  	v0 =	vld [tilespmem:s20+$0x810]  }
0x48a: {  	[tilespmem:s26+$0x10000] =	vst.add.f32.msk $0xffff, v1;
	s26 =	sor.u32 $0x1C40, s22  }
0x48b: {  	s28 =	sor.u32 $0x11060, s19;
	v1 =	vld [tilespmem:s26+$0x0]  }
0x48c: {  	[tilespmem:s28+$0x0] =	vst.add.f32.msk $0xffff, v2  }
0x48d: {  	s28 =	sor.u32 $0x10810, s20;
	v2 =	vld [tilespmem:s19+$0x1070]  }
0x48e: {  	[tilespmem:s28+$0x0] =	vst.add.f32.msk $0xffff, v0  }
0x48f: {  	v0 =	vld [tilespmem:s20+$0x820]  }
0x490: {  	[tilespmem:s26+$0x10000] =	vst.add.f32.msk $0xffff, v1;
	s26 =	sor.u32 $0x1C50, s22  }
0x491: {  	s28 =	sor.u32 $0x11070, s19;
	v1 =	vld [tilespmem:s26+$0x0]  }
0x492: {  	[tilespmem:s28+$0x0] =	vst.add.f32.msk $0xffff, v2  }
0x493: {  	s28 =	sor.u32 $0x10820, s20;
	v2 =	vld [tilespmem:s19+$0x1400]  }
0x494: {  	[tilespmem:s28+$0x0] =	vst.add.f32.msk $0xffff, v0  }
0x495: {  	v0 =	vld [tilespmem:s20+$0x830]  }
0x496: {  	[tilespmem:s26+$0x10000] =	vst.add.f32.msk $0xffff, v1;
	s26 =	sor.u32 $0x1C60, s22  }
0x497: {  	s28 =	sor.u32 $0x11400, s19;
	v1 =	vld [tilespmem:s26+$0x0]  }
0x498: {  	[tilespmem:s28+$0x0] =	vst.add.f32.msk $0xffff, v2  }
0x499: {  	s28 =	sor.u32 $0x10830, s20;
	v2 =	vld [tilespmem:s19+$0x1410]  }
0x49a: {  	[tilespmem:s28+$0x0] =	vst.add.f32.msk $0xffff, v0  }
0x49b: {  	v3 =	vld [tilespmem:s20+$0x840]  }
.Ltmp1:
0x49c: {  	s22 =	sor.u32 $0x1C70, s22;
	[tilespmem:s26+$0x10000] =	vst.add.f32.msk $0xffff, v1;
	(pc) =	sbr.rel @p0 .LBB2_4-.Ltmp1, $4  }
0x49d: {  	s26 =	sor.u32 $0x11410, s19;
	v0 =	vld [tilespmem:s22+$0x0]  }
0x49e: {  	[tilespmem:s26+$0x0] =	vst.add.f32.msk $0xffff, v2  }
0x49f: {  	s23 =	sadd.s32 $0x400, s23;
	s28 =	sor.u32 $0x10840, s20;
	v1 =	vld [tilespmem:s19+$0x1420]  }
0x4a0: {  	s25 =	sadd.s32 $0x80, s25;
	s26 =	sadd.s32 $0x8000, s23;
	[tilespmem:s28+$0x0] =	vst.add.f32.msk $0xffff, v3  }
0x4a1: {  	s23 =	sand.u32 $0x6000, s26;
	s24 =	sand.u32 $0x380, s24  }
0x4a2: {  	s23 =	sor.u32 s24, s23  }
0x4a3: {  	v2 =	vld [tilespmem:s23+$0x0];
	_ =	sdelay $0x3  }
0x4a4: {  	s24 =	sor.u32 $0x10000, s23  }
0x4a5: {  	[tilespmem:s24+$0x0] =	vst.add.f32.msk $0xffff, v2  }
0x4a6: {  	v2 =	vld [tilespmem:s23+$0x10];
	_ =	sdelay $0x3  }
0x4a7: {  	s28 =	sor.u32 $0x10010, s23  }
0x4a8: {  	[tilespmem:s28+$0x0] =	vst.add.f32.msk $0xffff, v2  }
0x4a9: {  	v2 =	vld [tilespmem:s23+$0x20];
	_ =	sdelay $0x3  }
0x4aa: {  	s29 =	sor.u32 $0x10020, s23  }
0x4ab: {  	[tilespmem:s29+$0x0] =	vst.add.f32.msk $0xffff, v2  }
0x4ac: {  	v2 =	vld [tilespmem:s23+$0x30];
	_ =	sdelay $0x3  }
0x4ad: {  	s30 =	sor.u32 $0x10030, s23  }
0x4ae: {  	[tilespmem:s30+$0x0] =	vst.add.f32.msk $0xffff, v2  }
0x4af: {  	v2 =	vld [tilespmem:s23+$0x40];
	_ =	sdelay $0x3  }
0x4b0: {  	s31 =	sor.u32 $0x10040, s23  }
0x4b1: {  	[tilespmem:s31+$0x0] =	vst.add.f32.msk $0xffff, v2  }
0x4b2: {  	v2 =	vld [tilespmem:s23+$0x50];
	_ =	sdelay $0x3  }
0x4b3: {  	s25 =	sor.u32 $0x10050, s23  }
0x4b4: {  	[tilespmem:s25+$0x0] =	vst.add.f32.msk $0xffff, v2  }
0x4b5: {  	v2 =	vld [tilespmem:s23+$0x60];
	_ =	sdelay $0x3  }
0x4b6: {  	s26 =	sor.u32 $0x10060, s23  }
0x4b7: {  	[tilespmem:s26+$0x0] =	vst.add.f32.msk $0xffff, v2  }
0x4b8: {  	v2 =	vld [tilespmem:s23+$0x70];
	_ =	sdelay $0x3  }
0x4b9: {  	s28 =	sor.u32 $0x10070, s23  }
0x4ba: {  	[tilespmem:s28+$0x0] =	vst.add.f32.msk $0xffff, v2  }
0x4bb: {  	v2 =	vld [tilespmem:s23+$0x400];
	_ =	sdelay $0x3  }
0x4bc: {  	s29 =	sor.u32 $0x10400, s23  }
0x4bd: {  	[tilespmem:s29+$0x0] =	vst.add.f32.msk $0xffff, v2  }
0x4be: {  	v2 =	vld [tilespmem:s23+$0x410];
	_ =	sdelay $0x3  }
0x4bf: {  	s30 =	sor.u32 $0x10410, s23  }
0x4c0: {  	[tilespmem:s30+$0x0] =	vst.add.f32.msk $0xffff, v2  }
0x4c1: {  	v2 =	vld [tilespmem:s23+$0x420];
	_ =	sdelay $0x3  }
0x4c2: {  	s31 =	sor.u32 $0x10420, s23  }
0x4c3: {  	[tilespmem:s31+$0x0] =	vst.add.f32.msk $0xffff, v2  }
0x4c4: {  	v2 =	vld [tilespmem:s23+$0x430];
	_ =	sdelay $0x3  }
0x4c5: {  	s25 =	sor.u32 $0x10430, s23  }
0x4c6: {  	[tilespmem:s25+$0x0] =	vst.add.f32.msk $0xffff, v2  }
0x4c7: {  	v2 =	vld [tilespmem:s23+$0x440];
	_ =	sdelay $0x3  }
0x4c8: {  	s26 =	sor.u32 $0x10440, s23  }
0x4c9: {  	[tilespmem:s26+$0x0] =	vst.add.f32.msk $0xffff, v2  }
0x4ca: {  	v2 =	vld [tilespmem:s23+$0x450];
	_ =	sdelay $0x3  }
0x4cb: {  	s28 =	sor.u32 $0x10450, s23  }
0x4cc: {  	[tilespmem:s28+$0x0] =	vst.add.f32.msk $0xffff, v2  }
0x4cd: {  	v2 =	vld [tilespmem:s23+$0x460];
	_ =	sdelay $0x3  }
0x4ce: {  	s29 =	sor.u32 $0x10460, s23  }
0x4cf: {  	[tilespmem:s29+$0x0] =	vst.add.f32.msk $0xffff, v2  }
0x4d0: {  	v2 =	vld [tilespmem:s23+$0x470];
	_ =	sdelay $0x3  }
0x4d1: {  	s30 =	sor.u32 $0x10470, s23  }
0x4d2: {  	[tilespmem:s30+$0x0] =	vst.add.f32.msk $0xffff, v2  }
0x4d3: {  	v2 =	vld [tilespmem:s23+$0x800];
	_ =	sdelay $0x3  }
0x4d4: {  	s31 =	sor.u32 $0x10800, s23  }
0x4d5: {  	[tilespmem:s31+$0x0] =	vst.add.f32.msk $0xffff, v2  }
0x4d6: {  	v2 =	vld [tilespmem:s23+$0x810];
	_ =	sdelay $0x3  }
0x4d7: {  	s25 =	sor.u32 $0x10810, s23  }
0x4d8: {  	[tilespmem:s25+$0x0] =	vst.add.f32.msk $0xffff, v2  }
0x4d9: {  	v2 =	vld [tilespmem:s23+$0x820];
	_ =	sdelay $0x3  }
0x4da: {  	s26 =	sor.u32 $0x10820, s23  }
0x4db: {  	[tilespmem:s26+$0x0] =	vst.add.f32.msk $0xffff, v2  }
0x4dc: {  	v2 =	vld [tilespmem:s23+$0x830];
	_ =	sdelay $0x3  }
0x4dd: {  	s28 =	sor.u32 $0x10830, s23  }
0x4de: {  	[tilespmem:s28+$0x0] =	vst.add.f32.msk $0xffff, v2  }
0x4df: {  	v2 =	vld [tilespmem:s23+$0x840];
	_ =	sdelay $0x3  }
0x4e0: {  	v3 =	vld [tilespmem:s20+$0x850];
	s29 =	sor.u32 $0x10840, s23  }
0x4e1: {  	[tilespmem:s29+$0x0] =	vst.add.f32.msk $0xffff, v2  }
0x4e2: {  	v2 =	vld [tilespmem:s23+$0x850];
	_ =	sdelay $0x1  }
0x4e3: {  	s30 =	sor.u32 $0x10850, s20  }
0x4e4: {  	[tilespmem:s30+$0x0] =	vst.add.f32.msk $0xffff, v3  }
0x4e5: {  	v3 =	vld [tilespmem:s20+$0x860];
	s31 =	sor.u32 $0x10850, s23  }
0x4e6: {  	[tilespmem:s31+$0x0] =	vst.add.f32.msk $0xffff, v2  }
0x4e7: {  	v2 =	vld [tilespmem:s23+$0x860];
	_ =	sdelay $0x1  }
0x4e8: {  	s25 =	sor.u32 $0x10860, s20  }
0x4e9: {  	[tilespmem:s25+$0x0] =	vst.add.f32.msk $0xffff, v3  }
0x4ea: {  	v3 =	vld [tilespmem:s20+$0x870];
	s26 =	sor.u32 $0x10860, s23  }
0x4eb: {  	[tilespmem:s26+$0x0] =	vst.add.f32.msk $0xffff, v2  }
0x4ec: {  	v2 =	vld [tilespmem:s23+$0x870];
	_ =	sdelay $0x1  }
0x4ed: {  	s28 =	sor.u32 $0x10870, s20  }
0x4ee: {  	[tilespmem:s28+$0x0] =	vst.add.f32.msk $0xffff, v3  }
0x4ef: {  	v3 =	vld [tilespmem:s20+$0xC00];
	s29 =	sor.u32 $0x10870, s23  }
0x4f0: {  	[tilespmem:s29+$0x0] =	vst.add.f32.msk $0xffff, v2  }
0x4f1: {  	v2 =	vld [tilespmem:s23+$0xC00];
	_ =	sdelay $0x1  }
0x4f2: {  	s30 =	sor.u32 $0x10C00, s20  }
0x4f3: {  	[tilespmem:s30+$0x0] =	vst.add.f32.msk $0xffff, v3  }
0x4f4: {  	v3 =	vld [tilespmem:s20+$0xC10];
	s31 =	sor.u32 $0x10C00, s23  }
0x4f5: {  	[tilespmem:s31+$0x0] =	vst.add.f32.msk $0xffff, v2  }
0x4f6: {  	v2 =	vld [tilespmem:s23+$0xC10];
	_ =	sdelay $0x1  }
0x4f7: {  	s25 =	sor.u32 $0x10C10, s20  }
0x4f8: {  	[tilespmem:s25+$0x0] =	vst.add.f32.msk $0xffff, v3  }
0x4f9: {  	v3 =	vld [tilespmem:s20+$0xC20];
	s26 =	sor.u32 $0x10C10, s23  }
0x4fa: {  	[tilespmem:s26+$0x0] =	vst.add.f32.msk $0xffff, v2  }
0x4fb: {  	v2 =	vld [tilespmem:s23+$0xC20];
	_ =	sdelay $0x1  }
0x4fc: {  	s28 =	sor.u32 $0x10C20, s20  }
0x4fd: {  	[tilespmem:s28+$0x0] =	vst.add.f32.msk $0xffff, v3  }
0x4fe: {  	v3 =	vld [tilespmem:s20+$0xC30];
	s29 =	sor.u32 $0x10C20, s23  }
0x4ff: {  	[tilespmem:s29+$0x0] =	vst.add.f32.msk $0xffff, v2  }
0x500: {  	v2 =	vld [tilespmem:s23+$0xC30];
	_ =	sdelay $0x1  }
0x501: {  	s30 =	sor.u32 $0x10C30, s20  }
0x502: {  	[tilespmem:s30+$0x0] =	vst.add.f32.msk $0xffff, v3  }
0x503: {  	v3 =	vld [tilespmem:s20+$0xC40];
	s31 =	sor.u32 $0x10C30, s23  }
0x504: {  	[tilespmem:s31+$0x0] =	vst.add.f32.msk $0xffff, v2  }
0x505: {  	v2 =	vld [tilespmem:s23+$0xC40];
	_ =	sdelay $0x1  }
0x506: {  	s25 =	sor.u32 $0x10C40, s20  }
0x507: {  	[tilespmem:s25+$0x0] =	vst.add.f32.msk $0xffff, v3  }
0x508: {  	v3 =	vld [tilespmem:s20+$0xC50];
	s26 =	sor.u32 $0x10C40, s23  }
0x509: {  	[tilespmem:s26+$0x0] =	vst.add.f32.msk $0xffff, v2  }
0x50a: {  	v2 =	vld [tilespmem:s23+$0xC50];
	_ =	sdelay $0x1  }
0x50b: {  	s28 =	sor.u32 $0x10C50, s20  }
0x50c: {  	[tilespmem:s28+$0x0] =	vst.add.f32.msk $0xffff, v3  }
0x50d: {  	v3 =	vld [tilespmem:s20+$0xC60];
	s29 =	sor.u32 $0x10C50, s23  }
0x50e: {  	[tilespmem:s29+$0x0] =	vst.add.f32.msk $0xffff, v2  }
0x50f: {  	v2 =	vld [tilespmem:s23+$0xC60];
	_ =	sdelay $0x1  }
0x510: {  	s30 =	sor.u32 $0x10C60, s20  }
0x511: {  	[tilespmem:s30+$0x0] =	vst.add.f32.msk $0xffff, v3  }
0x512: {  	v3 =	vld [tilespmem:s20+$0xC70];
	s31 =	sor.u32 $0x10C60, s23  }
0x513: {  	[tilespmem:s31+$0x0] =	vst.add.f32.msk $0xffff, v2  }
0x514: {  	v2 =	vld [tilespmem:s23+$0xC70];
	_ =	sdelay $0x1  }
0x515: {  	s25 =	sor.u32 $0x10C70, s20  }
0x516: {  	[tilespmem:s25+$0x0] =	vst.add.f32.msk $0xffff, v3  }
0x517: {  	v3 =	vld [tilespmem:s20+$0x1000];
	s26 =	sor.u32 $0x10C70, s23  }
0x518: {  	[tilespmem:s26+$0x0] =	vst.add.f32.msk $0xffff, v2  }
0x519: {  	v2 =	vld [tilespmem:s23+$0x1000];
	_ =	sdelay $0x1  }
0x51a: {  	s28 =	sor.u32 $0x11000, s20  }
0x51b: {  	[tilespmem:s28+$0x0] =	vst.add.f32.msk $0xffff, v3  }
0x51c: {  	v3 =	vld [tilespmem:s20+$0x1010];
	s29 =	sor.u32 $0x11000, s23  }
0x51d: {  	[tilespmem:s29+$0x0] =	vst.add.f32.msk $0xffff, v2  }
0x51e: {  	v2 =	vld [tilespmem:s23+$0x1010];
	_ =	sdelay $0x1  }
0x51f: {  	s30 =	sor.u32 $0x11010, s20  }
0x520: {  	[tilespmem:s30+$0x0] =	vst.add.f32.msk $0xffff, v3  }
0x521: {  	v3 =	vld [tilespmem:s20+$0x1020];
	s31 =	sor.u32 $0x11010, s23  }
0x522: {  	[tilespmem:s31+$0x0] =	vst.add.f32.msk $0xffff, v2  }
0x523: {  	v2 =	vld [tilespmem:s23+$0x1020];
	_ =	sdelay $0x1  }
0x524: {  	s25 =	sor.u32 $0x11020, s20  }
0x525: {  	[tilespmem:s25+$0x0] =	vst.add.f32.msk $0xffff, v3  }
0x526: {  	v3 =	vld [tilespmem:s20+$0x1030];
	s26 =	sor.u32 $0x11020, s23  }
0x527: {  	[tilespmem:s26+$0x0] =	vst.add.f32.msk $0xffff, v2  }
0x528: {  	v2 =	vld [tilespmem:s23+$0x1030];
	_ =	sdelay $0x1  }
0x529: {  	s28 =	sor.u32 $0x11030, s20  }
0x52a: {  	[tilespmem:s28+$0x0] =	vst.add.f32.msk $0xffff, v3  }
0x52b: {  	v3 =	vld [tilespmem:s20+$0x1040];
	s29 =	sor.u32 $0x11030, s23  }
0x52c: {  	[tilespmem:s29+$0x0] =	vst.add.f32.msk $0xffff, v2  }
0x52d: {  	v2 =	vld [tilespmem:s23+$0x1040];
	_ =	sdelay $0x1  }
0x52e: {  	s30 =	sor.u32 $0x11040, s20  }
0x52f: {  	[tilespmem:s30+$0x0] =	vst.add.f32.msk $0xffff, v3  }
0x530: {  	v3 =	vld [tilespmem:s20+$0x1050];
	s31 =	sor.u32 $0x11040, s23  }
0x531: {  	[tilespmem:s31+$0x0] =	vst.add.f32.msk $0xffff, v2  }
0x532: {  	v2 =	vld [tilespmem:s23+$0x1050];
	_ =	sdelay $0x1  }
0x533: {  	s25 =	sor.u32 $0x11050, s20  }
0x534: {  	[tilespmem:s25+$0x0] =	vst.add.f32.msk $0xffff, v3  }
0x535: {  	v3 =	vld [tilespmem:s20+$0x1060];
	s26 =	sor.u32 $0x11050, s23  }
0x536: {  	[tilespmem:s26+$0x0] =	vst.add.f32.msk $0xffff, v2  }
0x537: {  	v2 =	vld [tilespmem:s23+$0x1060];
	_ =	sdelay $0x1  }
0x538: {  	s28 =	sor.u32 $0x11060, s20  }
0x539: {  	[tilespmem:s28+$0x0] =	vst.add.f32.msk $0xffff, v3  }
0x53a: {  	v3 =	vld [tilespmem:s20+$0x1070];
	s29 =	sor.u32 $0x11060, s23  }
0x53b: {  	[tilespmem:s29+$0x0] =	vst.add.f32.msk $0xffff, v2  }
0x53c: {  	v2 =	vld [tilespmem:s23+$0x1070];
	_ =	sdelay $0x1  }
0x53d: {  	s30 =	sor.u32 $0x11070, s20  }
0x53e: {  	[tilespmem:s30+$0x0] =	vst.add.f32.msk $0xffff, v3  }
0x53f: {  	v3 =	vld [tilespmem:s20+$0x1400];
	s31 =	sor.u32 $0x11070, s23  }
0x540: {  	[tilespmem:s31+$0x0] =	vst.add.f32.msk $0xffff, v2  }
0x541: {  	v2 =	vld [tilespmem:s23+$0x1400];
	_ =	sdelay $0x1  }
0x542: {  	s25 =	sor.u32 $0x11400, s20  }
0x543: {  	[tilespmem:s25+$0x0] =	vst.add.f32.msk $0xffff, v3  }
0x544: {  	v3 =	vld [tilespmem:s20+$0x1410];
	s26 =	sor.u32 $0x11400, s23  }
0x545: {  	[tilespmem:s26+$0x0] =	vst.add.f32.msk $0xffff, v2  }
0x546: {  	v2 =	vld [tilespmem:s23+$0x1410];
	_ =	sdelay $0x1  }
0x547: {  	s28 =	sor.u32 $0x11410, s20  }
0x548: {  	[tilespmem:s28+$0x0] =	vst.add.f32.msk $0xffff, v3  }
0x549: {  	v3 =	vld [tilespmem:s20+$0x1420];
	s29 =	sor.u32 $0x11410, s23  }
0x54a: {  	[tilespmem:s29+$0x0] =	vst.add.f32.msk $0xffff, v2  }
0x54b: {  	s30 =	sor.u32 $0x11420, s19;
	v2 =	vld [tilespmem:s23+$0x1420]  }
0x54c: {  	[tilespmem:s30+$0x0] =	vst.add.f32.msk $0xffff, v1  }
0x54d: {  	v1 =	vld [tilespmem:s19+$0x1430];
	s31 =	sor.u32 $0x11420, s20  }
0x54e: {  	[tilespmem:s31+$0x0] =	vst.add.f32.msk $0xffff, v3  }
0x54f: {  	s25 =	sor.u32 $0x11420, s23;
	v3 =	vld [tilespmem:s20+$0x1430]  }
0x550: {  	[tilespmem:s25+$0x0] =	vst.add.f32.msk $0xffff, v2  }
0x551: {  	s26 =	sor.u32 $0x11430, s19;
	v2 =	vld [tilespmem:s23+$0x1430]  }
0x552: {  	[tilespmem:s26+$0x0] =	vst.add.f32.msk $0xffff, v1  }
0x553: {  	s28 =	sor.u32 $0x11430, s20;
	v1 =	vld [tilespmem:s19+$0x1440]  }
0x554: {  	[tilespmem:s28+$0x0] =	vst.add.f32.msk $0xffff, v3  }
0x555: {  	v3 =	vld [tilespmem:s20+$0x1440];
	s29 =	sor.u32 $0x11430, s23  }
0x556: {  	[tilespmem:s29+$0x0] =	vst.add.f32.msk $0xffff, v2  }
0x557: {  	s30 =	sor.u32 $0x11440, s19;
	v2 =	vld [tilespmem:s23+$0x1440]  }
0x558: {  	[tilespmem:s30+$0x0] =	vst.add.f32.msk $0xffff, v1  }
0x559: {  	s31 =	sor.u32 $0x11440, s20;
	v1 =	vld [tilespmem:s19+$0x1450]  }
0x55a: {  	[tilespmem:s31+$0x0] =	vst.add.f32.msk $0xffff, v3  }
0x55b: {  	v3 =	vld [tilespmem:s20+$0x1450];
	s25 =	sor.u32 $0x11440, s23  }
0x55c: {  	[tilespmem:s25+$0x0] =	vst.add.f32.msk $0xffff, v2  }
0x55d: {  	s26 =	sor.u32 $0x11450, s19;
	v2 =	vld [tilespmem:s23+$0x1450]  }
0x55e: {  	[tilespmem:s26+$0x0] =	vst.add.f32.msk $0xffff, v1  }
0x55f: {  	s28 =	sor.u32 $0x11450, s20;
	v1 =	vld [tilespmem:s19+$0x1460]  }
0x560: {  	[tilespmem:s28+$0x0] =	vst.add.f32.msk $0xffff, v3  }
0x561: {  	v3 =	vld [tilespmem:s20+$0x1460];
	s29 =	sor.u32 $0x11450, s23  }
0x562: {  	[tilespmem:s29+$0x0] =	vst.add.f32.msk $0xffff, v2  }
0x563: {  	s30 =	sor.u32 $0x11460, s19;
	v2 =	vld [tilespmem:s23+$0x1460]  }
0x564: {  	[tilespmem:s30+$0x0] =	vst.add.f32.msk $0xffff, v1  }
0x565: {  	s31 =	sor.u32 $0x11460, s20;
	v1 =	vld [tilespmem:s19+$0x1470]  }
0x566: {  	[tilespmem:s31+$0x0] =	vst.add.f32.msk $0xffff, v3  }
0x567: {  	v3 =	vld [tilespmem:s20+$0x1470];
	s25 =	sor.u32 $0x11460, s23  }
0x568: {  	[tilespmem:s25+$0x0] =	vst.add.f32.msk $0xffff, v2  }
0x569: {  	s26 =	sor.u32 $0x11470, s19;
	v2 =	vld [tilespmem:s23+$0x1470]  }
0x56a: {  	[tilespmem:s26+$0x0] =	vst.add.f32.msk $0xffff, v1  }
0x56b: {  	s28 =	sor.u32 $0x11470, s20;
	v1 =	vld [tilespmem:s19+$0x1800]  }
0x56c: {  	[tilespmem:s28+$0x0] =	vst.add.f32.msk $0xffff, v3  }
0x56d: {  	v3 =	vld [tilespmem:s20+$0x1800];
	s29 =	sor.u32 $0x11470, s23  }
0x56e: {  	[tilespmem:s29+$0x0] =	vst.add.f32.msk $0xffff, v2  }
0x56f: {  	s30 =	sor.u32 $0x11800, s19;
	v2 =	vld [tilespmem:s23+$0x1800]  }
0x570: {  	[tilespmem:s30+$0x0] =	vst.add.f32.msk $0xffff, v1  }
0x571: {  	s31 =	sor.u32 $0x11800, s20;
	v1 =	vld [tilespmem:s19+$0x1810]  }
0x572: {  	[tilespmem:s31+$0x0] =	vst.add.f32.msk $0xffff, v3  }
0x573: {  	v3 =	vld [tilespmem:s20+$0x1810];
	s25 =	sor.u32 $0x11800, s23  }
0x574: {  	[tilespmem:s25+$0x0] =	vst.add.f32.msk $0xffff, v2  }
0x575: {  	s26 =	sor.u32 $0x11810, s19;
	v2 =	vld [tilespmem:s23+$0x1810]  }
0x576: {  	[tilespmem:s26+$0x0] =	vst.add.f32.msk $0xffff, v1  }
0x577: {  	s28 =	sor.u32 $0x11810, s20;
	v1 =	vld [tilespmem:s19+$0x1820]  }
0x578: {  	[tilespmem:s28+$0x0] =	vst.add.f32.msk $0xffff, v3  }
0x579: {  	v3 =	vld [tilespmem:s20+$0x1820];
	s29 =	sor.u32 $0x11810, s23  }
0x57a: {  	[tilespmem:s29+$0x0] =	vst.add.f32.msk $0xffff, v2  }
0x57b: {  	s30 =	sor.u32 $0x11820, s19;
	v2 =	vld [tilespmem:s23+$0x1820]  }
0x57c: {  	[tilespmem:s30+$0x0] =	vst.add.f32.msk $0xffff, v1  }
0x57d: {  	s31 =	sor.u32 $0x11820, s20;
	v1 =	vld [tilespmem:s19+$0x1830]  }
0x57e: {  	[tilespmem:s31+$0x0] =	vst.add.f32.msk $0xffff, v3  }
0x57f: {  	v3 =	vld [tilespmem:s20+$0x1830];
	s25 =	sor.u32 $0x11820, s23  }
0x580: {  	[tilespmem:s25+$0x0] =	vst.add.f32.msk $0xffff, v2  }
0x581: {  	s26 =	sor.u32 $0x11830, s19;
	v2 =	vld [tilespmem:s23+$0x1830]  }
0x582: {  	[tilespmem:s26+$0x0] =	vst.add.f32.msk $0xffff, v1  }
0x583: {  	s28 =	sor.u32 $0x11830, s20;
	v1 =	vld [tilespmem:s19+$0x1840]  }
0x584: {  	[tilespmem:s28+$0x0] =	vst.add.f32.msk $0xffff, v3  }
0x585: {  	v3 =	vld [tilespmem:s20+$0x1840];
	s29 =	sor.u32 $0x11830, s23  }
0x586: {  	[tilespmem:s29+$0x0] =	vst.add.f32.msk $0xffff, v2  }
0x587: {  	s30 =	sor.u32 $0x11840, s19;
	v2 =	vld [tilespmem:s23+$0x1840]  }
0x588: {  	[tilespmem:s30+$0x0] =	vst.add.f32.msk $0xffff, v1  }
0x589: {  	s31 =	sor.u32 $0x11840, s20;
	v1 =	vld [tilespmem:s19+$0x1850]  }
0x58a: {  	[tilespmem:s31+$0x0] =	vst.add.f32.msk $0xffff, v3  }
0x58b: {  	v3 =	vld [tilespmem:s20+$0x1850];
	s25 =	sor.u32 $0x11840, s23  }
0x58c: {  	[tilespmem:s25+$0x0] =	vst.add.f32.msk $0xffff, v2  }
0x58d: {  	s26 =	sor.u32 $0x11850, s19;
	v2 =	vld [tilespmem:s23+$0x1850]  }
0x58e: {  	[tilespmem:s26+$0x0] =	vst.add.f32.msk $0xffff, v1  }
0x58f: {  	s28 =	sor.u32 $0x11850, s20;
	v1 =	vld [tilespmem:s19+$0x1860]  }
0x590: {  	[tilespmem:s28+$0x0] =	vst.add.f32.msk $0xffff, v3  }
0x591: {  	v3 =	vld [tilespmem:s20+$0x1860];
	s29 =	sor.u32 $0x11850, s23  }
0x592: {  	[tilespmem:s29+$0x0] =	vst.add.f32.msk $0xffff, v2  }
0x593: {  	s30 =	sor.u32 $0x11860, s19;
	v2 =	vld [tilespmem:s23+$0x1860]  }
0x594: {  	[tilespmem:s30+$0x0] =	vst.add.f32.msk $0xffff, v1  }
0x595: {  	s26 =	sor.u32 $0x11860, s20;
	v1 =	vld [tilespmem:s19+$0x1870]  }
0x596: {  	s31 =	sadd.s32 $0x1, s18;
	[tilespmem:s26+$0x0] =	vst.add.f32.msk $0xffff, v3  }
0x597: {  	s21 =	sadd.s32 $0x400, s21;
	v3 =	vld [tilespmem:s20+$0x1870];
	s25 =	sand.u32 $0x7, s31;
	s29 =	sor.u32 $0x11860, s23  }
0x598: {  	s24 =	sadd.s32 $0x1, s31;
	s30 =	sor.u32 $0x11870, s19;
	s28 =	sshll.u32 s25, $0x7;
	[tilespmem:s29+$0x0] =	vst.add.f32.msk $0xffff, v2  }
0x599: {  	s31 =	sand.u32 $0x7, s24;
	s24 =	sadd.s32 $0x1, s24;
	s18 =	sadd.s32 s28, s21;
	v2 =	vld [tilespmem:s23+$0x1870]  }
0x59a: {  	[tilespmem:s30+$0x0] =	vst.add.f32.msk $0xffff, v1;
	s28 =	sshll.u32 s31, $0x7;
	s21 =	sadd.s32 $0x400, s21;
	s25 =	sor.u32 $0x1C00, s18  }
0x59b: {  	s24 =	sand.u32 $0x7, s24;
	s19 =	sadd.s32 s28, s21;
	v1 =	vld [tilespmem:s25+$0x0];
	s29 =	sor.u32 $0x11870, s20  }
0x59c: {  	s31 =	sshll.u32 s24, $0x7;
	s21 =	sadd.s32 $0x400, s21;
	s30 =	sor.u32 $0x1C00, s19;
	[tilespmem:s29+$0x0] =	vst.add.f32.msk $0xffff, v3  }
0x59d: {  	s20 =	sadd.s32 s31, s21;
	s23 =	sor.u32 $0x11870, s23;
	v3 =	vld [tilespmem:s30+$0x0]  }
0x59e: {  	s24 =	sor.u32 $0x1C00, s20;
	[tilespmem:s23+$0x0] =	vst.add.f32.msk $0xffff, v2  }
0x59f: {  	v2 =	vld [tilespmem:s24+$0x0]  }
0x5a0: {  	[tilespmem:s25+$0x10000] =	vst.add.f32.msk $0xffff, v1;
	s25 =	sor.u32 $0x1C10, s18  }
0x5a1: {  	v1 =	vld [tilespmem:s25+$0x0]  }
0x5a2: {  	s26 =	sor.u32 $0x1C10, s19;
	[tilespmem:s30+$0x10000] =	vst.add.f32.msk $0xffff, v3  }
0x5a3: {  	v3 =	vld [tilespmem:s26+$0x0]  }
0x5a4: {  	s28 =	sor.u32 $0x1C10, s20;
	[tilespmem:s24+$0x10000] =	vst.add.f32.msk $0xffff, v2  }
0x5a5: {  	v2 =	vld [tilespmem:s28+$0x0]  }
0x5a6: {  	s29 =	sor.u32 $0x1C20, s18;
	[tilespmem:s25+$0x10000] =	vst.add.f32.msk $0xffff, v1  }
0x5a7: {  	v1 =	vld [tilespmem:s29+$0x0]  }
0x5a8: {  	s30 =	sor.u32 $0x1C20, s19;
	[tilespmem:s26+$0x10000] =	vst.add.f32.msk $0xffff, v3  }
0x5a9: {  	v3 =	vld [tilespmem:s30+$0x0]  }
0x5aa: {  	s31 =	sor.u32 $0x1C20, s20;
	[tilespmem:s28+$0x10000] =	vst.add.f32.msk $0xffff, v2  }
0x5ab: {  	v2 =	vld [tilespmem:s31+$0x0]  }
0x5ac: {  	s25 =	sor.u32 $0x1C30, s18;
	[tilespmem:s29+$0x10000] =	vst.add.f32.msk $0xffff, v1  }
0x5ad: {  	v1 =	vld [tilespmem:s25+$0x0]  }
0x5ae: {  	s26 =	sor.u32 $0x1C30, s19;
	[tilespmem:s30+$0x10000] =	vst.add.f32.msk $0xffff, v3  }
0x5af: {  	v3 =	vld [tilespmem:s26+$0x0]  }
0x5b0: {  	s28 =	sor.u32 $0x1C30, s20;
	[tilespmem:s31+$0x10000] =	vst.add.f32.msk $0xffff, v2  }
0x5b1: {  	v2 =	vld [tilespmem:s28+$0x0]  }
0x5b2: {  	s29 =	sor.u32 $0x1C40, s18;
	[tilespmem:s25+$0x10000] =	vst.add.f32.msk $0xffff, v1  }
0x5b3: {  	v1 =	vld [tilespmem:s29+$0x0]  }
0x5b4: {  	s30 =	sor.u32 $0x1C40, s19;
	[tilespmem:s26+$0x10000] =	vst.add.f32.msk $0xffff, v3  }
0x5b5: {  	v3 =	vld [tilespmem:s30+$0x0]  }
0x5b6: {  	s31 =	sor.u32 $0x1C40, s20;
	[tilespmem:s28+$0x10000] =	vst.add.f32.msk $0xffff, v2  }
0x5b7: {  	v2 =	vld [tilespmem:s31+$0x0]  }
0x5b8: {  	s25 =	sor.u32 $0x1C50, s18;
	[tilespmem:s29+$0x10000] =	vst.add.f32.msk $0xffff, v1  }
0x5b9: {  	v1 =	vld [tilespmem:s25+$0x0]  }
0x5ba: {  	s26 =	sor.u32 $0x1C50, s19;
	[tilespmem:s30+$0x10000] =	vst.add.f32.msk $0xffff, v3  }
0x5bb: {  	v3 =	vld [tilespmem:s26+$0x0]  }
0x5bc: {  	s28 =	sor.u32 $0x1C50, s20;
	[tilespmem:s31+$0x10000] =	vst.add.f32.msk $0xffff, v2  }
0x5bd: {  	v2 =	vld [tilespmem:s28+$0x0]  }
0x5be: {  	s29 =	sor.u32 $0x1C60, s18;
	[tilespmem:s25+$0x10000] =	vst.add.f32.msk $0xffff, v1  }
0x5bf: {  	v1 =	vld [tilespmem:s29+$0x0]  }
0x5c0: {  	s30 =	sor.u32 $0x1C60, s19;
	[tilespmem:s26+$0x10000] =	vst.add.f32.msk $0xffff, v3  }
0x5c1: {  	v3 =	vld [tilespmem:s30+$0x0]  }
0x5c2: {  	s31 =	sor.u32 $0x1C60, s20;
	[tilespmem:s28+$0x10000] =	vst.add.f32.msk $0xffff, v2  }
0x5c3: {  	v2 =	vld [tilespmem:s31+$0x0]  }
0x5c4: {  	s18 =	sor.u32 $0x1C70, s18;
	[tilespmem:s29+$0x10000] =	vst.add.f32.msk $0xffff, v1  }
0x5c5: {  	v1 =	vld [tilespmem:s18+$0x0]  }
0x5c6: {  	s19 =	sor.u32 $0x1C70, s19;
	[tilespmem:s30+$0x10000] =	vst.add.f32.msk $0xffff, v3  }
0x5c7: {  	v3 =	vld [tilespmem:s19+$0x0]  }
0x5c8: {  	s20 =	sor.u32 $0x1C70, s20;
	[tilespmem:s31+$0x10000] =	vst.add.f32.msk $0xffff, v2  }
0x5c9: {  	v2 =	vld [tilespmem:s20+$0x0];
	_ =	sdelay $0x1  }
0x5ca: {  	[tilespmem:s22+$0x10000] =	vst.add.f32.msk $0xffff, v0  }
0x5cb: {  	[tilespmem:s18+$0x10000] =	vst.add.f32.msk $0xffff, v1  }
0x5cc: {  	[tilespmem:s19+$0x10000] =	vst.add.f32.msk $0xffff, v3  }
0x5cd: {  	s17 =	sadd.s32 $0x1, s17;
	[tilespmem:s20+$0x10000] =	vst.add.f32.msk $0xffff, v2  }
0x5ce: {  	[hbm4b:s8+s2] =	stream.linear.scatter [tilespmem:s13], [sflag:$0x4], $0x8000, $0x38;
	[tilespmem:$0x18000] =	vst v63  }
0x5cf: {  	p0 =	sne.s32 s17, s9;
	_ =	swait.ge [sflag:s15], $0x8000  }
.Ltmp2:
0x5d0: {  	[sflag:s15] =	ssyncset.done $0x0;
	(pc) =	sbr.rel @p0 .LBB2_1-.Ltmp2, $4  }
0x5d1: {  	[sflag:s15] =	ssyncadd.s32 $0xFFFF8000  }
0x5d2: {  	_ =	swait.ge [sflag:s16], $0x8000  }
0x5d3: {  	[sflag:s16] =	ssyncset.done $0x0  }
0x5d4: {  	[sflag:s16] =	ssyncadd.s32 $0xFFFF8000  }
0x5d5: {  	_ =	sfence.sel $0x180000  }
0x5d6: {  	[bflag:$0x0] =	sbarrier.arrive $0xFFFF  }
0x5d7: {  	p0 =	sne.s32 s1, $0x0;
	_ =	strace $0x90000047  }
0x5d8: {  	s0 =	sadd.s32 @!p0 $0x100000, s0;
	[bflag:$0x2] =	sbarrier.arrive $0xFFFF  }
0x5d9: {  	[sflag:s0] =	ssyncadd.tile.s32 @!p0 $0x1;
	_ =	shalt  }
.Lfunc_end2:
_tile_overlayer_lowered:
.L_overlay_start_2:
0x5da: {  	(tag) =	ssettag $0x2  }
0x5db: {  	s0 =	rddreg [dreg:$0x0];
	s2 =	stileid.u32  }
0x5dc: {  	s1 =	rddreg [dreg:$0x1];
	p0 =	sne.s32 s2, $0x0  }
0x5dd: {  	s3 =	rddreg [dreg:$0x2];
	[bflag:$0x3] =	sbarrier.arrive $0xFFFF;
	s2 =	simm.s32 @!p0 $0x1C05  }
0x5de: {  	[timem:s3], [sflag:s2] =	dma.local @!p0 [hbm:s0], s1  }
0x5df: {  	s0 =	simm.s32 @!p0 $0x5  }
0x5e0: {  	_ =	swait.ge @!p0 [sflag:s0], s1  }
0x5e1: {  	s1 =	ssub.s32 @!p0 $0x0, s1;
	[sflag:s0] =	ssyncset.done @!p0 $0x0  }
0x5e2: {  	[sflag:s0] =	ssyncadd.s32 @!p0 s1  }
0x5e3: {  	[bflag:$0x3] =	sbarrier.arrive $0xFFFF  }
0x5e4: {  	_ =	shalt  }

</sc_bundles>
